<compile_context>
chip_gen: v7x
topology: tpu7x:2x2x1
jax: 0.10.2.dev20260603
libtpu: 0.0.44.dev20260713+nightly
codegen_flags: <defaults>
</compile_context>

<pallas_src>
import functools

import jax
import jax.numpy as jnp
from jax import lax
from jax.experimental import pallas as pl
from jax.experimental.pallas import tpu as pltpu
from jax.experimental.pallas import tpu_sc as plsc

N = 10000
E = 320000
DF = 128
NCLS = 10
NG = 64
DP = 16

NC = 2
NS = 16
NW = NC * NS
C = 80
EPT = E // NW
CPT = EPT // C
RPT = 624
RTAIL = N - RPT * NS
NR = 10240
OPT = NR // NS

_HI = jax.lax.Precision.HIGHEST


@functools.lru_cache(maxsize=None)
def _make_scatter(D):
    mesh = plsc.VectorSubcoreMesh(core_axis_name="c", subcore_axis_name="s")

    @functools.partial(
        pl.kernel,
        out_type=jax.ShapeDtypeStruct((NC, NR, D), jnp.float32),
        mesh=mesh,
        compiler_params=pltpu.CompilerParams(needs_layout_passes=False),
        scratch_types=[
            pltpu.VMEM((EPT,), jnp.int32),
            pltpu.VMEM((EPT,), jnp.int32),
            pltpu.VMEM((C, D), jnp.float32),
            pltpu.VMEM((C, D), jnp.float32),
            pltpu.VMEM((C, D), jnp.float32),
            pltpu.VMEM_SHARED((N, D), jnp.float32),
            pltpu.SemaphoreType.DMA,
            pltpu.SemaphoreType.DMA,
            pltpu.SemaphoreType.DMA,
        ],
    )
    def scat(g_hbm, src_hbm, dst_hbm, zeros_hbm, out_hbm, srcv, dstv,
             rows0, rows1, rows2, acc, sem0, sem1, sem2):
        cid = lax.axis_index("c")
        sid = lax.axis_index("s")
        wid = cid * NS + sid
        pltpu.sync_copy(zeros_hbm.at[pl.ds(sid * RPT, RPT)],
                        acc.at[pl.ds(sid * RPT, RPT)])

        @pl.when(sid == NS - 1)
        def _():
            pltpu.sync_copy(zeros_hbm.at[pl.ds(NS * RPT, RTAIL)],
                            acc.at[pl.ds(NS * RPT, RTAIL)])

        pltpu.sync_copy(src_hbm.at[pl.ds(wid * EPT, EPT)], srcv)
        pltpu.sync_copy(dst_hbm.at[pl.ds(wid * EPT, EPT)], dstv)
        plsc.subcore_barrier()

        def sidx(j):
            return srcv.at[pl.ds(pl.multiple_of(j * C, C), C)]

        def didx(j):
            return dstv.at[pl.ds(pl.multiple_of(j * C, C), C)]

        pltpu.async_copy(g_hbm.at[sidx(0)], rows0, sem0)
        pltpu.async_copy(g_hbm.at[sidx(1)], rows1, sem1)

        def body(t, carry):
            a = 3 * t
            pltpu.make_async_copy(g_hbm.at[sidx(a)], rows0, sem0).wait()
            pltpu.async_copy(g_hbm.at[sidx(a + 2)], rows2, sem2)
            pltpu.sync_copy(rows0, acc.at[didx(a)], add=True)
            pltpu.make_async_copy(g_hbm.at[sidx(a + 1)], rows1, sem1).wait()
            pltpu.async_copy(g_hbm.at[sidx(a + 3)], rows0, sem0)
            pltpu.sync_copy(rows1, acc.at[didx(a + 1)], add=True)
            pltpu.make_async_copy(g_hbm.at[sidx(a + 2)], rows2, sem2).wait()
            pltpu.async_copy(g_hbm.at[sidx(a + 4)], rows1, sem1)
            pltpu.sync_copy(rows2, acc.at[didx(a + 2)], add=True)
            return carry

        lax.fori_loop(0, (CPT - 2) // 3, body, 0)
        pltpu.make_async_copy(g_hbm.at[sidx(CPT - 2)], rows0, sem0).wait()
        pltpu.sync_copy(rows0, acc.at[didx(CPT - 2)], add=True)
        pltpu.make_async_copy(g_hbm.at[sidx(CPT - 1)], rows1, sem1).wait()
        pltpu.sync_copy(rows1, acc.at[didx(CPT - 1)], add=True)
        plsc.subcore_barrier()

        @pl.when(sid < NS - 1)
        def _():
            pltpu.sync_copy(acc.at[pl.ds(sid * OPT, OPT)],
                            out_hbm.at[cid, pl.ds(sid * OPT, OPT)])

        @pl.when(sid == NS - 1)
        def _():
            pltpu.sync_copy(acc.at[pl.ds((NS - 1) * OPT, N - (NS - 1) * OPT)],
                            out_hbm.at[cid, pl.ds((NS - 1) * OPT, N - (NS - 1) * OPT)])
            pltpu.sync_copy(zeros_hbm.at[pl.ds(0, NR - N)],
                            out_hbm.at[cid, pl.ds(N, NR - N)])

    return scat


def _scat(*args):
    return _make_scatter(DF)(*args)


@functools.lru_cache(maxsize=None)
def _make_deg():
    mesh = plsc.VectorSubcoreMesh(core_axis_name="c", subcore_axis_name="s")

    @functools.partial(
        pl.kernel,
        out_type=jax.ShapeDtypeStruct((NW, NR), jnp.float32),
        mesh=mesh,
        compiler_params=pltpu.CompilerParams(needs_layout_passes=False),
        scratch_types=[
            pltpu.VMEM((EPT,), jnp.int32),
            pltpu.VMEM((NR,), jnp.float32),
        ],
    )
    def degk(dst_hbm, zeros_hbm, out_hbm, dstv, degloc):
        cid = lax.axis_index("c")
        sid = lax.axis_index("s")
        wid = cid * NS + sid
        pltpu.sync_copy(zeros_hbm, degloc)
        pltpu.sync_copy(dst_hbm.at[pl.ds(wid * EPT, EPT)], dstv)

        def body(i, carry):
            idx = dstv[pl.ds(i * 16, 16)]
            plsc.addupdate_scatter(degloc, [idx], jnp.ones((16,), jnp.float32))
            return carry

        lax.fori_loop(0, EPT // 16, body, 0)
        pltpu.sync_copy(degloc, out_hbm.at[wid])

    return degk


BLK = 2048


def _tcA_body(x_ref, w_ref, degp_ref, g_ref, dis_ref):
    ones_col = jnp.ones((NW, 1), jnp.float32)
    deg = lax.dot_general(degp_ref[...], ones_col, (((0,), (0,)), ((), ())),
                          precision=_HI, preferred_element_type=jnp.float32)
    dis = lax.rsqrt(deg + 1.0)
    h = jnp.dot(x_ref[...], w_ref[...], preferred_element_type=jnp.float32,
                precision=_HI)
    g_ref[...] = h * dis
    dis_ref[...] = dis


def _tcA(x, W1, degp):
    return pl.pallas_call(
        _tcA_body,
        grid=(NR // BLK,),
        in_specs=[
            pl.BlockSpec((BLK, DF), lambda i: (i, 0)),
            pl.BlockSpec((DF, DF), lambda i: (0, 0)),
            pl.BlockSpec((NW, BLK), lambda i: (0, i)),
        ],
        out_specs=[
            pl.BlockSpec((BLK, DF), lambda i: (i, 0)),
            pl.BlockSpec((BLK, 1), lambda i: (i, 0)),
        ],
        out_shape=[
            jax.ShapeDtypeStruct((NR, DF), jnp.float32),
            jax.ShapeDtypeStruct((NR, 1), jnp.float32),
        ],
    )(x, W1, degp)


def _tcB_body(sp_ref, g_ref, dis_ref, b_ref, w_ref, out_ref):
    dis = dis_ref[...]
    pre = dis * (sp_ref[0] + sp_ref[1] + g_ref[...]) + b_ref[...]
    h = jnp.maximum(pre, 0.0)
    out_ref[...] = dis * jnp.dot(h, w_ref[...], preferred_element_type=jnp.float32,
                                 precision=_HI)


def _tcB(sp, g, dis, b2d, W):
    return pl.pallas_call(
        _tcB_body,
        grid=(NR // BLK,),
        in_specs=[
            pl.BlockSpec((NC, BLK, DF), lambda i: (0, i, 0)),
            pl.BlockSpec((BLK, DF), lambda i: (i, 0)),
            pl.BlockSpec((BLK, 1), lambda i: (i, 0)),
            pl.BlockSpec((1, DF), lambda i: (0, 0)),
            pl.BlockSpec((DF, DF), lambda i: (0, 0)),
        ],
        out_specs=pl.BlockSpec((BLK, DF), lambda i: (i, 0)),
        out_shape=jax.ShapeDtypeStruct((NR, DF), jnp.float32),
    )(sp, g, dis, b2d, W)


def _tcC_body(sp_ref, g_ref, dis_ref, b_ref, out_ref):
    dis = dis_ref[...]
    pre = dis * (sp_ref[0] + sp_ref[1] + g_ref[...]) + b_ref[...]
    out_ref[...] = dis * jnp.maximum(pre, 0.0)


def _tcC(sp, g, dis, b2d):
    return pl.pallas_call(
        _tcC_body,
        grid=(NR // BLK,),
        in_specs=[
            pl.BlockSpec((NC, BLK, DF), lambda i: (0, i, 0)),
            pl.BlockSpec((BLK, DF), lambda i: (i, 0)),
            pl.BlockSpec((BLK, 1), lambda i: (i, 0)),
            pl.BlockSpec((1, DF), lambda i: (0, 0)),
        ],
        out_specs=pl.BlockSpec((BLK, DF), lambda i: (i, 0)),
        out_shape=jax.ShapeDtypeStruct((NR, DF), jnp.float32),
    )(sp, g, dis, b2d)


def _tcD_body(sp_ref, u_ref, dis_ref, w_ref, b_ref, batch_ref, out_ref):
    t = sp_ref[0] + sp_ref[1] + u_ref[...]
    h = dis_ref[...] * jnp.dot(t, w_ref[...], preferred_element_type=jnp.float32,
                               precision=_HI) + b_ref[...]
    ids = lax.broadcasted_iota(jnp.int32, (NG, NR), 0)
    m = (ids == batch_ref[...]).astype(jnp.float32)
    sums = jnp.dot(m, h, preferred_element_type=jnp.float32, precision=_HI)
    counts = jnp.sum(m, axis=1, keepdims=True)
    pooled = sums / jnp.maximum(counts, 1.0)
    logits = pooled[:, :NCLS]
    mx = jnp.max(logits, axis=1, keepdims=True)
    s = logits - mx
    lse = jnp.log(jnp.sum(jnp.exp(s), axis=1, keepdims=True))
    out_ref[...] = s - lse


def _tcD(sp, u, dis, W3p, b2d, batch2d):
    return pl.pallas_call(
        _tcD_body,
        in_specs=[
            pl.BlockSpec((NC, NR, DF), lambda: (0, 0, 0)),
            pl.BlockSpec((NR, DF), lambda: (0, 0)),
            pl.BlockSpec((NR, 1), lambda: (0, 0)),
            pl.BlockSpec((DF, DP), lambda: (0, 0)),
            pl.BlockSpec((1, DP), lambda: (0, 0)),
            pl.BlockSpec((1, NR), lambda: (0, 0)),
        ],
        out_specs=pl.BlockSpec((NG, NCLS), lambda: (0, 0)),
        out_shape=jax.ShapeDtypeStruct((NG, NCLS), jnp.float32),
    )(sp, u, dis, W3p, b2d, batch2d)


def kernel(x, edge_index, batch, W1, b1, W2, b2, W3, b3):
    src3 = edge_index[0]
    dst3 = edge_index[1]
    z128 = jnp.zeros((N, DF), jnp.float32)
    xp = jnp.pad(x, ((0, NR - N), (0, 0)))
    batchp = jnp.pad(batch, (0, NR - N), constant_values=-1).reshape(1, NR)

    degp = _make_deg()(edge_index[1], jnp.zeros((NR,), jnp.float32))
    g1, dis = _tcA(xp, W1, degp)
    s1 = _scat(g1, src3, dst3, z128)
    g2 = _tcB(s1, g1, dis, b1.reshape(1, DF), W2)
    s2 = _scat(g2, src3, dst3, z128)
    u = _tcC(s2, g2, dis, b2.reshape(1, DF))
    s3 = _scat(u, src3, dst3, z128)
    W3p = jnp.zeros((DF, DP), jnp.float32).at[:, :NCLS].set(W3)
    b3p = jnp.zeros((1, DP), jnp.float32).at[:, :NCLS].set(b3.reshape(1, NCLS))
    return _tcD(s3, u, dis, W3p, b3p, batchp)

# --- scband reference (transcript-rebuilt; emitter-appended) ---
"""Pipeline reference for scband-gcnclassifier-30751965839771 (READ-ONLY COPY).

The authoritative reference and input builder live on the scoring server;
editing this copy changes nothing except your own understanding.
"""

import jax, jax.numpy as jnp
import numpy as np

N_NODES = 10000
N_EDGES = 320000
D_FEAT = 128
HIDDEN = 128
NUM_CLASSES = 10
NUM_GRAPHS = 64


def setup_inputs(seed: int = 0) -> dict:
    key = jax.random.key(seed)
    ks = jax.random.split(key, 10)
    x = jax.random.normal(ks[0], (N_NODES, D_FEAT), dtype=jnp.float32)
    edge_index = jax.random.randint(ks[1], (2, N_EDGES), 0, N_NODES, dtype=jnp.int32)
    batch = jnp.sort(jax.random.randint(ks[2], (N_NODES,), 0, NUM_GRAPHS, dtype=jnp.int32))
    s1 = 1.0 / np.sqrt(D_FEAT)
    s2 = 1.0 / np.sqrt(HIDDEN)
    W1 = jax.random.uniform(ks[3], (D_FEAT, HIDDEN), jnp.float32, -s1, s1)
    b1 = jnp.zeros((HIDDEN,), jnp.float32)
    W2 = jax.random.uniform(ks[4], (HIDDEN, HIDDEN), jnp.float32, -s2, s2)
    b2 = jnp.zeros((HIDDEN,), jnp.float32)
    W3 = jax.random.uniform(ks[5], (HIDDEN, NUM_CLASSES), jnp.float32, -s2, s2)
    b3 = jnp.zeros((NUM_CLASSES,), jnp.float32)
    return {"x": x, "edge_index": edge_index, "batch": batch,
            "W1": W1, "b1": b1, "W2": W2, "b2": b2, "W3": W3, "b3": b3}


def _gcn_conv(x, src, dst, deg_inv_sqrt, W, b):
    h = x @ W
    norm = deg_inv_sqrt[src] * deg_inv_sqrt[dst]
    msg = h[src] * norm[:, None]
    out = jnp.zeros((x.shape[0], h.shape[1]), h.dtype).at[dst].add(msg)
    return out + b


def reference(x, edge_index, batch, W1, b1, W2, b2, W3, b3):
    n = x.shape[0]
    loop = jnp.arange(n, dtype=edge_index.dtype)
    src = jnp.concatenate([edge_index[0], loop])
    dst = jnp.concatenate([edge_index[1], loop])
    deg = jnp.zeros((n,), jnp.float32).at[dst].add(1.0)
    deg_inv_sqrt = jnp.where(deg > 0, jax.lax.rsqrt(deg), 0.0)

    h = _gcn_conv(x, src, dst, deg_inv_sqrt, W1, b1)
    h = jax.nn.relu(h)
    # dropout is identity in eval mode
    h = _gcn_conv(h, src, dst, deg_inv_sqrt, W2, b2)
    h = jax.nn.relu(h)
    h = _gcn_conv(h, src, dst, deg_inv_sqrt, W3, b3)

    # global_mean_pool over batch segment ids
    sums = jnp.zeros((NUM_GRAPHS, h.shape[1]), h.dtype).at[batch].add(h)
    counts = jnp.zeros((NUM_GRAPHS,), jnp.float32).at[batch].add(1.0)
    pooled = sums / jnp.maximum(counts, 1.0)[:, None]

    return jax.nn.log_softmax(pooled, axis=1)

if __name__ == "__main__":
    import jax
    _d = setup_inputs()
    print(jax.jit(kernel)(*tuple(_d.values())))

</pallas_src>

<mosaic_0001>
#map = affine_map<(d0, d1) -> (0, 0)>
#map1 = affine_map<(d0, d1) -> (0)>
#map2 = affine_map<(d0, d1) -> (0, 0, 0)>
module attributes {stable_mosaic.version = 14 : i64} {
  func.func @scat(%arg0: i32, %arg1: i32, %arg2: memref<10240x128xf32, #tpu.memory_space<hbm>>, %arg3: memref<320000xi32, #tpu.memory_space<hbm>>, %arg4: memref<320000xi32, #tpu.memory_space<hbm>>, %arg5: memref<10000x128xf32, #tpu.memory_space<hbm>>, %arg6: memref<2x10240x128xf32, #tpu.memory_space<hbm>>, %arg7: memref<10000xi32, #tpu.memory_space<vmem>>, %arg8: memref<10000xi32, #tpu.memory_space<vmem>>, %arg9: memref<80x128xf32, #tpu.memory_space<vmem>>, %arg10: memref<80x128xf32, #tpu.memory_space<vmem>>, %arg11: memref<80x128xf32, #tpu.memory_space<vmem>>, %arg12: memref<10000x128xf32, #tpu.memory_space<vmem_shared>>, %arg13: memref<!tpu.dma_semaphore, #tpu.memory_space<semaphore_mem>>, %arg14: memref<!tpu.dma_semaphore, #tpu.memory_space<semaphore_mem>>, %arg15: memref<!tpu.dma_semaphore, #tpu.memory_space<semaphore_mem>>) attributes {dimension_semantics = [#tpu.dimension_semantics<core_parallel>, #tpu.dimension_semantics<subcore_parallel>], iteration_bounds = array<i64: 2, 16>, scalar_prefetch = 0 : i64, scratch_operands = 9 : i64, tpu.core_type = #tpu.core_type<sc_vector_subcore>, window_params = [{transform_indices = #map}, {transform_indices = #map1}, {transform_indices = #map1}, {transform_indices = #map}, {transform_indices = #map2}]} {
    %mul3A = arith.constant 16 : i32
    %mul3A_0 = arith.muli %arg0, %mul3A : i32
    %add3A = arith.addi %mul3A_0, %arg1 : i32
    %mul3A_1 = arith.constant 624 : i32
    %mul3A_2 = arith.muli %arg1, %mul3A_1 : i32
    %mul3A_3 = arith.constant 624 : i32
    %mul3A_4 = arith.muli %arg1, %mul3A_3 : i32
    "tpu.region"() ({
      %run_scoped3A = tpu.sem_alloc : memref<!tpu.dma_semaphore, #tpu.memory_space<semaphore_mem>>
      %dma_start3A_51 = arith.constant 0 : i32
      %dma_start3A_52 = tpu.memref_slice %arg12[%mul3A_4, %dma_start3A_51] : memref<10000x128xf32, #tpu.memory_space<vmem_shared>> -> memref<624x128xf32, #tpu.memory_space<vmem_shared>>
      %dma_start3A_53 = arith.constant 0 : i32
      %dma_start3A_54 = tpu.memref_slice %arg5[%mul3A_2, %dma_start3A_53] : memref<10000x128xf32, #tpu.memory_space<hbm>> -> memref<624x128xf32, #tpu.memory_space<hbm>>
      tpu.enqueue_dma source(%dma_start3A_54 : memref<624x128xf32, #tpu.memory_space<hbm>>) target(%dma_start3A_52 : memref<624x128xf32, #tpu.memory_space<vmem_shared>>) target_semaphore(%run_scoped3A : memref<!tpu.dma_semaphore, #tpu.memory_space<semaphore_mem>>)
      %dma_wait3A_55 = arith.constant 0 : i32
      %dma_wait3A_56 = tpu.memref_slice %arg12[%mul3A_4, %dma_wait3A_55] : memref<10000x128xf32, #tpu.memory_space<vmem_shared>> -> memref<624x128xf32, #tpu.memory_space<vmem_shared>>
      %dma_wait3A_57 = arith.constant 0 : i32
      %dma_wait3A_58 = tpu.memref_slice %arg5[%mul3A_2, %dma_wait3A_57] : memref<10000x128xf32, #tpu.memory_space<hbm>> -> memref<624x128xf32, #tpu.memory_space<hbm>>
      tpu.wait_dma2 semaphore(%run_scoped3A : memref<!tpu.dma_semaphore, #tpu.memory_space<semaphore_mem>>) src(%dma_wait3A_58 : memref<624x128xf32, #tpu.memory_space<hbm>>) dst(%dma_wait3A_56 : memref<624x128xf32, #tpu.memory_space<vmem_shared>>)
      tpu.yield
    }) : () -> ()
    %eq3A = arith.constant 15 : i32
    %eq3A_5 = arith.cmpi eq, %arg1, %eq3A : i32
    %convert_element_type3A = arith.extui %eq3A_5 : i1 to i32
    %cond3A = arith.constant 0 : i32
    %cond3A_6 = arith.cmpi ne, %convert_element_type3A, %cond3A : i32
    scf.if %cond3A_6 {
      "tpu.region"() ({
        %run_scoped3A = tpu.sem_alloc : memref<!tpu.dma_semaphore, #tpu.memory_space<semaphore_mem>>
        %dma_start3A_51 = arith.constant 9984 : i32
        %dma_start3A_52 = arith.constant 0 : i32
        %dma_start3A_53 = tpu.memref_slice %arg12[%dma_start3A_51, %dma_start3A_52] : memref<10000x128xf32, #tpu.memory_space<vmem_shared>> -> memref<16x128xf32, #tpu.memory_space<vmem_shared>>
        %dma_start3A_54 = arith.constant 9984 : i32
        %dma_start3A_55 = arith.constant 0 : i32
        %dma_start3A_56 = tpu.memref_slice %arg5[%dma_start3A_54, %dma_start3A_55] : memref<10000x128xf32, #tpu.memory_space<hbm>> -> memref<16x128xf32, #tpu.memory_space<hbm>>
        tpu.enqueue_dma source(%dma_start3A_56 : memref<16x128xf32, #tpu.memory_space<hbm>>) target(%dma_start3A_53 : memref<16x128xf32, #tpu.memory_space<vmem_shared>>) target_semaphore(%run_scoped3A : memref<!tpu.dma_semaphore, #tpu.memory_space<semaphore_mem>>)
        %dma_wait3A_57 = arith.constant 9984 : i32
        %dma_wait3A_58 = arith.constant 0 : i32
        %dma_wait3A_59 = tpu.memref_slice %arg12[%dma_wait3A_57, %dma_wait3A_58] : memref<10000x128xf32, #tpu.memory_space<vmem_shared>> -> memref<16x128xf32, #tpu.memory_space<vmem_shared>>
        %dma_wait3A_60 = arith.constant 9984 : i32
        %dma_wait3A_61 = arith.constant 0 : i32
        %dma_wait3A_62 = tpu.memref_slice %arg5[%dma_wait3A_60, %dma_wait3A_61] : memref<10000x128xf32, #tpu.memory_space<hbm>> -> memref<16x128xf32, #tpu.memory_space<hbm>>
        tpu.wait_dma2 semaphore(%run_scoped3A : memref<!tpu.dma_semaphore, #tpu.memory_space<semaphore_mem>>) src(%dma_wait3A_62 : memref<16x128xf32, #tpu.memory_space<hbm>>) dst(%dma_wait3A_59 : memref<16x128xf32, #tpu.memory_space<vmem_shared>>)
        tpu.yield
      }) : () -> ()
    } else {
    }
    %mul3A_7 = arith.constant 10000 : i32
    %mul3A_8 = arith.muli %add3A, %mul3A_7 : i32
    "tpu.region"() ({
      %run_scoped3A = tpu.sem_alloc : memref<!tpu.dma_semaphore, #tpu.memory_space<semaphore_mem>>
      %dma_start3A_51 = tpu.memref_slice %arg3[%mul3A_8] : memref<320000xi32, #tpu.memory_space<hbm>> -> memref<10000xi32, #tpu.memory_space<hbm>>
      %dma_start3A_52 = tpu.memref_slice %arg3[%mul3A_8] : memref<320000xi32, #tpu.memory_space<hbm>> -> memref<10000xi32, #tpu.memory_space<hbm>>
      tpu.enqueue_dma source(%dma_start3A_52 : memref<10000xi32, #tpu.memory_space<hbm>>) target(%arg7 : memref<10000xi32, #tpu.memory_space<vmem>>) target_semaphore(%run_scoped3A : memref<!tpu.dma_semaphore, #tpu.memory_space<semaphore_mem>>)
      %dma_wait3A_53 = tpu.memref_slice %arg3[%mul3A_8] : memref<320000xi32, #tpu.memory_space<hbm>> -> memref<10000xi32, #tpu.memory_space<hbm>>
      %dma_wait3A_54 = tpu.memref_slice %arg3[%mul3A_8] : memref<320000xi32, #tpu.memory_space<hbm>> -> memref<10000xi32, #tpu.memory_space<hbm>>
      tpu.wait_dma2 semaphore(%run_scoped3A : memref<!tpu.dma_semaphore, #tpu.memory_space<semaphore_mem>>) src(%dma_wait3A_54 : memref<10000xi32, #tpu.memory_space<hbm>>) dst(%arg7 : memref<10000xi32, #tpu.memory_space<vmem>>)
      tpu.yield
    }) : () -> ()
    %mul3A_9 = arith.constant 10000 : i32
    %mul3A_10 = arith.muli %add3A, %mul3A_9 : i32
    "tpu.region"() ({
      %run_scoped3A = tpu.sem_alloc : memref<!tpu.dma_semaphore, #tpu.memory_space<semaphore_mem>>
      %dma_start3A_51 = tpu.memref_slice %arg4[%mul3A_10] : memref<320000xi32, #tpu.memory_space<hbm>> -> memref<10000xi32, #tpu.memory_space<hbm>>
      %dma_start3A_52 = tpu.memref_slice %arg4[%mul3A_10] : memref<320000xi32, #tpu.memory_space<hbm>> -> memref<10000xi32, #tpu.memory_space<hbm>>
      tpu.enqueue_dma source(%dma_start3A_52 : memref<10000xi32, #tpu.memory_space<hbm>>) target(%arg8 : memref<10000xi32, #tpu.memory_space<vmem>>) target_semaphore(%run_scoped3A : memref<!tpu.dma_semaphore, #tpu.memory_space<semaphore_mem>>)
      %dma_wait3A_53 = tpu.memref_slice %arg4[%mul3A_10] : memref<320000xi32, #tpu.memory_space<hbm>> -> memref<10000xi32, #tpu.memory_space<hbm>>
      %dma_wait3A_54 = tpu.memref_slice %arg4[%mul3A_10] : memref<320000xi32, #tpu.memory_space<hbm>> -> memref<10000xi32, #tpu.memory_space<hbm>>
      tpu.wait_dma2 semaphore(%run_scoped3A : memref<!tpu.dma_semaphore, #tpu.memory_space<semaphore_mem>>) src(%dma_wait3A_54 : memref<10000xi32, #tpu.memory_space<hbm>>) dst(%arg8 : memref<10000xi32, #tpu.memory_space<vmem>>)
      tpu.yield
    }) : () -> ()
    %barrier3A = arith.constant 0 : index
    tpu.barrier barrier_id(%barrier3A)
    %multiple_of3A = arith.constant 0 : i32
    %multiple_of3A_11 = tpu.assume_multiple %multiple_of3A, 80 : i32
    %dma_start3A = tpu.memref_slice %arg7[%multiple_of3A_11] : memref<10000xi32, #tpu.memory_space<vmem>> -> memref<80xi32, #tpu.memory_space<vmem>>
    %dma_start3A_12 = arith.constant 0 : i32
    %dma_start3A_13 = arith.constant 0 : i32
    %dma_start3A_14 = tpu.memref_slice %arg2[%dma_start3A_12, %dma_start3A_13] : memref<10240x128xf32, #tpu.memory_space<hbm>> -> memref<10240x128xf32, #tpu.memory_space<hbm>>
    tpu.enqueue_indirect_dma source(%dma_start3A_14 : memref<10240x128xf32, #tpu.memory_space<hbm>>) target(%arg9 : memref<80x128xf32, #tpu.memory_space<vmem>>) offsets(%dma_start3A : memref<80xi32, #tpu.memory_space<vmem>>) semaphore(%arg13 : memref<!tpu.dma_semaphore, #tpu.memory_space<semaphore_mem>>)
    %multiple_of3A_15 = arith.constant 80 : i32
    %multiple_of3A_16 = tpu.assume_multiple %multiple_of3A_15, 80 : i32
    %dma_start3A_17 = tpu.memref_slice %arg7[%multiple_of3A_16] : memref<10000xi32, #tpu.memory_space<vmem>> -> memref<80xi32, #tpu.memory_space<vmem>>
    %dma_start3A_18 = arith.constant 0 : i32
    %dma_start3A_19 = arith.constant 0 : i32
    %dma_start3A_20 = tpu.memref_slice %arg2[%dma_start3A_18, %dma_start3A_19] : memref<10240x128xf32, #tpu.memory_space<hbm>> -> memref<10240x128xf32, #tpu.memory_space<hbm>>
    tpu.enqueue_indirect_dma source(%dma_start3A_20 : memref<10240x128xf32, #tpu.memory_space<hbm>>) target(%arg10 : memref<80x128xf32, #tpu.memory_space<vmem>>) offsets(%dma_start3A_17 : memref<80xi32, #tpu.memory_space<vmem>>) semaphore(%arg14 : memref<!tpu.dma_semaphore, #tpu.memory_space<semaphore_mem>>)
    %scan3A = arith.constant 0 : i32
    %scan3A_21 = arith.constant 0 : i32
    %scan3A_22 = arith.constant 41 : i32
    %scan3A_23 = arith.addi %scan3A_21, %scan3A_22 : i32
    %scan3A_24 = arith.constant 1 : i32
    scf.for %scan3A_51 = %scan3A_21 to %scan3A_23 step %scan3A_24  : i32 {
      %mul3A_52 = arith.constant 3 : i32
      %mul3A_53 = arith.muli %mul3A_52, %scan3A_51 : i32
      %mul3A_54 = arith.constant 80 : i32
      %mul3A_55 = arith.muli %mul3A_53, %mul3A_54 : i32
      %multiple_of3A_56 = tpu.assume_multiple %mul3A_55, 80 : i32
      %dma_wait3A_57 = tpu.memref_slice %arg7[%multiple_of3A_56] : memref<10000xi32, #tpu.memory_space<vmem>> -> memref<80xi32, #tpu.memory_space<vmem>>
      %dma_wait3A_58 = arith.constant 0 : i32
      %dma_wait3A_59 = arith.constant 0 : i32
      %dma_wait3A_60 = tpu.memref_slice %arg2[%dma_wait3A_58, %dma_wait3A_59] : memref<10240x128xf32, #tpu.memory_space<hbm>> -> memref<10240x128xf32, #tpu.memory_space<hbm>>
      tpu.wait_indirect_dma semaphore(%arg13 : memref<!tpu.dma_semaphore, #tpu.memory_space<semaphore_mem>>) src(%dma_wait3A_60 : memref<10240x128xf32, #tpu.memory_space<hbm>>) dst(%arg9 : memref<80x128xf32, #tpu.memory_space<vmem>>)
      %add3A_61 = arith.constant 2 : i32
      %add3A_62 = arith.addi %mul3A_53, %add3A_61 : i32
      %mul3A_63 = arith.constant 80 : i32
      %mul3A_64 = arith.muli %add3A_62, %mul3A_63 : i32
      %multiple_of3A_65 = tpu.assume_multiple %mul3A_64, 80 : i32
      %dma_start3A_66 = tpu.memref_slice %arg7[%multiple_of3A_65] : memref<10000xi32, #tpu.memory_space<vmem>> -> memref<80xi32, #tpu.memory_space<vmem>>
      %dma_start3A_67 = arith.constant 0 : i32
      %dma_start3A_68 = arith.constant 0 : i32
      %dma_start3A_69 = tpu.memref_slice %arg2[%dma_start3A_67, %dma_start3A_68] : memref<10240x128xf32, #tpu.memory_space<hbm>> -> memref<10240x128xf32, #tpu.memory_space<hbm>>
      tpu.enqueue_indirect_dma source(%dma_start3A_69 : memref<10240x128xf32, #tpu.memory_space<hbm>>) target(%arg11 : memref<80x128xf32, #tpu.memory_space<vmem>>) offsets(%dma_start3A_66 : memref<80xi32, #tpu.memory_space<vmem>>) semaphore(%arg15 : memref<!tpu.dma_semaphore, #tpu.memory_space<semaphore_mem>>)
      %mul3A_70 = arith.constant 80 : i32
      %mul3A_71 = arith.muli %mul3A_53, %mul3A_70 : i32
      %multiple_of3A_72 = tpu.assume_multiple %mul3A_71, 80 : i32
      "tpu.region"() ({
        %run_scoped3A = tpu.sem_alloc : memref<!tpu.dma_semaphore, #tpu.memory_space<semaphore_mem>>
        %dma_start3A_119 = tpu.memref_slice %arg8[%multiple_of3A_72] : memref<10000xi32, #tpu.memory_space<vmem>> -> memref<80xi32, #tpu.memory_space<vmem>>
        %dma_start3A_120 = arith.constant 0 : i32
        %dma_start3A_121 = arith.constant 0 : i32
        %dma_start3A_122 = tpu.memref_slice %arg12[%dma_start3A_120, %dma_start3A_121] : memref<10000x128xf32, #tpu.memory_space<vmem_shared>> -> memref<10000x128xf32, #tpu.memory_space<vmem_shared>>
        tpu.enqueue_indirect_dma source(%arg9 : memref<80x128xf32, #tpu.memory_space<vmem>>) target(%dma_start3A_122 : memref<10000x128xf32, #tpu.memory_space<vmem_shared>>) offsets(%dma_start3A_119 : memref<80xi32, #tpu.memory_space<vmem>>) semaphore(%run_scoped3A : memref<!tpu.dma_semaphore, #tpu.memory_space<semaphore_mem>>) {add = true}
        %dma_wait3A_123 = tpu.memref_slice %arg8[%multiple_of3A_72] : memref<10000xi32, #tpu.memory_space<vmem>> -> memref<80xi32, #tpu.memory_space<vmem>>
        %dma_wait3A_124 = arith.constant 0 : i32
        %dma_wait3A_125 = arith.constant 0 : i32
        %dma_wait3A_126 = tpu.memref_slice %arg12[%dma_wait3A_124, %dma_wait3A_125] : memref<10000x128xf32, #tpu.memory_space<vmem_shared>> -> memref<10000x128xf32, #tpu.memory_space<vmem_shared>>
        tpu.wait_indirect_dma semaphore(%run_scoped3A : memref<!tpu.dma_semaphore, #tpu.memory_space<semaphore_mem>>) src(%arg9 : memref<80x128xf32, #tpu.memory_space<vmem>>) dst(%dma_wait3A_126 : memref<10000x128xf32, #tpu.memory_space<vmem_shared>>)
        tpu.yield
      }) : () -> ()
      %add3A_73 = arith.constant 1 : i32
      %add3A_74 = arith.addi %mul3A_53, %add3A_73 : i32
      %mul3A_75 = arith.constant 80 : i32
      %mul3A_76 = arith.muli %add3A_74, %mul3A_75 : i32
      %multiple_of3A_77 = tpu.assume_multiple %mul3A_76, 80 : i32
      %dma_wait3A_78 = tpu.memref_slice %arg7[%multiple_of3A_77] : memref<10000xi32, #tpu.memory_space<vmem>> -> memref<80xi32, #tpu.memory_space<vmem>>
      %dma_wait3A_79 = arith.constant 0 : i32
      %dma_wait3A_80 = arith.constant 0 : i32
      %dma_wait3A_81 = tpu.memref_slice %arg2[%dma_wait3A_79, %dma_wait3A_80] : memref<10240x128xf32, #tpu.memory_space<hbm>> -> memref<10240x128xf32, #tpu.memory_space<hbm>>
      tpu.wait_indirect_dma semaphore(%arg14 : memref<!tpu.dma_semaphore, #tpu.memory_space<semaphore_mem>>) src(%dma_wait3A_81 : memref<10240x128xf32, #tpu.memory_space<hbm>>) dst(%arg10 : memref<80x128xf32, #tpu.memory_space<vmem>>)
      %add3A_82 = arith.constant 3 : i32
      %add3A_83 = arith.addi %mul3A_53, %add3A_82 : i32
      %mul3A_84 = arith.constant 80 : i32
      %mul3A_85 = arith.muli %add3A_83, %mul3A_84 : i32
      %multiple_of3A_86 = tpu.assume_multiple %mul3A_85, 80 : i32
      %dma_start3A_87 = tpu.memref_slice %arg7[%multiple_of3A_86] : memref<10000xi32, #tpu.memory_space<vmem>> -> memref<80xi32, #tpu.memory_space<vmem>>
      %dma_start3A_88 = arith.constant 0 : i32
      %dma_start3A_89 = arith.constant 0 : i32
      %dma_start3A_90 = tpu.memref_slice %arg2[%dma_start3A_88, %dma_start3A_89] : memref<10240x128xf32, #tpu.memory_space<hbm>> -> memref<10240x128xf32, #tpu.memory_space<hbm>>
      tpu.enqueue_indirect_dma source(%dma_start3A_90 : memref<10240x128xf32, #tpu.memory_space<hbm>>) target(%arg9 : memref<80x128xf32, #tpu.memory_space<vmem>>) offsets(%dma_start3A_87 : memref<80xi32, #tpu.memory_space<vmem>>) semaphore(%arg13 : memref<!tpu.dma_semaphore, #tpu.memory_space<semaphore_mem>>)
      %add3A_91 = arith.constant 1 : i32
      %add3A_92 = arith.addi %mul3A_53, %add3A_91 : i32
      %mul3A_93 = arith.constant 80 : i32
      %mul3A_94 = arith.muli %add3A_92, %mul3A_93 : i32
      %multiple_of3A_95 = tpu.assume_multiple %mul3A_94, 80 : i32
      "tpu.region"() ({
        %run_scoped3A = tpu.sem_alloc : memref<!tpu.dma_semaphore, #tpu.memory_space<semaphore_mem>>
        %dma_start3A_119 = tpu.memref_slice %arg8[%multiple_of3A_95] : memref<10000xi32, #tpu.memory_space<vmem>> -> memref<80xi32, #tpu.memory_space<vmem>>
        %dma_start3A_120 = arith.constant 0 : i32
        %dma_start3A_121 = arith.constant 0 : i32
        %dma_start3A_122 = tpu.memref_slice %arg12[%dma_start3A_120, %dma_start3A_121] : memref<10000x128xf32, #tpu.memory_space<vmem_shared>> -> memref<10000x128xf32, #tpu.memory_space<vmem_shared>>
        tpu.enqueue_indirect_dma source(%arg10 : memref<80x128xf32, #tpu.memory_space<vmem>>) target(%dma_start3A_122 : memref<10000x128xf32, #tpu.memory_space<vmem_shared>>) offsets(%dma_start3A_119 : memref<80xi32, #tpu.memory_space<vmem>>) semaphore(%run_scoped3A : memref<!tpu.dma_semaphore, #tpu.memory_space<semaphore_mem>>) {add = true}
        %dma_wait3A_123 = tpu.memref_slice %arg8[%multiple_of3A_95] : memref<10000xi32, #tpu.memory_space<vmem>> -> memref<80xi32, #tpu.memory_space<vmem>>
        %dma_wait3A_124 = arith.constant 0 : i32
        %dma_wait3A_125 = arith.constant 0 : i32
        %dma_wait3A_126 = tpu.memref_slice %arg12[%dma_wait3A_124, %dma_wait3A_125] : memref<10000x128xf32, #tpu.memory_space<vmem_shared>> -> memref<10000x128xf32, #tpu.memory_space<vmem_shared>>
        tpu.wait_indirect_dma semaphore(%run_scoped3A : memref<!tpu.dma_semaphore, #tpu.memory_space<semaphore_mem>>) src(%arg10 : memref<80x128xf32, #tpu.memory_space<vmem>>) dst(%dma_wait3A_126 : memref<10000x128xf32, #tpu.memory_space<vmem_shared>>)
        tpu.yield
      }) : () -> ()
      %add3A_96 = arith.constant 2 : i32
      %add3A_97 = arith.addi %mul3A_53, %add3A_96 : i32
      %mul3A_98 = arith.constant 80 : i32
      %mul3A_99 = arith.muli %add3A_97, %mul3A_98 : i32
      %multiple_of3A_100 = tpu.assume_multiple %mul3A_99, 80 : i32
      %dma_wait3A_101 = tpu.memref_slice %arg7[%multiple_of3A_100] : memref<10000xi32, #tpu.memory_space<vmem>> -> memref<80xi32, #tpu.memory_space<vmem>>
      %dma_wait3A_102 = arith.constant 0 : i32
      %dma_wait3A_103 = arith.constant 0 : i32
      %dma_wait3A_104 = tpu.memref_slice %arg2[%dma_wait3A_102, %dma_wait3A_103] : memref<10240x128xf32, #tpu.memory_space<hbm>> -> memref<10240x128xf32, #tpu.memory_space<hbm>>
      tpu.wait_indirect_dma semaphore(%arg15 : memref<!tpu.dma_semaphore, #tpu.memory_space<semaphore_mem>>) src(%dma_wait3A_104 : memref<10240x128xf32, #tpu.memory_space<hbm>>) dst(%arg11 : memref<80x128xf32, #tpu.memory_space<vmem>>)
      %add3A_105 = arith.constant 4 : i32
      %add3A_106 = arith.addi %mul3A_53, %add3A_105 : i32
      %mul3A_107 = arith.constant 80 : i32
      %mul3A_108 = arith.muli %add3A_106, %mul3A_107 : i32
      %multiple_of3A_109 = tpu.assume_multiple %mul3A_108, 80 : i32
      %dma_start3A_110 = tpu.memref_slice %arg7[%multiple_of3A_109] : memref<10000xi32, #tpu.memory_space<vmem>> -> memref<80xi32, #tpu.memory_space<vmem>>
      %dma_start3A_111 = arith.constant 0 : i32
      %dma_start3A_112 = arith.constant 0 : i32
      %dma_start3A_113 = tpu.memref_slice %arg2[%dma_start3A_111, %dma_start3A_112] : memref<10240x128xf32, #tpu.memory_space<hbm>> -> memref<10240x128xf32, #tpu.memory_space<hbm>>
      tpu.enqueue_indirect_dma source(%dma_start3A_113 : memref<10240x128xf32, #tpu.memory_space<hbm>>) target(%arg10 : memref<80x128xf32, #tpu.memory_space<vmem>>) offsets(%dma_start3A_110 : memref<80xi32, #tpu.memory_space<vmem>>) semaphore(%arg14 : memref<!tpu.dma_semaphore, #tpu.memory_space<semaphore_mem>>)
      %add3A_114 = arith.constant 2 : i32
      %add3A_115 = arith.addi %mul3A_53, %add3A_114 : i32
      %mul3A_116 = arith.constant 80 : i32
      %mul3A_117 = arith.muli %add3A_115, %mul3A_116 : i32
      %multiple_of3A_118 = tpu.assume_multiple %mul3A_117, 80 : i32
      "tpu.region"() ({
        %run_scoped3A = tpu.sem_alloc : memref<!tpu.dma_semaphore, #tpu.memory_space<semaphore_mem>>
        %dma_start3A_119 = tpu.memref_slice %arg8[%multiple_of3A_118] : memref<10000xi32, #tpu.memory_space<vmem>> -> memref<80xi32, #tpu.memory_space<vmem>>
        %dma_start3A_120 = arith.constant 0 : i32
        %dma_start3A_121 = arith.constant 0 : i32
        %dma_start3A_122 = tpu.memref_slice %arg12[%dma_start3A_120, %dma_start3A_121] : memref<10000x128xf32, #tpu.memory_space<vmem_shared>> -> memref<10000x128xf32, #tpu.memory_space<vmem_shared>>
        tpu.enqueue_indirect_dma source(%arg11 : memref<80x128xf32, #tpu.memory_space<vmem>>) target(%dma_start3A_122 : memref<10000x128xf32, #tpu.memory_space<vmem_shared>>) offsets(%dma_start3A_119 : memref<80xi32, #tpu.memory_space<vmem>>) semaphore(%run_scoped3A : memref<!tpu.dma_semaphore, #tpu.memory_space<semaphore_mem>>) {add = true}
        %dma_wait3A_123 = tpu.memref_slice %arg8[%multiple_of3A_118] : memref<10000xi32, #tpu.memory_space<vmem>> -> memref<80xi32, #tpu.memory_space<vmem>>
        %dma_wait3A_124 = arith.constant 0 : i32
        %dma_wait3A_125 = arith.constant 0 : i32
        %dma_wait3A_126 = tpu.memref_slice %arg12[%dma_wait3A_124, %dma_wait3A_125] : memref<10000x128xf32, #tpu.memory_space<vmem_shared>> -> memref<10000x128xf32, #tpu.memory_space<vmem_shared>>
        tpu.wait_indirect_dma semaphore(%run_scoped3A : memref<!tpu.dma_semaphore, #tpu.memory_space<semaphore_mem>>) src(%arg11 : memref<80x128xf32, #tpu.memory_space<vmem>>) dst(%dma_wait3A_126 : memref<10000x128xf32, #tpu.memory_space<vmem_shared>>)
        tpu.yield
      }) : () -> ()
    }
    %scan3A_25 = arith.constant 41 : i32
    %multiple_of3A_26 = arith.constant 9840 : i32
    %multiple_of3A_27 = tpu.assume_multiple %multiple_of3A_26, 80 : i32
    %dma_wait3A = tpu.memref_slice %arg7[%multiple_of3A_27] : memref<10000xi32, #tpu.memory_space<vmem>> -> memref<80xi32, #tpu.memory_space<vmem>>
    %dma_wait3A_28 = arith.constant 0 : i32
    %dma_wait3A_29 = arith.constant 0 : i32
    %dma_wait3A_30 = tpu.memref_slice %arg2[%dma_wait3A_28, %dma_wait3A_29] : memref<10240x128xf32, #tpu.memory_space<hbm>> -> memref<10240x128xf32, #tpu.memory_space<hbm>>
    tpu.wait_indirect_dma semaphore(%arg13 : memref<!tpu.dma_semaphore, #tpu.memory_space<semaphore_mem>>) src(%dma_wait3A_30 : memref<10240x128xf32, #tpu.memory_space<hbm>>) dst(%arg9 : memref<80x128xf32, #tpu.memory_space<vmem>>)
    %multiple_of3A_31 = arith.constant 9840 : i32
    %multiple_of3A_32 = tpu.assume_multiple %multiple_of3A_31, 80 : i32
    "tpu.region"() ({
      %run_scoped3A = tpu.sem_alloc : memref<!tpu.dma_semaphore, #tpu.memory_space<semaphore_mem>>
      %dma_start3A_51 = tpu.memref_slice %arg8[%multiple_of3A_32] : memref<10000xi32, #tpu.memory_space<vmem>> -> memref<80xi32, #tpu.memory_space<vmem>>
      %dma_start3A_52 = arith.constant 0 : i32
      %dma_start3A_53 = arith.constant 0 : i32
      %dma_start3A_54 = tpu.memref_slice %arg12[%dma_start3A_52, %dma_start3A_53] : memref<10000x128xf32, #tpu.memory_space<vmem_shared>> -> memref<10000x128xf32, #tpu.memory_space<vmem_shared>>
      tpu.enqueue_indirect_dma source(%arg9 : memref<80x128xf32, #tpu.memory_space<vmem>>) target(%dma_start3A_54 : memref<10000x128xf32, #tpu.memory_space<vmem_shared>>) offsets(%dma_start3A_51 : memref<80xi32, #tpu.memory_space<vmem>>) semaphore(%run_scoped3A : memref<!tpu.dma_semaphore, #tpu.memory_space<semaphore_mem>>) {add = true}
      %dma_wait3A_55 = tpu.memref_slice %arg8[%multiple_of3A_32] : memref<10000xi32, #tpu.memory_space<vmem>> -> memref<80xi32, #tpu.memory_space<vmem>>
      %dma_wait3A_56 = arith.constant 0 : i32
      %dma_wait3A_57 = arith.constant 0 : i32
      %dma_wait3A_58 = tpu.memref_slice %arg12[%dma_wait3A_56, %dma_wait3A_57] : memref<10000x128xf32, #tpu.memory_space<vmem_shared>> -> memref<10000x128xf32, #tpu.memory_space<vmem_shared>>
      tpu.wait_indirect_dma semaphore(%run_scoped3A : memref<!tpu.dma_semaphore, #tpu.memory_space<semaphore_mem>>) src(%arg9 : memref<80x128xf32, #tpu.memory_space<vmem>>) dst(%dma_wait3A_58 : memref<10000x128xf32, #tpu.memory_space<vmem_shared>>)
      tpu.yield
    }) : () -> ()
    %multiple_of3A_33 = arith.constant 9920 : i32
    %multiple_of3A_34 = tpu.assume_multiple %multiple_of3A_33, 80 : i32
    %dma_wait3A_35 = tpu.memref_slice %arg7[%multiple_of3A_34] : memref<10000xi32, #tpu.memory_space<vmem>> -> memref<80xi32, #tpu.memory_space<vmem>>
    %dma_wait3A_36 = arith.constant 0 : i32
    %dma_wait3A_37 = arith.constant 0 : i32
    %dma_wait3A_38 = tpu.memref_slice %arg2[%dma_wait3A_36, %dma_wait3A_37] : memref<10240x128xf32, #tpu.memory_space<hbm>> -> memref<10240x128xf32, #tpu.memory_space<hbm>>
    tpu.wait_indirect_dma semaphore(%arg14 : memref<!tpu.dma_semaphore, #tpu.memory_space<semaphore_mem>>) src(%dma_wait3A_38 : memref<10240x128xf32, #tpu.memory_space<hbm>>) dst(%arg10 : memref<80x128xf32, #tpu.memory_space<vmem>>)
    %multiple_of3A_39 = arith.constant 9920 : i32
    %multiple_of3A_40 = tpu.assume_multiple %multiple_of3A_39, 80 : i32
    "tpu.region"() ({
      %run_scoped3A = tpu.sem_alloc : memref<!tpu.dma_semaphore, #tpu.memory_space<semaphore_mem>>
      %dma_start3A_51 = tpu.memref_slice %arg8[%multiple_of3A_40] : memref<10000xi32, #tpu.memory_space<vmem>> -> memref<80xi32, #tpu.memory_space<vmem>>
      %dma_start3A_52 = arith.constant 0 : i32
      %dma_start3A_53 = arith.constant 0 : i32
      %dma_start3A_54 = tpu.memref_slice %arg12[%dma_start3A_52, %dma_start3A_53] : memref<10000x128xf32, #tpu.memory_space<vmem_shared>> -> memref<10000x128xf32, #tpu.memory_space<vmem_shared>>
      tpu.enqueue_indirect_dma source(%arg10 : memref<80x128xf32, #tpu.memory_space<vmem>>) target(%dma_start3A_54 : memref<10000x128xf32, #tpu.memory_space<vmem_shared>>) offsets(%dma_start3A_51 : memref<80xi32, #tpu.memory_space<vmem>>) semaphore(%run_scoped3A : memref<!tpu.dma_semaphore, #tpu.memory_space<semaphore_mem>>) {add = true}
      %dma_wait3A_55 = tpu.memref_slice %arg8[%multiple_of3A_40] : memref<10000xi32, #tpu.memory_space<vmem>> -> memref<80xi32, #tpu.memory_space<vmem>>
      %dma_wait3A_56 = arith.constant 0 : i32
      %dma_wait3A_57 = arith.constant 0 : i32
      %dma_wait3A_58 = tpu.memref_slice %arg12[%dma_wait3A_56, %dma_wait3A_57] : memref<10000x128xf32, #tpu.memory_space<vmem_shared>> -> memref<10000x128xf32, #tpu.memory_space<vmem_shared>>
      tpu.wait_indirect_dma semaphore(%run_scoped3A : memref<!tpu.dma_semaphore, #tpu.memory_space<semaphore_mem>>) src(%arg10 : memref<80x128xf32, #tpu.memory_space<vmem>>) dst(%dma_wait3A_58 : memref<10000x128xf32, #tpu.memory_space<vmem_shared>>)
      tpu.yield
    }) : () -> ()
    %barrier3A_41 = arith.constant 0 : index
    tpu.barrier barrier_id(%barrier3A_41)
    %lt3A = arith.constant 15 : i32
    %lt3A_42 = arith.cmpi slt, %arg1, %lt3A : i32
    %convert_element_type3A_43 = arith.extui %lt3A_42 : i1 to i32
    %cond3A_44 = arith.constant 0 : i32
    %cond3A_45 = arith.cmpi ne, %convert_element_type3A_43, %cond3A_44 : i32
    scf.if %cond3A_45 {
      %mul3A_51 = arith.constant 640 : i32
      %mul3A_52 = arith.muli %arg1, %mul3A_51 : i32
      %mul3A_53 = arith.constant 640 : i32
      %mul3A_54 = arith.muli %arg1, %mul3A_53 : i32
      "tpu.region"() ({
        %run_scoped3A = tpu.sem_alloc : memref<!tpu.dma_semaphore, #tpu.memory_space<semaphore_mem>>
        %dma_start3A_55 = arith.constant 0 : i32
        %dma_start3A_56 = tpu.memref_slice %arg6[%arg0, %mul3A_54, %dma_start3A_55] : memref<2x10240x128xf32, #tpu.memory_space<hbm>> -> memref<1x640x128xf32, #tpu.memory_space<hbm>>
        %dma_start3A_57 = tpu.memref_squeeze %dma_start3A_56 : memref<1x640x128xf32, #tpu.memory_space<hbm>> -> memref<640x128xf32, #tpu.memory_space<hbm>>
        %dma_start3A_58 = arith.constant 0 : i32
        %dma_start3A_59 = tpu.memref_slice %arg12[%mul3A_52, %dma_start3A_58] : memref<10000x128xf32, #tpu.memory_space<vmem_shared>> -> memref<640x128xf32, #tpu.memory_space<vmem_shared>>
        tpu.enqueue_dma source(%dma_start3A_59 : memref<640x128xf32, #tpu.memory_space<vmem_shared>>) target(%dma_start3A_57 : memref<640x128xf32, #tpu.memory_space<hbm>>) target_semaphore(%run_scoped3A : memref<!tpu.dma_semaphore, #tpu.memory_space<semaphore_mem>>)
        %dma_wait3A_60 = arith.constant 0 : i32
        %dma_wait3A_61 = tpu.memref_slice %arg6[%arg0, %mul3A_54, %dma_wait3A_60] : memref<2x10240x128xf32, #tpu.memory_space<hbm>> -> memref<1x640x128xf32, #tpu.memory_space<hbm>>
        %dma_wait3A_62 = tpu.memref_squeeze %dma_wait3A_61 : memref<1x640x128xf32, #tpu.memory_space<hbm>> -> memref<640x128xf32, #tpu.memory_space<hbm>>
        %dma_wait3A_63 = arith.constant 0 : i32
        %dma_wait3A_64 = tpu.memref_slice %arg12[%mul3A_52, %dma_wait3A_63] : memref<10000x128xf32, #tpu.memory_space<vmem_shared>> -> memref<640x128xf32, #tpu.memory_space<vmem_shared>>
        tpu.wait_dma2 semaphore(%run_scoped3A : memref<!tpu.dma_semaphore, #tpu.memory_space<semaphore_mem>>) src(%dma_wait3A_64 : memref<640x128xf32, #tpu.memory_space<vmem_shared>>) dst(%dma_wait3A_62 : memref<640x128xf32, #tpu.memory_space<hbm>>)
        tpu.yield
      }) : () -> ()
    } else {
    }
    %eq3A_46 = arith.constant 15 : i32
    %eq3A_47 = arith.cmpi eq, %arg1, %eq3A_46 : i32
    %convert_element_type3A_48 = arith.extui %eq3A_47 : i1 to i32
    %cond3A_49 = arith.constant 0 : i32
    %cond3A_50 = arith.cmpi ne, %convert_element_type3A_48, %cond3A_49 : i32
    scf.if %cond3A_50 {
      "tpu.region"() ({
        %run_scoped3A = tpu.sem_alloc : memref<!tpu.dma_semaphore, #tpu.memory_space<semaphore_mem>>
        %dma_start3A_51 = arith.constant 9600 : i32
        %dma_start3A_52 = arith.constant 0 : i32
        %dma_start3A_53 = tpu.memref_slice %arg6[%arg0, %dma_start3A_51, %dma_start3A_52] : memref<2x10240x128xf32, #tpu.memory_space<hbm>> -> memref<1x400x128xf32, #tpu.memory_space<hbm>>
        %dma_start3A_54 = tpu.memref_squeeze %dma_start3A_53 : memref<1x400x128xf32, #tpu.memory_space<hbm>> -> memref<400x128xf32, #tpu.memory_space<hbm>>
        %dma_start3A_55 = arith.constant 9600 : i32
        %dma_start3A_56 = arith.constant 0 : i32
        %dma_start3A_57 = tpu.memref_slice %arg12[%dma_start3A_55, %dma_start3A_56] : memref<10000x128xf32, #tpu.memory_space<vmem_shared>> -> memref<400x128xf32, #tpu.memory_space<vmem_shared>>
        tpu.enqueue_dma source(%dma_start3A_57 : memref<400x128xf32, #tpu.memory_space<vmem_shared>>) target(%dma_start3A_54 : memref<400x128xf32, #tpu.memory_space<hbm>>) target_semaphore(%run_scoped3A : memref<!tpu.dma_semaphore, #tpu.memory_space<semaphore_mem>>)
        %dma_wait3A_58 = arith.constant 9600 : i32
        %dma_wait3A_59 = arith.constant 0 : i32
        %dma_wait3A_60 = tpu.memref_slice %arg6[%arg0, %dma_wait3A_58, %dma_wait3A_59] : memref<2x10240x128xf32, #tpu.memory_space<hbm>> -> memref<1x400x128xf32, #tpu.memory_space<hbm>>
        %dma_wait3A_61 = tpu.memref_squeeze %dma_wait3A_60 : memref<1x400x128xf32, #tpu.memory_space<hbm>> -> memref<400x128xf32, #tpu.memory_space<hbm>>
        %dma_wait3A_62 = arith.constant 9600 : i32
        %dma_wait3A_63 = arith.constant 0 : i32
        %dma_wait3A_64 = tpu.memref_slice %arg12[%dma_wait3A_62, %dma_wait3A_63] : memref<10000x128xf32, #tpu.memory_space<vmem_shared>> -> memref<400x128xf32, #tpu.memory_space<vmem_shared>>
        tpu.wait_dma2 semaphore(%run_scoped3A : memref<!tpu.dma_semaphore, #tpu.memory_space<semaphore_mem>>) src(%dma_wait3A_64 : memref<400x128xf32, #tpu.memory_space<vmem_shared>>) dst(%dma_wait3A_61 : memref<400x128xf32, #tpu.memory_space<hbm>>)
        tpu.yield
      }) : () -> ()
      "tpu.region"() ({
        %run_scoped3A = tpu.sem_alloc : memref<!tpu.dma_semaphore, #tpu.memory_space<semaphore_mem>>
        %dma_start3A_51 = arith.constant 10000 : i32
        %dma_start3A_52 = arith.constant 0 : i32
        %dma_start3A_53 = tpu.memref_slice %arg6[%arg0, %dma_start3A_51, %dma_start3A_52] : memref<2x10240x128xf32, #tpu.memory_space<hbm>> -> memref<1x240x128xf32, #tpu.memory_space<hbm>>
        %dma_start3A_54 = tpu.memref_squeeze %dma_start3A_53 : memref<1x240x128xf32, #tpu.memory_space<hbm>> -> memref<240x128xf32, #tpu.memory_space<hbm>>
        %dma_start3A_55 = arith.constant 0 : i32
        %dma_start3A_56 = arith.constant 0 : i32
        %dma_start3A_57 = tpu.memref_slice %arg5[%dma_start3A_55, %dma_start3A_56] : memref<10000x128xf32, #tpu.memory_space<hbm>> -> memref<240x128xf32, #tpu.memory_space<hbm>>
        tpu.enqueue_dma source(%dma_start3A_57 : memref<240x128xf32, #tpu.memory_space<hbm>>) target(%dma_start3A_54 : memref<240x128xf32, #tpu.memory_space<hbm>>) target_semaphore(%run_scoped3A : memref<!tpu.dma_semaphore, #tpu.memory_space<semaphore_mem>>)
        %dma_wait3A_58 = arith.constant 10000 : i32
        %dma_wait3A_59 = arith.constant 0 : i32
        %dma_wait3A_60 = tpu.memref_slice %arg6[%arg0, %dma_wait3A_58, %dma_wait3A_59] : memref<2x10240x128xf32, #tpu.memory_space<hbm>> -> memref<1x240x128xf32, #tpu.memory_space<hbm>>
        %dma_wait3A_61 = tpu.memref_squeeze %dma_wait3A_60 : memref<1x240x128xf32, #tpu.memory_space<hbm>> -> memref<240x128xf32, #tpu.memory_space<hbm>>
        %dma_wait3A_62 = arith.constant 0 : i32
        %dma_wait3A_63 = arith.constant 0 : i32
        %dma_wait3A_64 = tpu.memref_slice %arg5[%dma_wait3A_62, %dma_wait3A_63] : memref<10000x128xf32, #tpu.memory_space<hbm>> -> memref<240x128xf32, #tpu.memory_space<hbm>>
        tpu.wait_dma2 semaphore(%run_scoped3A : memref<!tpu.dma_semaphore, #tpu.memory_space<semaphore_mem>>) src(%dma_wait3A_64 : memref<240x128xf32, #tpu.memory_space<hbm>>) dst(%dma_wait3A_61 : memref<240x128xf32, #tpu.memory_space<hbm>>)
        tpu.yield
      }) : () -> ()
    } else {
    }
    return
  }
}

#map = affine_map<(d0, d1) -> (0)>
#map1 = affine_map<(d0, d1) -> (0, 0)>
module attributes {stable_mosaic.version = 14 : i64} {
  func.func @degk(%arg0: i32, %arg1: i32, %arg2: memref<320000xi32, #tpu.memory_space<hbm>>, %arg3: memref<10240xf32, #tpu.memory_space<hbm>>, %arg4: memref<32x10240xf32, #tpu.memory_space<hbm>>, %arg5: memref<10000xi32, #tpu.memory_space<vmem>>, %arg6: memref<10240xf32, #tpu.memory_space<vmem>>) attributes {dimension_semantics = [#tpu.dimension_semantics<core_parallel>, #tpu.dimension_semantics<subcore_parallel>], iteration_bounds = array<i64: 2, 16>, scalar_prefetch = 0 : i64, scratch_operands = 2 : i64, tpu.core_type = #tpu.core_type<sc_vector_subcore>, window_params = [{transform_indices = #map}, {transform_indices = #map}, {transform_indices = #map1}]} {
    %mul3A = arith.constant 16 : i32
    %mul3A_0 = arith.muli %arg0, %mul3A : i32
    %add3A = arith.addi %mul3A_0, %arg1 : i32
    "tpu.region"() ({
      %run_scoped3A = tpu.sem_alloc : memref<!tpu.dma_semaphore, #tpu.memory_space<semaphore_mem>>
      tpu.enqueue_dma source(%arg3 : memref<10240xf32, #tpu.memory_space<hbm>>) target(%arg6 : memref<10240xf32, #tpu.memory_space<vmem>>) target_semaphore(%run_scoped3A : memref<!tpu.dma_semaphore, #tpu.memory_space<semaphore_mem>>)
      tpu.wait_dma2 semaphore(%run_scoped3A : memref<!tpu.dma_semaphore, #tpu.memory_space<semaphore_mem>>) src(%arg3 : memref<10240xf32, #tpu.memory_space<hbm>>) dst(%arg6 : memref<10240xf32, #tpu.memory_space<vmem>>)
      tpu.yield
    }) : () -> ()
    %mul3A_1 = arith.constant 10000 : i32
    %mul3A_2 = arith.muli %add3A, %mul3A_1 : i32
    "tpu.region"() ({
      %run_scoped3A = tpu.sem_alloc : memref<!tpu.dma_semaphore, #tpu.memory_space<semaphore_mem>>
      %dma_start3A = tpu.memref_slice %arg2[%mul3A_2] : memref<320000xi32, #tpu.memory_space<hbm>> -> memref<10000xi32, #tpu.memory_space<hbm>>
      %dma_start3A_8 = tpu.memref_slice %arg2[%mul3A_2] : memref<320000xi32, #tpu.memory_space<hbm>> -> memref<10000xi32, #tpu.memory_space<hbm>>
      tpu.enqueue_dma source(%dma_start3A_8 : memref<10000xi32, #tpu.memory_space<hbm>>) target(%arg5 : memref<10000xi32, #tpu.memory_space<vmem>>) target_semaphore(%run_scoped3A : memref<!tpu.dma_semaphore, #tpu.memory_space<semaphore_mem>>)
      %dma_wait3A = tpu.memref_slice %arg2[%mul3A_2] : memref<320000xi32, #tpu.memory_space<hbm>> -> memref<10000xi32, #tpu.memory_space<hbm>>
      %dma_wait3A_9 = tpu.memref_slice %arg2[%mul3A_2] : memref<320000xi32, #tpu.memory_space<hbm>> -> memref<10000xi32, #tpu.memory_space<hbm>>
      tpu.wait_dma2 semaphore(%run_scoped3A : memref<!tpu.dma_semaphore, #tpu.memory_space<semaphore_mem>>) src(%dma_wait3A_9 : memref<10000xi32, #tpu.memory_space<hbm>>) dst(%arg5 : memref<10000xi32, #tpu.memory_space<vmem>>)
      tpu.yield
    }) : () -> ()
    %scan3A = arith.constant 0 : i32
    %scan3A_3 = arith.constant 0 : i32
    %scan3A_4 = arith.constant 625 : i32
    %scan3A_5 = arith.addi %scan3A_3, %scan3A_4 : i32
    %scan3A_6 = arith.constant 1 : i32
    scf.for %scan3A_8 = %scan3A_3 to %scan3A_5 step %scan3A_6  : i32 {
      %mul3A_9 = arith.constant 16 : i32
      %mul3A_10 = arith.muli %scan3A_8, %mul3A_9 : i32
      %get3A = arith.index_cast %mul3A_10 : i32 to index
      %get3A_11 = tpu.vector_load %arg5[%get3A] {strides = array<i32>} : memref<10000xi32, #tpu.memory_space<vmem>>, vector<16xi32>,
      %broadcast_in_dim3A = arith.constant 1.000000e+00 : f32
      %broadcast_in_dim3A_12 = vector.broadcast %broadcast_in_dim3A : f32 to vector<16xf32>
      tpu.vector_store_idx %arg6[%get3A_11], %broadcast_in_dim3A_12 {add = true} : memref<10240xf32, #tpu.memory_space<vmem>>[vector<16xi32>], vector<16xf32>,
    }
    %scan3A_7 = arith.constant 625 : i32
    "tpu.region"() ({
      %run_scoped3A = tpu.sem_alloc : memref<!tpu.dma_semaphore, #tpu.memory_space<semaphore_mem>>
      %dma_start3A = arith.constant 0 : i32
      %dma_start3A_8 = tpu.memref_slice %arg4[%add3A, %dma_start3A] : memref<32x10240xf32, #tpu.memory_space<hbm>> -> memref<1x10240xf32, #tpu.memory_space<hbm>>
      %dma_start3A_9 = tpu.memref_squeeze %dma_start3A_8 : memref<1x10240xf32, #tpu.memory_space<hbm>> -> memref<10240xf32, #tpu.memory_space<hbm>>
      %dma_start3A_10 = arith.constant 0 : i32
      %dma_start3A_11 = tpu.memref_slice %arg4[%add3A, %dma_start3A_10] : memref<32x10240xf32, #tpu.memory_space<hbm>> -> memref<1x10240xf32, #tpu.memory_space<hbm>>
      %dma_start3A_12 = tpu.memref_squeeze %dma_start3A_11 : memref<1x10240xf32, #tpu.memory_space<hbm>> -> memref<10240xf32, #tpu.memory_space<hbm>>
      tpu.enqueue_dma source(%arg6 : memref<10240xf32, #tpu.memory_space<vmem>>) target(%dma_start3A_12 : memref<10240xf32, #tpu.memory_space<hbm>>) target_semaphore(%run_scoped3A : memref<!tpu.dma_semaphore, #tpu.memory_space<semaphore_mem>>)
      %dma_wait3A = arith.constant 0 : i32
      %dma_wait3A_13 = tpu.memref_slice %arg4[%add3A, %dma_wait3A] : memref<32x10240xf32, #tpu.memory_space<hbm>> -> memref<1x10240xf32, #tpu.memory_space<hbm>>
      %dma_wait3A_14 = tpu.memref_squeeze %dma_wait3A_13 : memref<1x10240xf32, #tpu.memory_space<hbm>> -> memref<10240xf32, #tpu.memory_space<hbm>>
      %dma_wait3A_15 = arith.constant 0 : i32
      %dma_wait3A_16 = tpu.memref_slice %arg4[%add3A, %dma_wait3A_15] : memref<32x10240xf32, #tpu.memory_space<hbm>> -> memref<1x10240xf32, #tpu.memory_space<hbm>>
      %dma_wait3A_17 = tpu.memref_squeeze %dma_wait3A_16 : memref<1x10240xf32, #tpu.memory_space<hbm>> -> memref<10240xf32, #tpu.memory_space<hbm>>
      tpu.wait_dma2 semaphore(%run_scoped3A : memref<!tpu.dma_semaphore, #tpu.memory_space<semaphore_mem>>) src(%arg6 : memref<10240xf32, #tpu.memory_space<vmem>>) dst(%dma_wait3A_17 : memref<10240xf32, #tpu.memory_space<hbm>>)
      tpu.yield
    }) : () -> ()
    return
  }
}

#map = affine_map<(d0, d1) -> (0, 0)>
#map1 = affine_map<(d0, d1) -> (0)>
#map2 = affine_map<(d0, d1) -> (0, 0, 0)>
module attributes {stable_mosaic.version = 14 : i64} {
  func.func @scat(%arg0: i32, %arg1: i32, %arg2: memref<10240x128xf32, #tpu.memory_space<hbm>>, %arg3: memref<320000xi32, #tpu.memory_space<hbm>>, %arg4: memref<320000xi32, #tpu.memory_space<hbm>>, %arg5: memref<10000x128xf32, #tpu.memory_space<hbm>>, %arg6: memref<2x10240x128xf32, #tpu.memory_space<hbm>>, %arg7: memref<10000xi32, #tpu.memory_space<vmem>>, %arg8: memref<10000xi32, #tpu.memory_space<vmem>>, %arg9: memref<80x128xf32, #tpu.memory_space<vmem>>, %arg10: memref<80x128xf32, #tpu.memory_space<vmem>>, %arg11: memref<80x128xf32, #tpu.memory_space<vmem>>, %arg12: memref<10000x128xf32, #tpu.memory_space<vmem_shared>>, %arg13: memref<!tpu.dma_semaphore, #tpu.memory_space<semaphore_mem>>, %arg14: memref<!tpu.dma_semaphore, #tpu.memory_space<semaphore_mem>>, %arg15: memref<!tpu.dma_semaphore, #tpu.memory_space<semaphore_mem>>) attributes {dimension_semantics = [#tpu.dimension_semantics<core_parallel>, #tpu.dimension_semantics<subcore_parallel>], iteration_bounds = array<i64: 2, 16>, scalar_prefetch = 0 : i64, scratch_operands = 9 : i64, tpu.core_type = #tpu.core_type<sc_vector_subcore>, window_params = [{transform_indices = #map}, {transform_indices = #map1}, {transform_indices = #map1}, {transform_indices = #map}, {transform_indices = #map2}]} {
    %mul3A = arith.constant 16 : i32
    %mul3A_0 = arith.muli %arg0, %mul3A : i32
    %add3A = arith.addi %mul3A_0, %arg1 : i32
    %mul3A_1 = arith.constant 624 : i32
    %mul3A_2 = arith.muli %arg1, %mul3A_1 : i32
    %mul3A_3 = arith.constant 624 : i32
    %mul3A_4 = arith.muli %arg1, %mul3A_3 : i32
    "tpu.region"() ({
      %run_scoped3A = tpu.sem_alloc : memref<!tpu.dma_semaphore, #tpu.memory_space<semaphore_mem>>
      %dma_start3A_51 = arith.constant 0 : i32
      %dma_start3A_52 = tpu.memref_slice %arg12[%mul3A_4, %dma_start3A_51] : memref<10000x128xf32, #tpu.memory_space<vmem_shared>> -> memref<624x128xf32, #tpu.memory_space<vmem_shared>>
      %dma_start3A_53 = arith.constant 0 : i32
      %dma_start3A_54 = tpu.memref_slice %arg5[%mul3A_2, %dma_start3A_53] : memref<10000x128xf32, #tpu.memory_space<hbm>> -> memref<624x128xf32, #tpu.memory_space<hbm>>
      tpu.enqueue_dma source(%dma_start3A_54 : memref<624x128xf32, #tpu.memory_space<hbm>>) target(%dma_start3A_52 : memref<624x128xf32, #tpu.memory_space<vmem_shared>>) target_semaphore(%run_scoped3A : memref<!tpu.dma_semaphore, #tpu.memory_space<semaphore_mem>>)
      %dma_wait3A_55 = arith.constant 0 : i32
      %dma_wait3A_56 = tpu.memref_slice %arg12[%mul3A_4, %dma_wait3A_55] : memref<10000x128xf32, #tpu.memory_space<vmem_shared>> -> memref<624x128xf32, #tpu.memory_space<vmem_shared>>
      %dma_wait3A_57 = arith.constant 0 : i32
      %dma_wait3A_58 = tpu.memref_slice %arg5[%mul3A_2, %dma_wait3A_57] : memref<10000x128xf32, #tpu.memory_space<hbm>> -> memref<624x128xf32, #tpu.memory_space<hbm>>
      tpu.wait_dma2 semaphore(%run_scoped3A : memref<!tpu.dma_semaphore, #tpu.memory_space<semaphore_mem>>) src(%dma_wait3A_58 : memref<624x128xf32, #tpu.memory_space<hbm>>) dst(%dma_wait3A_56 : memref<624x128xf32, #tpu.memory_space<vmem_shared>>)
      tpu.yield
    }) : () -> ()
    %eq3A = arith.constant 15 : i32
    %eq3A_5 = arith.cmpi eq, %arg1, %eq3A : i32
    %convert_element_type3A = arith.extui %eq3A_5 : i1 to i32
    %cond3A = arith.constant 0 : i32
    %cond3A_6 = arith.cmpi ne, %convert_element_type3A, %cond3A : i32
    scf.if %cond3A_6 {
      "tpu.region"() ({
        %run_scoped3A = tpu.sem_alloc : memref<!tpu.dma_semaphore, #tpu.memory_space<semaphore_mem>>
        %dma_start3A_51 = arith.constant 9984 : i32
        %dma_start3A_52 = arith.constant 0 : i32
        %dma_start3A_53 = tpu.memref_slice %arg12[%dma_start3A_51, %dma_start3A_52] : memref<10000x128xf32, #tpu.memory_space<vmem_shared>> -> memref<16x128xf32, #tpu.memory_space<vmem_shared>>
        %dma_start3A_54 = arith.constant 9984 : i32
        %dma_start3A_55 = arith.constant 0 : i32
        %dma_start3A_56 = tpu.memref_slice %arg5[%dma_start3A_54, %dma_start3A_55] : memref<10000x128xf32, #tpu.memory_space<hbm>> -> memref<16x128xf32, #tpu.memory_space<hbm>>
        tpu.enqueue_dma source(%dma_start3A_56 : memref<16x128xf32, #tpu.memory_space<hbm>>) target(%dma_start3A_53 : memref<16x128xf32, #tpu.memory_space<vmem_shared>>) target_semaphore(%run_scoped3A : memref<!tpu.dma_semaphore, #tpu.memory_space<semaphore_mem>>)
        %dma_wait3A_57 = arith.constant 9984 : i32
        %dma_wait3A_58 = arith.constant 0 : i32
        %dma_wait3A_59 = tpu.memref_slice %arg12[%dma_wait3A_57, %dma_wait3A_58] : memref<10000x128xf32, #tpu.memory_space<vmem_shared>> -> memref<16x128xf32, #tpu.memory_space<vmem_shared>>
        %dma_wait3A_60 = arith.constant 9984 : i32
        %dma_wait3A_61 = arith.constant 0 : i32
        %dma_wait3A_62 = tpu.memref_slice %arg5[%dma_wait3A_60, %dma_wait3A_61] : memref<10000x128xf32, #tpu.memory_space<hbm>> -> memref<16x128xf32, #tpu.memory_space<hbm>>
        tpu.wait_dma2 semaphore(%run_scoped3A : memref<!tpu.dma_semaphore, #tpu.memory_space<semaphore_mem>>) src(%dma_wait3A_62 : memref<16x128xf32, #tpu.memory_space<hbm>>) dst(%dma_wait3A_59 : memref<16x128xf32, #tpu.memory_space<vmem_shared>>)
        tpu.yield
      }) : () -> ()
    } else {
    }
    %mul3A_7 = arith.constant 10000 : i32
    %mul3A_8 = arith.muli %add3A, %mul3A_7 : i32
    "tpu.region"() ({
      %run_scoped3A = tpu.sem_alloc : memref<!tpu.dma_semaphore, #tpu.memory_space<semaphore_mem>>
      %dma_start3A_51 = tpu.memref_slice %arg3[%mul3A_8] : memref<320000xi32, #tpu.memory_space<hbm>> -> memref<10000xi32, #tpu.memory_space<hbm>>
      %dma_start3A_52 = tpu.memref_slice %arg3[%mul3A_8] : memref<320000xi32, #tpu.memory_space<hbm>> -> memref<10000xi32, #tpu.memory_space<hbm>>
      tpu.enqueue_dma source(%dma_start3A_52 : memref<10000xi32, #tpu.memory_space<hbm>>) target(%arg7 : memref<10000xi32, #tpu.memory_space<vmem>>) target_semaphore(%run_scoped3A : memref<!tpu.dma_semaphore, #tpu.memory_space<semaphore_mem>>)
      %dma_wait3A_53 = tpu.memref_slice %arg3[%mul3A_8] : memref<320000xi32, #tpu.memory_space<hbm>> -> memref<10000xi32, #tpu.memory_space<hbm>>
      %dma_wait3A_54 = tpu.memref_slice %arg3[%mul3A_8] : memref<320000xi32, #tpu.memory_space<hbm>> -> memref<10000xi32, #tpu.memory_space<hbm>>
      tpu.wait_dma2 semaphore(%run_scoped3A : memref<!tpu.dma_semaphore, #tpu.memory_space<semaphore_mem>>) src(%dma_wait3A_54 : memref<10000xi32, #tpu.memory_space<hbm>>) dst(%arg7 : memref<10000xi32, #tpu.memory_space<vmem>>)
      tpu.yield
    }) : () -> ()
    %mul3A_9 = arith.constant 10000 : i32
    %mul3A_10 = arith.muli %add3A, %mul3A_9 : i32
    "tpu.region"() ({
      %run_scoped3A = tpu.sem_alloc : memref<!tpu.dma_semaphore, #tpu.memory_space<semaphore_mem>>
      %dma_start3A_51 = tpu.memref_slice %arg4[%mul3A_10] : memref<320000xi32, #tpu.memory_space<hbm>> -> memref<10000xi32, #tpu.memory_space<hbm>>
      %dma_start3A_52 = tpu.memref_slice %arg4[%mul3A_10] : memref<320000xi32, #tpu.memory_space<hbm>> -> memref<10000xi32, #tpu.memory_space<hbm>>
      tpu.enqueue_dma source(%dma_start3A_52 : memref<10000xi32, #tpu.memory_space<hbm>>) target(%arg8 : memref<10000xi32, #tpu.memory_space<vmem>>) target_semaphore(%run_scoped3A : memref<!tpu.dma_semaphore, #tpu.memory_space<semaphore_mem>>)
      %dma_wait3A_53 = tpu.memref_slice %arg4[%mul3A_10] : memref<320000xi32, #tpu.memory_space<hbm>> -> memref<10000xi32, #tpu.memory_space<hbm>>
      %dma_wait3A_54 = tpu.memref_slice %arg4[%mul3A_10] : memref<320000xi32, #tpu.memory_space<hbm>> -> memref<10000xi32, #tpu.memory_space<hbm>>
      tpu.wait_dma2 semaphore(%run_scoped3A : memref<!tpu.dma_semaphore, #tpu.memory_space<semaphore_mem>>) src(%dma_wait3A_54 : memref<10000xi32, #tpu.memory_space<hbm>>) dst(%arg8 : memref<10000xi32, #tpu.memory_space<vmem>>)
      tpu.yield
    }) : () -> ()
    %barrier3A = arith.constant 0 : index
    tpu.barrier barrier_id(%barrier3A)
    %multiple_of3A = arith.constant 0 : i32
    %multiple_of3A_11 = tpu.assume_multiple %multiple_of3A, 80 : i32
    %dma_start3A = tpu.memref_slice %arg7[%multiple_of3A_11] : memref<10000xi32, #tpu.memory_space<vmem>> -> memref<80xi32, #tpu.memory_space<vmem>>
    %dma_start3A_12 = arith.constant 0 : i32
    %dma_start3A_13 = arith.constant 0 : i32
    %dma_start3A_14 = tpu.memref_slice %arg2[%dma_start3A_12, %dma_start3A_13] : memref<10240x128xf32, #tpu.memory_space<hbm>> -> memref<10240x128xf32, #tpu.memory_space<hbm>>
    tpu.enqueue_indirect_dma source(%dma_start3A_14 : memref<10240x128xf32, #tpu.memory_space<hbm>>) target(%arg9 : memref<80x128xf32, #tpu.memory_space<vmem>>) offsets(%dma_start3A : memref<80xi32, #tpu.memory_space<vmem>>) semaphore(%arg13 : memref<!tpu.dma_semaphore, #tpu.memory_space<semaphore_mem>>)
    %multiple_of3A_15 = arith.constant 80 : i32
    %multiple_of3A_16 = tpu.assume_multiple %multiple_of3A_15, 80 : i32
    %dma_start3A_17 = tpu.memref_slice %arg7[%multiple_of3A_16] : memref<10000xi32, #tpu.memory_space<vmem>> -> memref<80xi32, #tpu.memory_space<vmem>>
    %dma_start3A_18 = arith.constant 0 : i32
    %dma_start3A_19 = arith.constant 0 : i32
    %dma_start3A_20 = tpu.memref_slice %arg2[%dma_start3A_18, %dma_start3A_19] : memref<10240x128xf32, #tpu.memory_space<hbm>> -> memref<10240x128xf32, #tpu.memory_space<hbm>>
    tpu.enqueue_indirect_dma source(%dma_start3A_20 : memref<10240x128xf32, #tpu.memory_space<hbm>>) target(%arg10 : memref<80x128xf32, #tpu.memory_space<vmem>>) offsets(%dma_start3A_17 : memref<80xi32, #tpu.memory_space<vmem>>) semaphore(%arg14 : memref<!tpu.dma_semaphore, #tpu.memory_space<semaphore_mem>>)
    %scan3A = arith.constant 0 : i32
    %scan3A_21 = arith.constant 0 : i32
    %scan3A_22 = arith.constant 41 : i32
    %scan3A_23 = arith.addi %scan3A_21, %scan3A_22 : i32
    %scan3A_24 = arith.constant 1 : i32
    scf.for %scan3A_51 = %scan3A_21 to %scan3A_23 step %scan3A_24  : i32 {
      %mul3A_52 = arith.constant 3 : i32
      %mul3A_53 = arith.muli %mul3A_52, %scan3A_51 : i32
      %mul3A_54 = arith.constant 80 : i32
      %mul3A_55 = arith.muli %mul3A_53, %mul3A_54 : i32
      %multiple_of3A_56 = tpu.assume_multiple %mul3A_55, 80 : i32
      %dma_wait3A_57 = tpu.memref_slice %arg7[%multiple_of3A_56] : memref<10000xi32, #tpu.memory_space<vmem>> -> memref<80xi32, #tpu.memory_space<vmem>>
      %dma_wait3A_58 = arith.constant 0 : i32
      %dma_wait3A_59 = arith.constant 0 : i32
      %dma_wait3A_60 = tpu.memref_slice %arg2[%dma_wait3A_58, %dma_wait3A_59] : memref<10240x128xf32, #tpu.memory_space<hbm>> -> memref<10240x128xf32, #tpu.memory_space<hbm>>
      tpu.wait_indirect_dma semaphore(%arg13 : memref<!tpu.dma_semaphore, #tpu.memory_space<semaphore_mem>>) src(%dma_wait3A_60 : memref<10240x128xf32, #tpu.memory_space<hbm>>) dst(%arg9 : memref<80x128xf32, #tpu.memory_space<vmem>>)
      %add3A_61 = arith.constant 2 : i32
      %add3A_62 = arith.addi %mul3A_53, %add3A_61 : i32
      %mul3A_63 = arith.constant 80 : i32
      %mul3A_64 = arith.muli %add3A_62, %mul3A_63 : i32
      %multiple_of3A_65 = tpu.assume_multiple %mul3A_64, 80 : i32
      %dma_start3A_66 = tpu.memref_slice %arg7[%multiple_of3A_65] : memref<10000xi32, #tpu.memory_space<vmem>> -> memref<80xi32, #tpu.memory_space<vmem>>
      %dma_start3A_67 = arith.constant 0 : i32
      %dma_start3A_68 = arith.constant 0 : i32
      %dma_start3A_69 = tpu.memref_slice %arg2[%dma_start3A_67, %dma_start3A_68] : memref<10240x128xf32, #tpu.memory_space<hbm>> -> memref<10240x128xf32, #tpu.memory_space<hbm>>
      tpu.enqueue_indirect_dma source(%dma_start3A_69 : memref<10240x128xf32, #tpu.memory_space<hbm>>) target(%arg11 : memref<80x128xf32, #tpu.memory_space<vmem>>) offsets(%dma_start3A_66 : memref<80xi32, #tpu.memory_space<vmem>>) semaphore(%arg15 : memref<!tpu.dma_semaphore, #tpu.memory_space<semaphore_mem>>)
      %mul3A_70 = arith.constant 80 : i32
      %mul3A_71 = arith.muli %mul3A_53, %mul3A_70 : i32
      %multiple_of3A_72 = tpu.assume_multiple %mul3A_71, 80 : i32
      "tpu.region"() ({
        %run_scoped3A = tpu.sem_alloc : memref<!tpu.dma_semaphore, #tpu.memory_space<semaphore_mem>>
        %dma_start3A_119 = tpu.memref_slice %arg8[%multiple_of3A_72] : memref<10000xi32, #tpu.memory_space<vmem>> -> memref<80xi32, #tpu.memory_space<vmem>>
        %dma_start3A_120 = arith.constant 0 : i32
        %dma_start3A_121 = arith.constant 0 : i32
        %dma_start3A_122 = tpu.memref_slice %arg12[%dma_start3A_120, %dma_start3A_121] : memref<10000x128xf32, #tpu.memory_space<vmem_shared>> -> memref<10000x128xf32, #tpu.memory_space<vmem_shared>>
        tpu.enqueue_indirect_dma source(%arg9 : memref<80x128xf32, #tpu.memory_space<vmem>>) target(%dma_start3A_122 : memref<10000x128xf32, #tpu.memory_space<vmem_shared>>) offsets(%dma_start3A_119 : memref<80xi32, #tpu.memory_space<vmem>>) semaphore(%run_scoped3A : memref<!tpu.dma_semaphore, #tpu.memory_space<semaphore_mem>>) {add = true}
        %dma_wait3A_123 = tpu.memref_slice %arg8[%multiple_of3A_72] : memref<10000xi32, #tpu.memory_space<vmem>> -> memref<80xi32, #tpu.memory_space<vmem>>
        %dma_wait3A_124 = arith.constant 0 : i32
        %dma_wait3A_125 = arith.constant 0 : i32
        %dma_wait3A_126 = tpu.memref_slice %arg12[%dma_wait3A_124, %dma_wait3A_125] : memref<10000x128xf32, #tpu.memory_space<vmem_shared>> -> memref<10000x128xf32, #tpu.memory_space<vmem_shared>>
        tpu.wait_indirect_dma semaphore(%run_scoped3A : memref<!tpu.dma_semaphore, #tpu.memory_space<semaphore_mem>>) src(%arg9 : memref<80x128xf32, #tpu.memory_space<vmem>>) dst(%dma_wait3A_126 : memref<10000x128xf32, #tpu.memory_space<vmem_shared>>)
        tpu.yield
      }) : () -> ()
      %add3A_73 = arith.constant 1 : i32
      %add3A_74 = arith.addi %mul3A_53, %add3A_73 : i32
      %mul3A_75 = arith.constant 80 : i32
      %mul3A_76 = arith.muli %add3A_74, %mul3A_75 : i32
      %multiple_of3A_77 = tpu.assume_multiple %mul3A_76, 80 : i32
      %dma_wait3A_78 = tpu.memref_slice %arg7[%multiple_of3A_77] : memref<10000xi32, #tpu.memory_space<vmem>> -> memref<80xi32, #tpu.memory_space<vmem>>
      %dma_wait3A_79 = arith.constant 0 : i32
      %dma_wait3A_80 = arith.constant 0 : i32
      %dma_wait3A_81 = tpu.memref_slice %arg2[%dma_wait3A_79, %dma_wait3A_80] : memref<10240x128xf32, #tpu.memory_space<hbm>> -> memref<10240x128xf32, #tpu.memory_space<hbm>>
      tpu.wait_indirect_dma semaphore(%arg14 : memref<!tpu.dma_semaphore, #tpu.memory_space<semaphore_mem>>) src(%dma_wait3A_81 : memref<10240x128xf32, #tpu.memory_space<hbm>>) dst(%arg10 : memref<80x128xf32, #tpu.memory_space<vmem>>)
      %add3A_82 = arith.constant 3 : i32
      %add3A_83 = arith.addi %mul3A_53, %add3A_82 : i32
      %mul3A_84 = arith.constant 80 : i32
      %mul3A_85 = arith.muli %add3A_83, %mul3A_84 : i32
      %multiple_of3A_86 = tpu.assume_multiple %mul3A_85, 80 : i32
      %dma_start3A_87 = tpu.memref_slice %arg7[%multiple_of3A_86] : memref<10000xi32, #tpu.memory_space<vmem>> -> memref<80xi32, #tpu.memory_space<vmem>>
      %dma_start3A_88 = arith.constant 0 : i32
      %dma_start3A_89 = arith.constant 0 : i32
      %dma_start3A_90 = tpu.memref_slice %arg2[%dma_start3A_88, %dma_start3A_89] : memref<10240x128xf32, #tpu.memory_space<hbm>> -> memref<10240x128xf32, #tpu.memory_space<hbm>>
      tpu.enqueue_indirect_dma source(%dma_start3A_90 : memref<10240x128xf32, #tpu.memory_space<hbm>>) target(%arg9 : memref<80x128xf32, #tpu.memory_space<vmem>>) offsets(%dma_start3A_87 : memref<80xi32, #tpu.memory_space<vmem>>) semaphore(%arg13 : memref<!tpu.dma_semaphore, #tpu.memory_space<semaphore_mem>>)
      %add3A_91 = arith.constant 1 : i32
      %add3A_92 = arith.addi %mul3A_53, %add3A_91 : i32
      %mul3A_93 = arith.constant 80 : i32
      %mul3A_94 = arith.muli %add3A_92, %mul3A_93 : i32
      %multiple_of3A_95 = tpu.assume_multiple %mul3A_94, 80 : i32
      "tpu.region"() ({
        %run_scoped3A = tpu.sem_alloc : memref<!tpu.dma_semaphore, #tpu.memory_space<semaphore_mem>>
        %dma_start3A_119 = tpu.memref_slice %arg8[%multiple_of3A_95] : memref<10000xi32, #tpu.memory_space<vmem>> -> memref<80xi32, #tpu.memory_space<vmem>>
        %dma_start3A_120 = arith.constant 0 : i32
        %dma_start3A_121 = arith.constant 0 : i32
        %dma_start3A_122 = tpu.memref_slice %arg12[%dma_start3A_120, %dma_start3A_121] : memref<10000x128xf32, #tpu.memory_space<vmem_shared>> -> memref<10000x128xf32, #tpu.memory_space<vmem_shared>>
        tpu.enqueue_indirect_dma source(%arg10 : memref<80x128xf32, #tpu.memory_space<vmem>>) target(%dma_start3A_122 : memref<10000x128xf32, #tpu.memory_space<vmem_shared>>) offsets(%dma_start3A_119 : memref<80xi32, #tpu.memory_space<vmem>>) semaphore(%run_scoped3A : memref<!tpu.dma_semaphore, #tpu.memory_space<semaphore_mem>>) {add = true}
        %dma_wait3A_123 = tpu.memref_slice %arg8[%multiple_of3A_95] : memref<10000xi32, #tpu.memory_space<vmem>> -> memref<80xi32, #tpu.memory_space<vmem>>
        %dma_wait3A_124 = arith.constant 0 : i32
        %dma_wait3A_125 = arith.constant 0 : i32
        %dma_wait3A_126 = tpu.memref_slice %arg12[%dma_wait3A_124, %dma_wait3A_125] : memref<10000x128xf32, #tpu.memory_space<vmem_shared>> -> memref<10000x128xf32, #tpu.memory_space<vmem_shared>>
        tpu.wait_indirect_dma semaphore(%run_scoped3A : memref<!tpu.dma_semaphore, #tpu.memory_space<semaphore_mem>>) src(%arg10 : memref<80x128xf32, #tpu.memory_space<vmem>>) dst(%dma_wait3A_126 : memref<10000x128xf32, #tpu.memory_space<vmem_shared>>)
        tpu.yield
      }) : () -> ()
      %add3A_96 = arith.constant 2 : i32
      %add3A_97 = arith.addi %mul3A_53, %add3A_96 : i32
      %mul3A_98 = arith.constant 80 : i32
      %mul3A_99 = arith.muli %add3A_97, %mul3A_98 : i32
      %multiple_of3A_100 = tpu.assume_multiple %mul3A_99, 80 : i32
      %dma_wait3A_101 = tpu.memref_slice %arg7[%multiple_of3A_100] : memref<10000xi32, #tpu.memory_space<vmem>> -> memref<80xi32, #tpu.memory_space<vmem>>
      %dma_wait3A_102 = arith.constant 0 : i32
      %dma_wait3A_103 = arith.constant 0 : i32
      %dma_wait3A_104 = tpu.memref_slice %arg2[%dma_wait3A_102, %dma_wait3A_103] : memref<10240x128xf32, #tpu.memory_space<hbm>> -> memref<10240x128xf32, #tpu.memory_space<hbm>>
      tpu.wait_indirect_dma semaphore(%arg15 : memref<!tpu.dma_semaphore, #tpu.memory_space<semaphore_mem>>) src(%dma_wait3A_104 : memref<10240x128xf32, #tpu.memory_space<hbm>>) dst(%arg11 : memref<80x128xf32, #tpu.memory_space<vmem>>)
      %add3A_105 = arith.constant 4 : i32
      %add3A_106 = arith.addi %mul3A_53, %add3A_105 : i32
      %mul3A_107 = arith.constant 80 : i32
      %mul3A_108 = arith.muli %add3A_106, %mul3A_107 : i32
      %multiple_of3A_109 = tpu.assume_multiple %mul3A_108, 80 : i32
      %dma_start3A_110 = tpu.memref_slice %arg7[%multiple_of3A_109] : memref<10000xi32, #tpu.memory_space<vmem>> -> memref<80xi32, #tpu.memory_space<vmem>>
      %dma_start3A_111 = arith.constant 0 : i32
      %dma_start3A_112 = arith.constant 0 : i32
      %dma_start3A_113 = tpu.memref_slice %arg2[%dma_start3A_111, %dma_start3A_112] : memref<10240x128xf32, #tpu.memory_space<hbm>> -> memref<10240x128xf32, #tpu.memory_space<hbm>>
      tpu.enqueue_indirect_dma source(%dma_start3A_113 : memref<10240x128xf32, #tpu.memory_space<hbm>>) target(%arg10 : memref<80x128xf32, #tpu.memory_space<vmem>>) offsets(%dma_start3A_110 : memref<80xi32, #tpu.memory_space<vmem>>) semaphore(%arg14 : memref<!tpu.dma_semaphore, #tpu.memory_space<semaphore_mem>>)
      %add3A_114 = arith.constant 2 : i32
      %add3A_115 = arith.addi %mul3A_53, %add3A_114 : i32
      %mul3A_116 = arith.constant 80 : i32
      %mul3A_117 = arith.muli %add3A_115, %mul3A_116 : i32
      %multiple_of3A_118 = tpu.assume_multiple %mul3A_117, 80 : i32
      "tpu.region"() ({
        %run_scoped3A = tpu.sem_alloc : memref<!tpu.dma_semaphore, #tpu.memory_space<semaphore_mem>>
        %dma_start3A_119 = tpu.memref_slice %arg8[%multiple_of3A_118] : memref<10000xi32, #tpu.memory_space<vmem>> -> memref<80xi32, #tpu.memory_space<vmem>>
        %dma_start3A_120 = arith.constant 0 : i32
        %dma_start3A_121 = arith.constant 0 : i32
        %dma_start3A_122 = tpu.memref_slice %arg12[%dma_start3A_120, %dma_start3A_121] : memref<10000x128xf32, #tpu.memory_space<vmem_shared>> -> memref<10000x128xf32, #tpu.memory_space<vmem_shared>>
        tpu.enqueue_indirect_dma source(%arg11 : memref<80x128xf32, #tpu.memory_space<vmem>>) target(%dma_start3A_122 : memref<10000x128xf32, #tpu.memory_space<vmem_shared>>) offsets(%dma_start3A_119 : memref<80xi32, #tpu.memory_space<vmem>>) semaphore(%run_scoped3A : memref<!tpu.dma_semaphore, #tpu.memory_space<semaphore_mem>>) {add = true}
        %dma_wait3A_123 = tpu.memref_slice %arg8[%multiple_of3A_118] : memref<10000xi32, #tpu.memory_space<vmem>> -> memref<80xi32, #tpu.memory_space<vmem>>
        %dma_wait3A_124 = arith.constant 0 : i32
        %dma_wait3A_125 = arith.constant 0 : i32
        %dma_wait3A_126 = tpu.memref_slice %arg12[%dma_wait3A_124, %dma_wait3A_125] : memref<10000x128xf32, #tpu.memory_space<vmem_shared>> -> memref<10000x128xf32, #tpu.memory_space<vmem_shared>>
        tpu.wait_indirect_dma semaphore(%run_scoped3A : memref<!tpu.dma_semaphore, #tpu.memory_space<semaphore_mem>>) src(%arg11 : memref<80x128xf32, #tpu.memory_space<vmem>>) dst(%dma_wait3A_126 : memref<10000x128xf32, #tpu.memory_space<vmem_shared>>)
        tpu.yield
      }) : () -> ()
    }
    %scan3A_25 = arith.constant 41 : i32
    %multiple_of3A_26 = arith.constant 9840 : i32
    %multiple_of3A_27 = tpu.assume_multiple %multiple_of3A_26, 80 : i32
    %dma_wait3A = tpu.memref_slice %arg7[%multiple_of3A_27] : memref<10000xi32, #tpu.memory_space<vmem>> -> memref<80xi32, #tpu.memory_space<vmem>>
    %dma_wait3A_28 = arith.constant 0 : i32
    %dma_wait3A_29 = arith.constant 0 : i32
    %dma_wait3A_30 = tpu.memref_slice %arg2[%dma_wait3A_28, %dma_wait3A_29] : memref<10240x128xf32, #tpu.memory_space<hbm>> -> memref<10240x128xf32, #tpu.memory_space<hbm>>
    tpu.wait_indirect_dma semaphore(%arg13 : memref<!tpu.dma_semaphore, #tpu.memory_space<semaphore_mem>>) src(%dma_wait3A_30 : memref<10240x128xf32, #tpu.memory_space<hbm>>) dst(%arg9 : memref<80x128xf32, #tpu.memory_space<vmem>>)
    %multiple_of3A_31 = arith.constant 9840 : i32
    %multiple_of3A_32 = tpu.assume_multiple %multiple_of3A_31, 80 : i32
    "tpu.region"() ({
      %run_scoped3A = tpu.sem_alloc : memref<!tpu.dma_semaphore, #tpu.memory_space<semaphore_mem>>
      %dma_start3A_51 = tpu.memref_slice %arg8[%multiple_of3A_32] : memref<10000xi32, #tpu.memory_space<vmem>> -> memref<80xi32, #tpu.memory_space<vmem>>
      %dma_start3A_52 = arith.constant 0 : i32
      %dma_start3A_53 = arith.constant 0 : i32
      %dma_start3A_54 = tpu.memref_slice %arg12[%dma_start3A_52, %dma_start3A_53] : memref<10000x128xf32, #tpu.memory_space<vmem_shared>> -> memref<10000x128xf32, #tpu.memory_space<vmem_shared>>
      tpu.enqueue_indirect_dma source(%arg9 : memref<80x128xf32, #tpu.memory_space<vmem>>) target(%dma_start3A_54 : memref<10000x128xf32, #tpu.memory_space<vmem_shared>>) offsets(%dma_start3A_51 : memref<80xi32, #tpu.memory_space<vmem>>) semaphore(%run_scoped3A : memref<!tpu.dma_semaphore, #tpu.memory_space<semaphore_mem>>) {add = true}
      %dma_wait3A_55 = tpu.memref_slice %arg8[%multiple_of3A_32] : memref<10000xi32, #tpu.memory_space<vmem>> -> memref<80xi32, #tpu.memory_space<vmem>>
      %dma_wait3A_56 = arith.constant 0 : i32
      %dma_wait3A_57 = arith.constant 0 : i32
      %dma_wait3A_58 = tpu.memref_slice %arg12[%dma_wait3A_56, %dma_wait3A_57] : memref<10000x128xf32, #tpu.memory_space<vmem_shared>> -> memref<10000x128xf32, #tpu.memory_space<vmem_shared>>
      tpu.wait_indirect_dma semaphore(%run_scoped3A : memref<!tpu.dma_semaphore, #tpu.memory_space<semaphore_mem>>) src(%arg9 : memref<80x128xf32, #tpu.memory_space<vmem>>) dst(%dma_wait3A_58 : memref<10000x128xf32, #tpu.memory_space<vmem_shared>>)
      tpu.yield
    }) : () -> ()
    %multiple_of3A_33 = arith.constant 9920 : i32
    %multiple_of3A_34 = tpu.assume_multiple %multiple_of3A_33, 80 : i32
    %dma_wait3A_35 = tpu.memref_slice %arg7[%multiple_of3A_34] : memref<10000xi32, #tpu.memory_space<vmem>> -> memref<80xi32, #tpu.memory_space<vmem>>
    %dma_wait3A_36 = arith.constant 0 : i32
    %dma_wait3A_37 = arith.constant 0 : i32
    %dma_wait3A_38 = tpu.memref_slice %arg2[%dma_wait3A_36, %dma_wait3A_37] : memref<10240x128xf32, #tpu.memory_space<hbm>> -> memref<10240x128xf32, #tpu.memory_space<hbm>>
    tpu.wait_indirect_dma semaphore(%arg14 : memref<!tpu.dma_semaphore, #tpu.memory_space<semaphore_mem>>) src(%dma_wait3A_38 : memref<10240x128xf32, #tpu.memory_space<hbm>>) dst(%arg10 : memref<80x128xf32, #tpu.memory_space<vmem>>)
    %multiple_of3A_39 = arith.constant 9920 : i32
    %multiple_of3A_40 = tpu.assume_multiple %multiple_of3A_39, 80 : i32
    "tpu.region"() ({
      %run_scoped3A = tpu.sem_alloc : memref<!tpu.dma_semaphore, #tpu.memory_space<semaphore_mem>>
      %dma_start3A_51 = tpu.memref_slice %arg8[%multiple_of3A_40] : memref<10000xi32, #tpu.memory_space<vmem>> -> memref<80xi32, #tpu.memory_space<vmem>>
      %dma_start3A_52 = arith.constant 0 : i32
      %dma_start3A_53 = arith.constant 0 : i32
      %dma_start3A_54 = tpu.memref_slice %arg12[%dma_start3A_52, %dma_start3A_53] : memref<10000x128xf32, #tpu.memory_space<vmem_shared>> -> memref<10000x128xf32, #tpu.memory_space<vmem_shared>>
      tpu.enqueue_indirect_dma source(%arg10 : memref<80x128xf32, #tpu.memory_space<vmem>>) target(%dma_start3A_54 : memref<10000x128xf32, #tpu.memory_space<vmem_shared>>) offsets(%dma_start3A_51 : memref<80xi32, #tpu.memory_space<vmem>>) semaphore(%run_scoped3A : memref<!tpu.dma_semaphore, #tpu.memory_space<semaphore_mem>>) {add = true}
      %dma_wait3A_55 = tpu.memref_slice %arg8[%multiple_of3A_40] : memref<10000xi32, #tpu.memory_space<vmem>> -> memref<80xi32, #tpu.memory_space<vmem>>
      %dma_wait3A_56 = arith.constant 0 : i32
      %dma_wait3A_57 = arith.constant 0 : i32
      %dma_wait3A_58 = tpu.memref_slice %arg12[%dma_wait3A_56, %dma_wait3A_57] : memref<10000x128xf32, #tpu.memory_space<vmem_shared>> -> memref<10000x128xf32, #tpu.memory_space<vmem_shared>>
      tpu.wait_indirect_dma semaphore(%run_scoped3A : memref<!tpu.dma_semaphore, #tpu.memory_space<semaphore_mem>>) src(%arg10 : memref<80x128xf32, #tpu.memory_space<vmem>>) dst(%dma_wait3A_58 : memref<10000x128xf32, #tpu.memory_space<vmem_shared>>)
      tpu.yield
    }) : () -> ()
    %barrier3A_41 = arith.constant 0 : index
    tpu.barrier barrier_id(%barrier3A_41)
    %lt3A = arith.constant 15 : i32
    %lt3A_42 = arith.cmpi slt, %arg1, %lt3A : i32
    %convert_element_type3A_43 = arith.extui %lt3A_42 : i1 to i32
    %cond3A_44 = arith.constant 0 : i32
    %cond3A_45 = arith.cmpi ne, %convert_element_type3A_43, %cond3A_44 : i32
    scf.if %cond3A_45 {
      %mul3A_51 = arith.constant 640 : i32
      %mul3A_52 = arith.muli %arg1, %mul3A_51 : i32
      %mul3A_53 = arith.constant 640 : i32
      %mul3A_54 = arith.muli %arg1, %mul3A_53 : i32
      "tpu.region"() ({
        %run_scoped3A = tpu.sem_alloc : memref<!tpu.dma_semaphore, #tpu.memory_space<semaphore_mem>>
        %dma_start3A_55 = arith.constant 0 : i32
        %dma_start3A_56 = tpu.memref_slice %arg6[%arg0, %mul3A_54, %dma_start3A_55] : memref<2x10240x128xf32, #tpu.memory_space<hbm>> -> memref<1x640x128xf32, #tpu.memory_space<hbm>>
        %dma_start3A_57 = tpu.memref_squeeze %dma_start3A_56 : memref<1x640x128xf32, #tpu.memory_space<hbm>> -> memref<640x128xf32, #tpu.memory_space<hbm>>
        %dma_start3A_58 = arith.constant 0 : i32
        %dma_start3A_59 = tpu.memref_slice %arg12[%mul3A_52, %dma_start3A_58] : memref<10000x128xf32, #tpu.memory_space<vmem_shared>> -> memref<640x128xf32, #tpu.memory_space<vmem_shared>>
        tpu.enqueue_dma source(%dma_start3A_59 : memref<640x128xf32, #tpu.memory_space<vmem_shared>>) target(%dma_start3A_57 : memref<640x128xf32, #tpu.memory_space<hbm>>) target_semaphore(%run_scoped3A : memref<!tpu.dma_semaphore, #tpu.memory_space<semaphore_mem>>)
        %dma_wait3A_60 = arith.constant 0 : i32
        %dma_wait3A_61 = tpu.memref_slice %arg6[%arg0, %mul3A_54, %dma_wait3A_60] : memref<2x10240x128xf32, #tpu.memory_space<hbm>> -> memref<1x640x128xf32, #tpu.memory_space<hbm>>
        %dma_wait3A_62 = tpu.memref_squeeze %dma_wait3A_61 : memref<1x640x128xf32, #tpu.memory_space<hbm>> -> memref<640x128xf32, #tpu.memory_space<hbm>>
        %dma_wait3A_63 = arith.constant 0 : i32
        %dma_wait3A_64 = tpu.memref_slice %arg12[%mul3A_52, %dma_wait3A_63] : memref<10000x128xf32, #tpu.memory_space<vmem_shared>> -> memref<640x128xf32, #tpu.memory_space<vmem_shared>>
        tpu.wait_dma2 semaphore(%run_scoped3A : memref<!tpu.dma_semaphore, #tpu.memory_space<semaphore_mem>>) src(%dma_wait3A_64 : memref<640x128xf32, #tpu.memory_space<vmem_shared>>) dst(%dma_wait3A_62 : memref<640x128xf32, #tpu.memory_space<hbm>>)
        tpu.yield
      }) : () -> ()
    } else {
    }
    %eq3A_46 = arith.constant 15 : i32
    %eq3A_47 = arith.cmpi eq, %arg1, %eq3A_46 : i32
    %convert_element_type3A_48 = arith.extui %eq3A_47 : i1 to i32
    %cond3A_49 = arith.constant 0 : i32
    %cond3A_50 = arith.cmpi ne, %convert_element_type3A_48, %cond3A_49 : i32
    scf.if %cond3A_50 {
      "tpu.region"() ({
        %run_scoped3A = tpu.sem_alloc : memref<!tpu.dma_semaphore, #tpu.memory_space<semaphore_mem>>
        %dma_start3A_51 = arith.constant 9600 : i32
        %dma_start3A_52 = arith.constant 0 : i32
        %dma_start3A_53 = tpu.memref_slice %arg6[%arg0, %dma_start3A_51, %dma_start3A_52] : memref<2x10240x128xf32, #tpu.memory_space<hbm>> -> memref<1x400x128xf32, #tpu.memory_space<hbm>>
        %dma_start3A_54 = tpu.memref_squeeze %dma_start3A_53 : memref<1x400x128xf32, #tpu.memory_space<hbm>> -> memref<400x128xf32, #tpu.memory_space<hbm>>
        %dma_start3A_55 = arith.constant 9600 : i32
        %dma_start3A_56 = arith.constant 0 : i32
        %dma_start3A_57 = tpu.memref_slice %arg12[%dma_start3A_55, %dma_start3A_56] : memref<10000x128xf32, #tpu.memory_space<vmem_shared>> -> memref<400x128xf32, #tpu.memory_space<vmem_shared>>
        tpu.enqueue_dma source(%dma_start3A_57 : memref<400x128xf32, #tpu.memory_space<vmem_shared>>) target(%dma_start3A_54 : memref<400x128xf32, #tpu.memory_space<hbm>>) target_semaphore(%run_scoped3A : memref<!tpu.dma_semaphore, #tpu.memory_space<semaphore_mem>>)
        %dma_wait3A_58 = arith.constant 9600 : i32
        %dma_wait3A_59 = arith.constant 0 : i32
        %dma_wait3A_60 = tpu.memref_slice %arg6[%arg0, %dma_wait3A_58, %dma_wait3A_59] : memref<2x10240x128xf32, #tpu.memory_space<hbm>> -> memref<1x400x128xf32, #tpu.memory_space<hbm>>
        %dma_wait3A_61 = tpu.memref_squeeze %dma_wait3A_60 : memref<1x400x128xf32, #tpu.memory_space<hbm>> -> memref<400x128xf32, #tpu.memory_space<hbm>>
        %dma_wait3A_62 = arith.constant 9600 : i32
        %dma_wait3A_63 = arith.constant 0 : i32
        %dma_wait3A_64 = tpu.memref_slice %arg12[%dma_wait3A_62, %dma_wait3A_63] : memref<10000x128xf32, #tpu.memory_space<vmem_shared>> -> memref<400x128xf32, #tpu.memory_space<vmem_shared>>
        tpu.wait_dma2 semaphore(%run_scoped3A : memref<!tpu.dma_semaphore, #tpu.memory_space<semaphore_mem>>) src(%dma_wait3A_64 : memref<400x128xf32, #tpu.memory_space<vmem_shared>>) dst(%dma_wait3A_61 : memref<400x128xf32, #tpu.memory_space<hbm>>)
        tpu.yield
      }) : () -> ()
      "tpu.region"() ({
        %run_scoped3A = tpu.sem_alloc : memref<!tpu.dma_semaphore, #tpu.memory_space<semaphore_mem>>
        %dma_start3A_51 = arith.constant 10000 : i32
        %dma_start3A_52 = arith.constant 0 : i32
        %dma_start3A_53 = tpu.memref_slice %arg6[%arg0, %dma_start3A_51, %dma_start3A_52] : memref<2x10240x128xf32, #tpu.memory_space<hbm>> -> memref<1x240x128xf32, #tpu.memory_space<hbm>>
        %dma_start3A_54 = tpu.memref_squeeze %dma_start3A_53 : memref<1x240x128xf32, #tpu.memory_space<hbm>> -> memref<240x128xf32, #tpu.memory_space<hbm>>
        %dma_start3A_55 = arith.constant 0 : i32
        %dma_start3A_56 = arith.constant 0 : i32
        %dma_start3A_57 = tpu.memref_slice %arg5[%dma_start3A_55, %dma_start3A_56] : memref<10000x128xf32, #tpu.memory_space<hbm>> -> memref<240x128xf32, #tpu.memory_space<hbm>>
        tpu.enqueue_dma source(%dma_start3A_57 : memref<240x128xf32, #tpu.memory_space<hbm>>) target(%dma_start3A_54 : memref<240x128xf32, #tpu.memory_space<hbm>>) target_semaphore(%run_scoped3A : memref<!tpu.dma_semaphore, #tpu.memory_space<semaphore_mem>>)
        %dma_wait3A_58 = arith.constant 10000 : i32
        %dma_wait3A_59 = arith.constant 0 : i32
        %dma_wait3A_60 = tpu.memref_slice %arg6[%arg0, %dma_wait3A_58, %dma_wait3A_59] : memref<2x10240x128xf32, #tpu.memory_space<hbm>> -> memref<1x240x128xf32, #tpu.memory_space<hbm>>
        %dma_wait3A_61 = tpu.memref_squeeze %dma_wait3A_60 : memref<1x240x128xf32, #tpu.memory_space<hbm>> -> memref<240x128xf32, #tpu.memory_space<hbm>>
        %dma_wait3A_62 = arith.constant 0 : i32
        %dma_wait3A_63 = arith.constant 0 : i32
        %dma_wait3A_64 = tpu.memref_slice %arg5[%dma_wait3A_62, %dma_wait3A_63] : memref<10000x128xf32, #tpu.memory_space<hbm>> -> memref<240x128xf32, #tpu.memory_space<hbm>>
        tpu.wait_dma2 semaphore(%run_scoped3A : memref<!tpu.dma_semaphore, #tpu.memory_space<semaphore_mem>>) src(%dma_wait3A_64 : memref<240x128xf32, #tpu.memory_space<hbm>>) dst(%dma_wait3A_61 : memref<240x128xf32, #tpu.memory_space<hbm>>)
        tpu.yield
      }) : () -> ()
    } else {
    }
    return
  }
}

#map = affine_map<(d0, d1) -> (0, 0)>
#map1 = affine_map<(d0, d1) -> (0)>
#map2 = affine_map<(d0, d1) -> (0, 0, 0)>
module attributes {stable_mosaic.version = 14 : i64} {
  func.func @scat(%arg0: i32, %arg1: i32, %arg2: memref<10240x128xf32, #tpu.memory_space<hbm>>, %arg3: memref<320000xi32, #tpu.memory_space<hbm>>, %arg4: memref<320000xi32, #tpu.memory_space<hbm>>, %arg5: memref<10000x128xf32, #tpu.memory_space<hbm>>, %arg6: memref<2x10240x128xf32, #tpu.memory_space<hbm>>, %arg7: memref<10000xi32, #tpu.memory_space<vmem>>, %arg8: memref<10000xi32, #tpu.memory_space<vmem>>, %arg9: memref<80x128xf32, #tpu.memory_space<vmem>>, %arg10: memref<80x128xf32, #tpu.memory_space<vmem>>, %arg11: memref<80x128xf32, #tpu.memory_space<vmem>>, %arg12: memref<10000x128xf32, #tpu.memory_space<vmem_shared>>, %arg13: memref<!tpu.dma_semaphore, #tpu.memory_space<semaphore_mem>>, %arg14: memref<!tpu.dma_semaphore, #tpu.memory_space<semaphore_mem>>, %arg15: memref<!tpu.dma_semaphore, #tpu.memory_space<semaphore_mem>>) attributes {dimension_semantics = [#tpu.dimension_semantics<core_parallel>, #tpu.dimension_semantics<subcore_parallel>], iteration_bounds = array<i64: 2, 16>, scalar_prefetch = 0 : i64, scratch_operands = 9 : i64, tpu.core_type = #tpu.core_type<sc_vector_subcore>, window_params = [{transform_indices = #map}, {transform_indices = #map1}, {transform_indices = #map1}, {transform_indices = #map}, {transform_indices = #map2}]} {
    %mul3A = arith.constant 16 : i32
    %mul3A_0 = arith.muli %arg0, %mul3A : i32
    %add3A = arith.addi %mul3A_0, %arg1 : i32
    %mul3A_1 = arith.constant 624 : i32
    %mul3A_2 = arith.muli %arg1, %mul3A_1 : i32
    %mul3A_3 = arith.constant 624 : i32
    %mul3A_4 = arith.muli %arg1, %mul3A_3 : i32
    "tpu.region"() ({
      %run_scoped3A = tpu.sem_alloc : memref<!tpu.dma_semaphore, #tpu.memory_space<semaphore_mem>>
      %dma_start3A_51 = arith.constant 0 : i32
      %dma_start3A_52 = tpu.memref_slice %arg12[%mul3A_4, %dma_start3A_51] : memref<10000x128xf32, #tpu.memory_space<vmem_shared>> -> memref<624x128xf32, #tpu.memory_space<vmem_shared>>
      %dma_start3A_53 = arith.constant 0 : i32
      %dma_start3A_54 = tpu.memref_slice %arg5[%mul3A_2, %dma_start3A_53] : memref<10000x128xf32, #tpu.memory_space<hbm>> -> memref<624x128xf32, #tpu.memory_space<hbm>>
      tpu.enqueue_dma source(%dma_start3A_54 : memref<624x128xf32, #tpu.memory_space<hbm>>) target(%dma_start3A_52 : memref<624x128xf32, #tpu.memory_space<vmem_shared>>) target_semaphore(%run_scoped3A : memref<!tpu.dma_semaphore, #tpu.memory_space<semaphore_mem>>)
      %dma_wait3A_55 = arith.constant 0 : i32
      %dma_wait3A_56 = tpu.memref_slice %arg12[%mul3A_4, %dma_wait3A_55] : memref<10000x128xf32, #tpu.memory_space<vmem_shared>> -> memref<624x128xf32, #tpu.memory_space<vmem_shared>>
      %dma_wait3A_57 = arith.constant 0 : i32
      %dma_wait3A_58 = tpu.memref_slice %arg5[%mul3A_2, %dma_wait3A_57] : memref<10000x128xf32, #tpu.memory_space<hbm>> -> memref<624x128xf32, #tpu.memory_space<hbm>>
      tpu.wait_dma2 semaphore(%run_scoped3A : memref<!tpu.dma_semaphore, #tpu.memory_space<semaphore_mem>>) src(%dma_wait3A_58 : memref<624x128xf32, #tpu.memory_space<hbm>>) dst(%dma_wait3A_56 : memref<624x128xf32, #tpu.memory_space<vmem_shared>>)
      tpu.yield
    }) : () -> ()
    %eq3A = arith.constant 15 : i32
    %eq3A_5 = arith.cmpi eq, %arg1, %eq3A : i32
    %convert_element_type3A = arith.extui %eq3A_5 : i1 to i32
    %cond3A = arith.constant 0 : i32
    %cond3A_6 = arith.cmpi ne, %convert_element_type3A, %cond3A : i32
    scf.if %cond3A_6 {
      "tpu.region"() ({
        %run_scoped3A = tpu.sem_alloc : memref<!tpu.dma_semaphore, #tpu.memory_space<semaphore_mem>>
        %dma_start3A_51 = arith.constant 9984 : i32
        %dma_start3A_52 = arith.constant 0 : i32
        %dma_start3A_53 = tpu.memref_slice %arg12[%dma_start3A_51, %dma_start3A_52] : memref<10000x128xf32, #tpu.memory_space<vmem_shared>> -> memref<16x128xf32, #tpu.memory_space<vmem_shared>>
        %dma_start3A_54 = arith.constant 9984 : i32
        %dma_start3A_55 = arith.constant 0 : i32
        %dma_start3A_56 = tpu.memref_slice %arg5[%dma_start3A_54, %dma_start3A_55] : memref<10000x128xf32, #tpu.memory_space<hbm>> -> memref<16x128xf32, #tpu.memory_space<hbm>>
        tpu.enqueue_dma source(%dma_start3A_56 : memref<16x128xf32, #tpu.memory_space<hbm>>) target(%dma_start3A_53 : memref<16x128xf32, #tpu.memory_space<vmem_shared>>) target_semaphore(%run_scoped3A : memref<!tpu.dma_semaphore, #tpu.memory_space<semaphore_mem>>)
        %dma_wait3A_57 = arith.constant 9984 : i32
        %dma_wait3A_58 = arith.constant 0 : i32
        %dma_wait3A_59 = tpu.memref_slice %arg12[%dma_wait3A_57, %dma_wait3A_58] : memref<10000x128xf32, #tpu.memory_space<vmem_shared>> -> memref<16x128xf32, #tpu.memory_space<vmem_shared>>
        %dma_wait3A_60 = arith.constant 9984 : i32
        %dma_wait3A_61 = arith.constant 0 : i32
        %dma_wait3A_62 = tpu.memref_slice %arg5[%dma_wait3A_60, %dma_wait3A_61] : memref<10000x128xf32, #tpu.memory_space<hbm>> -> memref<16x128xf32, #tpu.memory_space<hbm>>
        tpu.wait_dma2 semaphore(%run_scoped3A : memref<!tpu.dma_semaphore, #tpu.memory_space<semaphore_mem>>) src(%dma_wait3A_62 : memref<16x128xf32, #tpu.memory_space<hbm>>) dst(%dma_wait3A_59 : memref<16x128xf32, #tpu.memory_space<vmem_shared>>)
        tpu.yield
      }) : () -> ()
    } else {
    }
    %mul3A_7 = arith.constant 10000 : i32
    %mul3A_8 = arith.muli %add3A, %mul3A_7 : i32
    "tpu.region"() ({
      %run_scoped3A = tpu.sem_alloc : memref<!tpu.dma_semaphore, #tpu.memory_space<semaphore_mem>>
      %dma_start3A_51 = tpu.memref_slice %arg3[%mul3A_8] : memref<320000xi32, #tpu.memory_space<hbm>> -> memref<10000xi32, #tpu.memory_space<hbm>>
      %dma_start3A_52 = tpu.memref_slice %arg3[%mul3A_8] : memref<320000xi32, #tpu.memory_space<hbm>> -> memref<10000xi32, #tpu.memory_space<hbm>>
      tpu.enqueue_dma source(%dma_start3A_52 : memref<10000xi32, #tpu.memory_space<hbm>>) target(%arg7 : memref<10000xi32, #tpu.memory_space<vmem>>) target_semaphore(%run_scoped3A : memref<!tpu.dma_semaphore, #tpu.memory_space<semaphore_mem>>)
      %dma_wait3A_53 = tpu.memref_slice %arg3[%mul3A_8] : memref<320000xi32, #tpu.memory_space<hbm>> -> memref<10000xi32, #tpu.memory_space<hbm>>
      %dma_wait3A_54 = tpu.memref_slice %arg3[%mul3A_8] : memref<320000xi32, #tpu.memory_space<hbm>> -> memref<10000xi32, #tpu.memory_space<hbm>>
      tpu.wait_dma2 semaphore(%run_scoped3A : memref<!tpu.dma_semaphore, #tpu.memory_space<semaphore_mem>>) src(%dma_wait3A_54 : memref<10000xi32, #tpu.memory_space<hbm>>) dst(%arg7 : memref<10000xi32, #tpu.memory_space<vmem>>)
      tpu.yield
    }) : () -> ()
    %mul3A_9 = arith.constant 10000 : i32
    %mul3A_10 = arith.muli %add3A, %mul3A_9 : i32
    "tpu.region"() ({
      %run_scoped3A = tpu.sem_alloc : memref<!tpu.dma_semaphore, #tpu.memory_space<semaphore_mem>>
      %dma_start3A_51 = tpu.memref_slice %arg4[%mul3A_10] : memref<320000xi32, #tpu.memory_space<hbm>> -> memref<10000xi32, #tpu.memory_space<hbm>>
      %dma_start3A_52 = tpu.memref_slice %arg4[%mul3A_10] : memref<320000xi32, #tpu.memory_space<hbm>> -> memref<10000xi32, #tpu.memory_space<hbm>>
      tpu.enqueue_dma source(%dma_start3A_52 : memref<10000xi32, #tpu.memory_space<hbm>>) target(%arg8 : memref<10000xi32, #tpu.memory_space<vmem>>) target_semaphore(%run_scoped3A : memref<!tpu.dma_semaphore, #tpu.memory_space<semaphore_mem>>)
      %dma_wait3A_53 = tpu.memref_slice %arg4[%mul3A_10] : memref<320000xi32, #tpu.memory_space<hbm>> -> memref<10000xi32, #tpu.memory_space<hbm>>
      %dma_wait3A_54 = tpu.memref_slice %arg4[%mul3A_10] : memref<320000xi32, #tpu.memory_space<hbm>> -> memref<10000xi32, #tpu.memory_space<hbm>>
      tpu.wait_dma2 semaphore(%run_scoped3A : memref<!tpu.dma_semaphore, #tpu.memory_space<semaphore_mem>>) src(%dma_wait3A_54 : memref<10000xi32, #tpu.memory_space<hbm>>) dst(%arg8 : memref<10000xi32, #tpu.memory_space<vmem>>)
      tpu.yield
    }) : () -> ()
    %barrier3A = arith.constant 0 : index
    tpu.barrier barrier_id(%barrier3A)
    %multiple_of3A = arith.constant 0 : i32
    %multiple_of3A_11 = tpu.assume_multiple %multiple_of3A, 80 : i32
    %dma_start3A = tpu.memref_slice %arg7[%multiple_of3A_11] : memref<10000xi32, #tpu.memory_space<vmem>> -> memref<80xi32, #tpu.memory_space<vmem>>
    %dma_start3A_12 = arith.constant 0 : i32
    %dma_start3A_13 = arith.constant 0 : i32
    %dma_start3A_14 = tpu.memref_slice %arg2[%dma_start3A_12, %dma_start3A_13] : memref<10240x128xf32, #tpu.memory_space<hbm>> -> memref<10240x128xf32, #tpu.memory_space<hbm>>
    tpu.enqueue_indirect_dma source(%dma_start3A_14 : memref<10240x128xf32, #tpu.memory_space<hbm>>) target(%arg9 : memref<80x128xf32, #tpu.memory_space<vmem>>) offsets(%dma_start3A : memref<80xi32, #tpu.memory_space<vmem>>) semaphore(%arg13 : memref<!tpu.dma_semaphore, #tpu.memory_space<semaphore_mem>>)
    %multiple_of3A_15 = arith.constant 80 : i32
    %multiple_of3A_16 = tpu.assume_multiple %multiple_of3A_15, 80 : i32
    %dma_start3A_17 = tpu.memref_slice %arg7[%multiple_of3A_16] : memref<10000xi32, #tpu.memory_space<vmem>> -> memref<80xi32, #tpu.memory_space<vmem>>
    %dma_start3A_18 = arith.constant 0 : i32
    %dma_start3A_19 = arith.constant 0 : i32
    %dma_start3A_20 = tpu.memref_slice %arg2[%dma_start3A_18, %dma_start3A_19] : memref<10240x128xf32, #tpu.memory_space<hbm>> -> memref<10240x128xf32, #tpu.memory_space<hbm>>
    tpu.enqueue_indirect_dma source(%dma_start3A_20 : memref<10240x128xf32, #tpu.memory_space<hbm>>) target(%arg10 : memref<80x128xf32, #tpu.memory_space<vmem>>) offsets(%dma_start3A_17 : memref<80xi32, #tpu.memory_space<vmem>>) semaphore(%arg14 : memref<!tpu.dma_semaphore, #tpu.memory_space<semaphore_mem>>)
    %scan3A = arith.constant 0 : i32
    %scan3A_21 = arith.constant 0 : i32
    %scan3A_22 = arith.constant 41 : i32
    %scan3A_23 = arith.addi %scan3A_21, %scan3A_22 : i32
    %scan3A_24 = arith.constant 1 : i32
    scf.for %scan3A_51 = %scan3A_21 to %scan3A_23 step %scan3A_24  : i32 {
      %mul3A_52 = arith.constant 3 : i32
      %mul3A_53 = arith.muli %mul3A_52, %scan3A_51 : i32
      %mul3A_54 = arith.constant 80 : i32
      %mul3A_55 = arith.muli %mul3A_53, %mul3A_54 : i32
      %multiple_of3A_56 = tpu.assume_multiple %mul3A_55, 80 : i32
      %dma_wait3A_57 = tpu.memref_slice %arg7[%multiple_of3A_56] : memref<10000xi32, #tpu.memory_space<vmem>> -> memref<80xi32, #tpu.memory_space<vmem>>
      %dma_wait3A_58 = arith.constant 0 : i32
      %dma_wait3A_59 = arith.constant 0 : i32
      %dma_wait3A_60 = tpu.memref_slice %arg2[%dma_wait3A_58, %dma_wait3A_59] : memref<10240x128xf32, #tpu.memory_space<hbm>> -> memref<10240x128xf32, #tpu.memory_space<hbm>>
      tpu.wait_indirect_dma semaphore(%arg13 : memref<!tpu.dma_semaphore, #tpu.memory_space<semaphore_mem>>) src(%dma_wait3A_60 : memref<10240x128xf32, #tpu.memory_space<hbm>>) dst(%arg9 : memref<80x128xf32, #tpu.memory_space<vmem>>)
      %add3A_61 = arith.constant 2 : i32
      %add3A_62 = arith.addi %mul3A_53, %add3A_61 : i32
      %mul3A_63 = arith.constant 80 : i32
      %mul3A_64 = arith.muli %add3A_62, %mul3A_63 : i32
      %multiple_of3A_65 = tpu.assume_multiple %mul3A_64, 80 : i32
      %dma_start3A_66 = tpu.memref_slice %arg7[%multiple_of3A_65] : memref<10000xi32, #tpu.memory_space<vmem>> -> memref<80xi32, #tpu.memory_space<vmem>>
      %dma_start3A_67 = arith.constant 0 : i32
      %dma_start3A_68 = arith.constant 0 : i32
      %dma_start3A_69 = tpu.memref_slice %arg2[%dma_start3A_67, %dma_start3A_68] : memref<10240x128xf32, #tpu.memory_space<hbm>> -> memref<10240x128xf32, #tpu.memory_space<hbm>>
      tpu.enqueue_indirect_dma source(%dma_start3A_69 : memref<10240x128xf32, #tpu.memory_space<hbm>>) target(%arg11 : memref<80x128xf32, #tpu.memory_space<vmem>>) offsets(%dma_start3A_66 : memref<80xi32, #tpu.memory_space<vmem>>) semaphore(%arg15 : memref<!tpu.dma_semaphore, #tpu.memory_space<semaphore_mem>>)
      %mul3A_70 = arith.constant 80 : i32
      %mul3A_71 = arith.muli %mul3A_53, %mul3A_70 : i32
      %multiple_of3A_72 = tpu.assume_multiple %mul3A_71, 80 : i32
      "tpu.region"() ({
        %run_scoped3A = tpu.sem_alloc : memref<!tpu.dma_semaphore, #tpu.memory_space<semaphore_mem>>
        %dma_start3A_119 = tpu.memref_slice %arg8[%multiple_of3A_72] : memref<10000xi32, #tpu.memory_space<vmem>> -> memref<80xi32, #tpu.memory_space<vmem>>
        %dma_start3A_120 = arith.constant 0 : i32
        %dma_start3A_121 = arith.constant 0 : i32
        %dma_start3A_122 = tpu.memref_slice %arg12[%dma_start3A_120, %dma_start3A_121] : memref<10000x128xf32, #tpu.memory_space<vmem_shared>> -> memref<10000x128xf32, #tpu.memory_space<vmem_shared>>
        tpu.enqueue_indirect_dma source(%arg9 : memref<80x128xf32, #tpu.memory_space<vmem>>) target(%dma_start3A_122 : memref<10000x128xf32, #tpu.memory_space<vmem_shared>>) offsets(%dma_start3A_119 : memref<80xi32, #tpu.memory_space<vmem>>) semaphore(%run_scoped3A : memref<!tpu.dma_semaphore, #tpu.memory_space<semaphore_mem>>) {add = true}
        %dma_wait3A_123 = tpu.memref_slice %arg8[%multiple_of3A_72] : memref<10000xi32, #tpu.memory_space<vmem>> -> memref<80xi32, #tpu.memory_space<vmem>>
        %dma_wait3A_124 = arith.constant 0 : i32
        %dma_wait3A_125 = arith.constant 0 : i32
        %dma_wait3A_126 = tpu.memref_slice %arg12[%dma_wait3A_124, %dma_wait3A_125] : memref<10000x128xf32, #tpu.memory_space<vmem_shared>> -> memref<10000x128xf32, #tpu.memory_space<vmem_shared>>
        tpu.wait_indirect_dma semaphore(%run_scoped3A : memref<!tpu.dma_semaphore, #tpu.memory_space<semaphore_mem>>) src(%arg9 : memref<80x128xf32, #tpu.memory_space<vmem>>) dst(%dma_wait3A_126 : memref<10000x128xf32, #tpu.memory_space<vmem_shared>>)
        tpu.yield
      }) : () -> ()
      %add3A_73 = arith.constant 1 : i32
      %add3A_74 = arith.addi %mul3A_53, %add3A_73 : i32
      %mul3A_75 = arith.constant 80 : i32
      %mul3A_76 = arith.muli %add3A_74, %mul3A_75 : i32
      %multiple_of3A_77 = tpu.assume_multiple %mul3A_76, 80 : i32
      %dma_wait3A_78 = tpu.memref_slice %arg7[%multiple_of3A_77] : memref<10000xi32, #tpu.memory_space<vmem>> -> memref<80xi32, #tpu.memory_space<vmem>>
      %dma_wait3A_79 = arith.constant 0 : i32
      %dma_wait3A_80 = arith.constant 0 : i32
      %dma_wait3A_81 = tpu.memref_slice %arg2[%dma_wait3A_79, %dma_wait3A_80] : memref<10240x128xf32, #tpu.memory_space<hbm>> -> memref<10240x128xf32, #tpu.memory_space<hbm>>
      tpu.wait_indirect_dma semaphore(%arg14 : memref<!tpu.dma_semaphore, #tpu.memory_space<semaphore_mem>>) src(%dma_wait3A_81 : memref<10240x128xf32, #tpu.memory_space<hbm>>) dst(%arg10 : memref<80x128xf32, #tpu.memory_space<vmem>>)
      %add3A_82 = arith.constant 3 : i32
      %add3A_83 = arith.addi %mul3A_53, %add3A_82 : i32
      %mul3A_84 = arith.constant 80 : i32
      %mul3A_85 = arith.muli %add3A_83, %mul3A_84 : i32
      %multiple_of3A_86 = tpu.assume_multiple %mul3A_85, 80 : i32
      %dma_start3A_87 = tpu.memref_slice %arg7[%multiple_of3A_86] : memref<10000xi32, #tpu.memory_space<vmem>> -> memref<80xi32, #tpu.memory_space<vmem>>
      %dma_start3A_88 = arith.constant 0 : i32
      %dma_start3A_89 = arith.constant 0 : i32
      %dma_start3A_90 = tpu.memref_slice %arg2[%dma_start3A_88, %dma_start3A_89] : memref<10240x128xf32, #tpu.memory_space<hbm>> -> memref<10240x128xf32, #tpu.memory_space<hbm>>
      tpu.enqueue_indirect_dma source(%dma_start3A_90 : memref<10240x128xf32, #tpu.memory_space<hbm>>) target(%arg9 : memref<80x128xf32, #tpu.memory_space<vmem>>) offsets(%dma_start3A_87 : memref<80xi32, #tpu.memory_space<vmem>>) semaphore(%arg13 : memref<!tpu.dma_semaphore, #tpu.memory_space<semaphore_mem>>)
      %add3A_91 = arith.constant 1 : i32
      %add3A_92 = arith.addi %mul3A_53, %add3A_91 : i32
      %mul3A_93 = arith.constant 80 : i32
      %mul3A_94 = arith.muli %add3A_92, %mul3A_93 : i32
      %multiple_of3A_95 = tpu.assume_multiple %mul3A_94, 80 : i32
      "tpu.region"() ({
        %run_scoped3A = tpu.sem_alloc : memref<!tpu.dma_semaphore, #tpu.memory_space<semaphore_mem>>
        %dma_start3A_119 = tpu.memref_slice %arg8[%multiple_of3A_95] : memref<10000xi32, #tpu.memory_space<vmem>> -> memref<80xi32, #tpu.memory_space<vmem>>
        %dma_start3A_120 = arith.constant 0 : i32
        %dma_start3A_121 = arith.constant 0 : i32
        %dma_start3A_122 = tpu.memref_slice %arg12[%dma_start3A_120, %dma_start3A_121] : memref<10000x128xf32, #tpu.memory_space<vmem_shared>> -> memref<10000x128xf32, #tpu.memory_space<vmem_shared>>
        tpu.enqueue_indirect_dma source(%arg10 : memref<80x128xf32, #tpu.memory_space<vmem>>) target(%dma_start3A_122 : memref<10000x128xf32, #tpu.memory_space<vmem_shared>>) offsets(%dma_start3A_119 : memref<80xi32, #tpu.memory_space<vmem>>) semaphore(%run_scoped3A : memref<!tpu.dma_semaphore, #tpu.memory_space<semaphore_mem>>) {add = true}
        %dma_wait3A_123 = tpu.memref_slice %arg8[%multiple_of3A_95] : memref<10000xi32, #tpu.memory_space<vmem>> -> memref<80xi32, #tpu.memory_space<vmem>>
        %dma_wait3A_124 = arith.constant 0 : i32
        %dma_wait3A_125 = arith.constant 0 : i32
        %dma_wait3A_126 = tpu.memref_slice %arg12[%dma_wait3A_124, %dma_wait3A_125] : memref<10000x128xf32, #tpu.memory_space<vmem_shared>> -> memref<10000x128xf32, #tpu.memory_space<vmem_shared>>
        tpu.wait_indirect_dma semaphore(%run_scoped3A : memref<!tpu.dma_semaphore, #tpu.memory_space<semaphore_mem>>) src(%arg10 : memref<80x128xf32, #tpu.memory_space<vmem>>) dst(%dma_wait3A_126 : memref<10000x128xf32, #tpu.memory_space<vmem_shared>>)
        tpu.yield
      }) : () -> ()
      %add3A_96 = arith.constant 2 : i32
      %add3A_97 = arith.addi %mul3A_53, %add3A_96 : i32
      %mul3A_98 = arith.constant 80 : i32
      %mul3A_99 = arith.muli %add3A_97, %mul3A_98 : i32
      %multiple_of3A_100 = tpu.assume_multiple %mul3A_99, 80 : i32
      %dma_wait3A_101 = tpu.memref_slice %arg7[%multiple_of3A_100] : memref<10000xi32, #tpu.memory_space<vmem>> -> memref<80xi32, #tpu.memory_space<vmem>>
      %dma_wait3A_102 = arith.constant 0 : i32
      %dma_wait3A_103 = arith.constant 0 : i32
      %dma_wait3A_104 = tpu.memref_slice %arg2[%dma_wait3A_102, %dma_wait3A_103] : memref<10240x128xf32, #tpu.memory_space<hbm>> -> memref<10240x128xf32, #tpu.memory_space<hbm>>
      tpu.wait_indirect_dma semaphore(%arg15 : memref<!tpu.dma_semaphore, #tpu.memory_space<semaphore_mem>>) src(%dma_wait3A_104 : memref<10240x128xf32, #tpu.memory_space<hbm>>) dst(%arg11 : memref<80x128xf32, #tpu.memory_space<vmem>>)
      %add3A_105 = arith.constant 4 : i32
      %add3A_106 = arith.addi %mul3A_53, %add3A_105 : i32
      %mul3A_107 = arith.constant 80 : i32
      %mul3A_108 = arith.muli %add3A_106, %mul3A_107 : i32
      %multiple_of3A_109 = tpu.assume_multiple %mul3A_108, 80 : i32
      %dma_start3A_110 = tpu.memref_slice %arg7[%multiple_of3A_109] : memref<10000xi32, #tpu.memory_space<vmem>> -> memref<80xi32, #tpu.memory_space<vmem>>
      %dma_start3A_111 = arith.constant 0 : i32
      %dma_start3A_112 = arith.constant 0 : i32
      %dma_start3A_113 = tpu.memref_slice %arg2[%dma_start3A_111, %dma_start3A_112] : memref<10240x128xf32, #tpu.memory_space<hbm>> -> memref<10240x128xf32, #tpu.memory_space<hbm>>
      tpu.enqueue_indirect_dma source(%dma_start3A_113 : memref<10240x128xf32, #tpu.memory_space<hbm>>) target(%arg10 : memref<80x128xf32, #tpu.memory_space<vmem>>) offsets(%dma_start3A_110 : memref<80xi32, #tpu.memory_space<vmem>>) semaphore(%arg14 : memref<!tpu.dma_semaphore, #tpu.memory_space<semaphore_mem>>)
      %add3A_114 = arith.constant 2 : i32
      %add3A_115 = arith.addi %mul3A_53, %add3A_114 : i32
      %mul3A_116 = arith.constant 80 : i32
      %mul3A_117 = arith.muli %add3A_115, %mul3A_116 : i32
      %multiple_of3A_118 = tpu.assume_multiple %mul3A_117, 80 : i32
      "tpu.region"() ({
        %run_scoped3A = tpu.sem_alloc : memref<!tpu.dma_semaphore, #tpu.memory_space<semaphore_mem>>
        %dma_start3A_119 = tpu.memref_slice %arg8[%multiple_of3A_118] : memref<10000xi32, #tpu.memory_space<vmem>> -> memref<80xi32, #tpu.memory_space<vmem>>
        %dma_start3A_120 = arith.constant 0 : i32
        %dma_start3A_121 = arith.constant 0 : i32
        %dma_start3A_122 = tpu.memref_slice %arg12[%dma_start3A_120, %dma_start3A_121] : memref<10000x128xf32, #tpu.memory_space<vmem_shared>> -> memref<10000x128xf32, #tpu.memory_space<vmem_shared>>
        tpu.enqueue_indirect_dma source(%arg11 : memref<80x128xf32, #tpu.memory_space<vmem>>) target(%dma_start3A_122 : memref<10000x128xf32, #tpu.memory_space<vmem_shared>>) offsets(%dma_start3A_119 : memref<80xi32, #tpu.memory_space<vmem>>) semaphore(%run_scoped3A : memref<!tpu.dma_semaphore, #tpu.memory_space<semaphore_mem>>) {add = true}
        %dma_wait3A_123 = tpu.memref_slice %arg8[%multiple_of3A_118] : memref<10000xi32, #tpu.memory_space<vmem>> -> memref<80xi32, #tpu.memory_space<vmem>>
        %dma_wait3A_124 = arith.constant 0 : i32
        %dma_wait3A_125 = arith.constant 0 : i32
        %dma_wait3A_126 = tpu.memref_slice %arg12[%dma_wait3A_124, %dma_wait3A_125] : memref<10000x128xf32, #tpu.memory_space<vmem_shared>> -> memref<10000x128xf32, #tpu.memory_space<vmem_shared>>
        tpu.wait_indirect_dma semaphore(%run_scoped3A : memref<!tpu.dma_semaphore, #tpu.memory_space<semaphore_mem>>) src(%arg11 : memref<80x128xf32, #tpu.memory_space<vmem>>) dst(%dma_wait3A_126 : memref<10000x128xf32, #tpu.memory_space<vmem_shared>>)
        tpu.yield
      }) : () -> ()
    }
    %scan3A_25 = arith.constant 41 : i32
    %multiple_of3A_26 = arith.constant 9840 : i32
    %multiple_of3A_27 = tpu.assume_multiple %multiple_of3A_26, 80 : i32
    %dma_wait3A = tpu.memref_slice %arg7[%multiple_of3A_27] : memref<10000xi32, #tpu.memory_space<vmem>> -> memref<80xi32, #tpu.memory_space<vmem>>
    %dma_wait3A_28 = arith.constant 0 : i32
    %dma_wait3A_29 = arith.constant 0 : i32
    %dma_wait3A_30 = tpu.memref_slice %arg2[%dma_wait3A_28, %dma_wait3A_29] : memref<10240x128xf32, #tpu.memory_space<hbm>> -> memref<10240x128xf32, #tpu.memory_space<hbm>>
    tpu.wait_indirect_dma semaphore(%arg13 : memref<!tpu.dma_semaphore, #tpu.memory_space<semaphore_mem>>) src(%dma_wait3A_30 : memref<10240x128xf32, #tpu.memory_space<hbm>>) dst(%arg9 : memref<80x128xf32, #tpu.memory_space<vmem>>)
    %multiple_of3A_31 = arith.constant 9840 : i32
    %multiple_of3A_32 = tpu.assume_multiple %multiple_of3A_31, 80 : i32
    "tpu.region"() ({
      %run_scoped3A = tpu.sem_alloc : memref<!tpu.dma_semaphore, #tpu.memory_space<semaphore_mem>>
      %dma_start3A_51 = tpu.memref_slice %arg8[%multiple_of3A_32] : memref<10000xi32, #tpu.memory_space<vmem>> -> memref<80xi32, #tpu.memory_space<vmem>>
      %dma_start3A_52 = arith.constant 0 : i32
      %dma_start3A_53 = arith.constant 0 : i32
      %dma_start3A_54 = tpu.memref_slice %arg12[%dma_start3A_52, %dma_start3A_53] : memref<10000x128xf32, #tpu.memory_space<vmem_shared>> -> memref<10000x128xf32, #tpu.memory_space<vmem_shared>>
      tpu.enqueue_indirect_dma source(%arg9 : memref<80x128xf32, #tpu.memory_space<vmem>>) target(%dma_start3A_54 : memref<10000x128xf32, #tpu.memory_space<vmem_shared>>) offsets(%dma_start3A_51 : memref<80xi32, #tpu.memory_space<vmem>>) semaphore(%run_scoped3A : memref<!tpu.dma_semaphore, #tpu.memory_space<semaphore_mem>>) {add = true}
      %dma_wait3A_55 = tpu.memref_slice %arg8[%multiple_of3A_32] : memref<10000xi32, #tpu.memory_space<vmem>> -> memref<80xi32, #tpu.memory_space<vmem>>
      %dma_wait3A_56 = arith.constant 0 : i32
      %dma_wait3A_57 = arith.constant 0 : i32
      %dma_wait3A_58 = tpu.memref_slice %arg12[%dma_wait3A_56, %dma_wait3A_57] : memref<10000x128xf32, #tpu.memory_space<vmem_shared>> -> memref<10000x128xf32, #tpu.memory_space<vmem_shared>>
      tpu.wait_indirect_dma semaphore(%run_scoped3A : memref<!tpu.dma_semaphore, #tpu.memory_space<semaphore_mem>>) src(%arg9 : memref<80x128xf32, #tpu.memory_space<vmem>>) dst(%dma_wait3A_58 : memref<10000x128xf32, #tpu.memory_space<vmem_shared>>)
      tpu.yield
    }) : () -> ()
    %multiple_of3A_33 = arith.constant 9920 : i32
    %multiple_of3A_34 = tpu.assume_multiple %multiple_of3A_33, 80 : i32
    %dma_wait3A_35 = tpu.memref_slice %arg7[%multiple_of3A_34] : memref<10000xi32, #tpu.memory_space<vmem>> -> memref<80xi32, #tpu.memory_space<vmem>>
    %dma_wait3A_36 = arith.constant 0 : i32
    %dma_wait3A_37 = arith.constant 0 : i32
    %dma_wait3A_38 = tpu.memref_slice %arg2[%dma_wait3A_36, %dma_wait3A_37] : memref<10240x128xf32, #tpu.memory_space<hbm>> -> memref<10240x128xf32, #tpu.memory_space<hbm>>
    tpu.wait_indirect_dma semaphore(%arg14 : memref<!tpu.dma_semaphore, #tpu.memory_space<semaphore_mem>>) src(%dma_wait3A_38 : memref<10240x128xf32, #tpu.memory_space<hbm>>) dst(%arg10 : memref<80x128xf32, #tpu.memory_space<vmem>>)
    %multiple_of3A_39 = arith.constant 9920 : i32
    %multiple_of3A_40 = tpu.assume_multiple %multiple_of3A_39, 80 : i32
    "tpu.region"() ({
      %run_scoped3A = tpu.sem_alloc : memref<!tpu.dma_semaphore, #tpu.memory_space<semaphore_mem>>
      %dma_start3A_51 = tpu.memref_slice %arg8[%multiple_of3A_40] : memref<10000xi32, #tpu.memory_space<vmem>> -> memref<80xi32, #tpu.memory_space<vmem>>
      %dma_start3A_52 = arith.constant 0 : i32
      %dma_start3A_53 = arith.constant 0 : i32
      %dma_start3A_54 = tpu.memref_slice %arg12[%dma_start3A_52, %dma_start3A_53] : memref<10000x128xf32, #tpu.memory_space<vmem_shared>> -> memref<10000x128xf32, #tpu.memory_space<vmem_shared>>
      tpu.enqueue_indirect_dma source(%arg10 : memref<80x128xf32, #tpu.memory_space<vmem>>) target(%dma_start3A_54 : memref<10000x128xf32, #tpu.memory_space<vmem_shared>>) offsets(%dma_start3A_51 : memref<80xi32, #tpu.memory_space<vmem>>) semaphore(%run_scoped3A : memref<!tpu.dma_semaphore, #tpu.memory_space<semaphore_mem>>) {add = true}
      %dma_wait3A_55 = tpu.memref_slice %arg8[%multiple_of3A_40] : memref<10000xi32, #tpu.memory_space<vmem>> -> memref<80xi32, #tpu.memory_space<vmem>>
      %dma_wait3A_56 = arith.constant 0 : i32
      %dma_wait3A_57 = arith.constant 0 : i32
      %dma_wait3A_58 = tpu.memref_slice %arg12[%dma_wait3A_56, %dma_wait3A_57] : memref<10000x128xf32, #tpu.memory_space<vmem_shared>> -> memref<10000x128xf32, #tpu.memory_space<vmem_shared>>
      tpu.wait_indirect_dma semaphore(%run_scoped3A : memref<!tpu.dma_semaphore, #tpu.memory_space<semaphore_mem>>) src(%arg10 : memref<80x128xf32, #tpu.memory_space<vmem>>) dst(%dma_wait3A_58 : memref<10000x128xf32, #tpu.memory_space<vmem_shared>>)
      tpu.yield
    }) : () -> ()
    %barrier3A_41 = arith.constant 0 : index
    tpu.barrier barrier_id(%barrier3A_41)
    %lt3A = arith.constant 15 : i32
    %lt3A_42 = arith.cmpi slt, %arg1, %lt3A : i32
    %convert_element_type3A_43 = arith.extui %lt3A_42 : i1 to i32
    %cond3A_44 = arith.constant 0 : i32
    %cond3A_45 = arith.cmpi ne, %convert_element_type3A_43, %cond3A_44 : i32
    scf.if %cond3A_45 {
      %mul3A_51 = arith.constant 640 : i32
      %mul3A_52 = arith.muli %arg1, %mul3A_51 : i32
      %mul3A_53 = arith.constant 640 : i32
      %mul3A_54 = arith.muli %arg1, %mul3A_53 : i32
      "tpu.region"() ({
        %run_scoped3A = tpu.sem_alloc : memref<!tpu.dma_semaphore, #tpu.memory_space<semaphore_mem>>
        %dma_start3A_55 = arith.constant 0 : i32
        %dma_start3A_56 = tpu.memref_slice %arg6[%arg0, %mul3A_54, %dma_start3A_55] : memref<2x10240x128xf32, #tpu.memory_space<hbm>> -> memref<1x640x128xf32, #tpu.memory_space<hbm>>
        %dma_start3A_57 = tpu.memref_squeeze %dma_start3A_56 : memref<1x640x128xf32, #tpu.memory_space<hbm>> -> memref<640x128xf32, #tpu.memory_space<hbm>>
        %dma_start3A_58 = arith.constant 0 : i32
        %dma_start3A_59 = tpu.memref_slice %arg12[%mul3A_52, %dma_start3A_58] : memref<10000x128xf32, #tpu.memory_space<vmem_shared>> -> memref<640x128xf32, #tpu.memory_space<vmem_shared>>
        tpu.enqueue_dma source(%dma_start3A_59 : memref<640x128xf32, #tpu.memory_space<vmem_shared>>) target(%dma_start3A_57 : memref<640x128xf32, #tpu.memory_space<hbm>>) target_semaphore(%run_scoped3A : memref<!tpu.dma_semaphore, #tpu.memory_space<semaphore_mem>>)
        %dma_wait3A_60 = arith.constant 0 : i32
        %dma_wait3A_61 = tpu.memref_slice %arg6[%arg0, %mul3A_54, %dma_wait3A_60] : memref<2x10240x128xf32, #tpu.memory_space<hbm>> -> memref<1x640x128xf32, #tpu.memory_space<hbm>>
        %dma_wait3A_62 = tpu.memref_squeeze %dma_wait3A_61 : memref<1x640x128xf32, #tpu.memory_space<hbm>> -> memref<640x128xf32, #tpu.memory_space<hbm>>
        %dma_wait3A_63 = arith.constant 0 : i32
        %dma_wait3A_64 = tpu.memref_slice %arg12[%mul3A_52, %dma_wait3A_63] : memref<10000x128xf32, #tpu.memory_space<vmem_shared>> -> memref<640x128xf32, #tpu.memory_space<vmem_shared>>
        tpu.wait_dma2 semaphore(%run_scoped3A : memref<!tpu.dma_semaphore, #tpu.memory_space<semaphore_mem>>) src(%dma_wait3A_64 : memref<640x128xf32, #tpu.memory_space<vmem_shared>>) dst(%dma_wait3A_62 : memref<640x128xf32, #tpu.memory_space<hbm>>)
        tpu.yield
      }) : () -> ()
    } else {
    }
    %eq3A_46 = arith.constant 15 : i32
    %eq3A_47 = arith.cmpi eq, %arg1, %eq3A_46 : i32
    %convert_element_type3A_48 = arith.extui %eq3A_47 : i1 to i32
    %cond3A_49 = arith.constant 0 : i32
    %cond3A_50 = arith.cmpi ne, %convert_element_type3A_48, %cond3A_49 : i32
    scf.if %cond3A_50 {
      "tpu.region"() ({
        %run_scoped3A = tpu.sem_alloc : memref<!tpu.dma_semaphore, #tpu.memory_space<semaphore_mem>>
        %dma_start3A_51 = arith.constant 9600 : i32
        %dma_start3A_52 = arith.constant 0 : i32
        %dma_start3A_53 = tpu.memref_slice %arg6[%arg0, %dma_start3A_51, %dma_start3A_52] : memref<2x10240x128xf32, #tpu.memory_space<hbm>> -> memref<1x400x128xf32, #tpu.memory_space<hbm>>
        %dma_start3A_54 = tpu.memref_squeeze %dma_start3A_53 : memref<1x400x128xf32, #tpu.memory_space<hbm>> -> memref<400x128xf32, #tpu.memory_space<hbm>>
        %dma_start3A_55 = arith.constant 9600 : i32
        %dma_start3A_56 = arith.constant 0 : i32
        %dma_start3A_57 = tpu.memref_slice %arg12[%dma_start3A_55, %dma_start3A_56] : memref<10000x128xf32, #tpu.memory_space<vmem_shared>> -> memref<400x128xf32, #tpu.memory_space<vmem_shared>>
        tpu.enqueue_dma source(%dma_start3A_57 : memref<400x128xf32, #tpu.memory_space<vmem_shared>>) target(%dma_start3A_54 : memref<400x128xf32, #tpu.memory_space<hbm>>) target_semaphore(%run_scoped3A : memref<!tpu.dma_semaphore, #tpu.memory_space<semaphore_mem>>)
        %dma_wait3A_58 = arith.constant 9600 : i32
        %dma_wait3A_59 = arith.constant 0 : i32
        %dma_wait3A_60 = tpu.memref_slice %arg6[%arg0, %dma_wait3A_58, %dma_wait3A_59] : memref<2x10240x128xf32, #tpu.memory_space<hbm>> -> memref<1x400x128xf32, #tpu.memory_space<hbm>>
        %dma_wait3A_61 = tpu.memref_squeeze %dma_wait3A_60 : memref<1x400x128xf32, #tpu.memory_space<hbm>> -> memref<400x128xf32, #tpu.memory_space<hbm>>
        %dma_wait3A_62 = arith.constant 9600 : i32
        %dma_wait3A_63 = arith.constant 0 : i32
        %dma_wait3A_64 = tpu.memref_slice %arg12[%dma_wait3A_62, %dma_wait3A_63] : memref<10000x128xf32, #tpu.memory_space<vmem_shared>> -> memref<400x128xf32, #tpu.memory_space<vmem_shared>>
        tpu.wait_dma2 semaphore(%run_scoped3A : memref<!tpu.dma_semaphore, #tpu.memory_space<semaphore_mem>>) src(%dma_wait3A_64 : memref<400x128xf32, #tpu.memory_space<vmem_shared>>) dst(%dma_wait3A_61 : memref<400x128xf32, #tpu.memory_space<hbm>>)
        tpu.yield
      }) : () -> ()
      "tpu.region"() ({
        %run_scoped3A = tpu.sem_alloc : memref<!tpu.dma_semaphore, #tpu.memory_space<semaphore_mem>>
        %dma_start3A_51 = arith.constant 10000 : i32
        %dma_start3A_52 = arith.constant 0 : i32
        %dma_start3A_53 = tpu.memref_slice %arg6[%arg0, %dma_start3A_51, %dma_start3A_52] : memref<2x10240x128xf32, #tpu.memory_space<hbm>> -> memref<1x240x128xf32, #tpu.memory_space<hbm>>
        %dma_start3A_54 = tpu.memref_squeeze %dma_start3A_53 : memref<1x240x128xf32, #tpu.memory_space<hbm>> -> memref<240x128xf32, #tpu.memory_space<hbm>>
        %dma_start3A_55 = arith.constant 0 : i32
        %dma_start3A_56 = arith.constant 0 : i32
        %dma_start3A_57 = tpu.memref_slice %arg5[%dma_start3A_55, %dma_start3A_56] : memref<10000x128xf32, #tpu.memory_space<hbm>> -> memref<240x128xf32, #tpu.memory_space<hbm>>
        tpu.enqueue_dma source(%dma_start3A_57 : memref<240x128xf32, #tpu.memory_space<hbm>>) target(%dma_start3A_54 : memref<240x128xf32, #tpu.memory_space<hbm>>) target_semaphore(%run_scoped3A : memref<!tpu.dma_semaphore, #tpu.memory_space<semaphore_mem>>)
        %dma_wait3A_58 = arith.constant 10000 : i32
        %dma_wait3A_59 = arith.constant 0 : i32
        %dma_wait3A_60 = tpu.memref_slice %arg6[%arg0, %dma_wait3A_58, %dma_wait3A_59] : memref<2x10240x128xf32, #tpu.memory_space<hbm>> -> memref<1x240x128xf32, #tpu.memory_space<hbm>>
        %dma_wait3A_61 = tpu.memref_squeeze %dma_wait3A_60 : memref<1x240x128xf32, #tpu.memory_space<hbm>> -> memref<240x128xf32, #tpu.memory_space<hbm>>
        %dma_wait3A_62 = arith.constant 0 : i32
        %dma_wait3A_63 = arith.constant 0 : i32
        %dma_wait3A_64 = tpu.memref_slice %arg5[%dma_wait3A_62, %dma_wait3A_63] : memref<10000x128xf32, #tpu.memory_space<hbm>> -> memref<240x128xf32, #tpu.memory_space<hbm>>
        tpu.wait_dma2 semaphore(%run_scoped3A : memref<!tpu.dma_semaphore, #tpu.memory_space<semaphore_mem>>) src(%dma_wait3A_64 : memref<240x128xf32, #tpu.memory_space<hbm>>) dst(%dma_wait3A_61 : memref<240x128xf32, #tpu.memory_space<hbm>>)
        tpu.yield
      }) : () -> ()
    } else {
    }
    return
  }
}

module attributes {stable_mosaic.version = 14 : i64} {
  func.func @_tcA_body(%arg0: i32, %arg1: memref<2048x128xf32, #tpu.memory_space<vmem>>, %arg2: memref<128x128xf32, #tpu.memory_space<vmem>>, %arg3: memref<32x2048xf32, #tpu.memory_space<vmem>>, %arg4: memref<2048x128xf32, #tpu.memory_space<vmem>>, %arg5: memref<2048x1xf32, #tpu.memory_space<vmem>>) attributes {dimension_semantics = [#tpu.dimension_semantics<arbitrary>], iteration_bounds = array<i64: 5>, scalar_prefetch = 0 : i64, scratch_operands = 0 : i64, tpu.core_type = #tpu.core_type<tc>, window_params = [{transform_indices = @transform_0, window_bounds = array<i64: 2048, 128>}, {pipeline_mode = #tpu.pipeline_mode<synchronous>, transform_indices = @transform_1, window_bounds = array<i64: 128, 128>}, {transform_indices = @transform_2, window_bounds = array<i64: 32, 2048>}, {transform_indices = @transform_3, window_bounds = array<i64: 2048, 128>}, {transform_indices = @transform_4, window_bounds = array<i64: 2048, 1>}]} {
    %broadcast_in_dim3A = arith.constant 1.000000e+00 : f32
    %broadcast_in_dim3A_0 = vector.broadcast %broadcast_in_dim3A : f32 to vector<32x1xf32>
    %get3A = arith.constant 0 : index
    %get3A_1 = arith.constant 0 : index
    %get3A_2 = vector.load %arg3[%get3A, %get3A_1] : memref<32x2048xf32, #tpu.memory_space<vmem>>, vector<32x2048xf32>
    %dot_general3A = arith.constant dense<0.000000e+00> : vector<2048x1xf32>
    %dot_general3A_3 = tpu.matmul %get3A_2, %broadcast_in_dim3A_0, %dot_general3A {dimension_numbers = #tpu.dot_dimension_numbers<[0], [0], [1], [1], [0, 1, 1, 1], [], []>, precision = #tpu.contract_precision<fp32>, transpose_lhs_hint = false} : vector<32x2048xf32>, vector<32x1xf32>, vector<2048x1xf32> -> vector<2048x1xf32>
    %add3A = arith.constant 1.000000e+00 : f32
    %add3A_4 = vector.broadcast %add3A : f32 to vector<2048x1xf32>
    %add3A_5 = arith.addf %dot_general3A_3, %add3A_4 : vector<2048x1xf32>
    %rsqrt3A = math.rsqrt %add3A_5 : vector<2048x1xf32>
    %get3A_6 = arith.constant 0 : index
    %get3A_7 = arith.constant 0 : index
    %get3A_8 = vector.load %arg1[%get3A_6, %get3A_7] : memref<2048x128xf32, #tpu.memory_space<vmem>>, vector<2048x128xf32>
    %get3A_9 = arith.constant 0 : index
    %get3A_10 = arith.constant 0 : index
    %get3A_11 = vector.load %arg2[%get3A_9, %get3A_10] : memref<128x128xf32, #tpu.memory_space<vmem>>, vector<128x128xf32>
    %dot_general3A_12 = arith.constant dense<0.000000e+00> : vector<2048x128xf32>
    %dot_general3A_13 = tpu.matmul %get3A_8, %get3A_11, %dot_general3A_12 {dimension_numbers = #tpu.dot_dimension_numbers<[1], [0], [0], [1], [0, 0, 1, 1], [], []>, precision = #tpu.contract_precision<fp32>, transpose_lhs_hint = false} : vector<2048x128xf32>, vector<128x128xf32>, vector<2048x128xf32> -> vector<2048x128xf32>
    %mul3A = vector.broadcast %rsqrt3A : vector<2048x1xf32> to vector<2048x128xf32>
    %mul3A_14 = arith.mulf %dot_general3A_13, %mul3A : vector<2048x128xf32>
    %swap3A = arith.constant 0 : index
    %swap3A_15 = arith.constant 0 : index
    %swap3A_16 = vector.load %arg4[%swap3A, %swap3A_15] : memref<2048x128xf32, #tpu.memory_space<vmem>>, vector<2048x128xf32>
    tpu.vector_store %arg4[%swap3A, %swap3A_15], %mul3A_14 {strides = array<i32>} : memref<2048x128xf32, #tpu.memory_space<vmem>>, vector<2048x128xf32>,
    %swap3A_17 = arith.constant 0 : index
    %swap3A_18 = arith.constant 0 : index
    %swap3A_19 = vector.load %arg5[%swap3A_17, %swap3A_18] : memref<2048x1xf32, #tpu.memory_space<vmem>>, vector<2048x1xf32>
    tpu.vector_store %arg5[%swap3A_17, %swap3A_18], %rsqrt3A {strides = array<i32>} : memref<2048x1xf32, #tpu.memory_space<vmem>>, vector<2048x1xf32>,
    return
  }
  func.func @transform_0(%arg0: i32) -> (i32, i32) {
    %c0_i32 = arith.constant 0 : i32
    %c0_i32_0 = arith.constant 0 : i32
    return %arg0, %c0_i32 : i32, i32
  }
  func.func @transform_1(%arg0: i32) -> (i32, i32) {
    %c0_i32 = arith.constant 0 : i32
    %c0_i32_0 = arith.constant 0 : i32
    %c0_i32_1 = arith.constant 0 : i32
    return %c0_i32, %c0_i32_0 : i32, i32
  }
  func.func @transform_2(%arg0: i32) -> (i32, i32) {
    %c0_i32 = arith.constant 0 : i32
    %c0_i32_0 = arith.constant 0 : i32
    return %c0_i32, %arg0 : i32, i32
  }
  func.func @transform_3(%arg0: i32) -> (i32, i32) {
    %c0_i32 = arith.constant 0 : i32
    %c0_i32_0 = arith.constant 0 : i32
    return %arg0, %c0_i32 : i32, i32
  }
  func.func @transform_4(%arg0: i32) -> (i32, i32) {
    %c0_i32 = arith.constant 0 : i32
    %c0_i32_0 = arith.constant 0 : i32
    return %arg0, %c0_i32 : i32, i32
  }
}

module attributes {stable_mosaic.version = 14 : i64} {
  func.func @_tcB_body(%arg0: i32, %arg1: memref<2x2048x128xf32, #tpu.memory_space<vmem>>, %arg2: memref<2048x128xf32, #tpu.memory_space<vmem>>, %arg3: memref<2048x1xf32, #tpu.memory_space<vmem>>, %arg4: memref<1x128xf32, #tpu.memory_space<vmem>>, %arg5: memref<128x128xf32, #tpu.memory_space<vmem>>, %arg6: memref<2048x128xf32, #tpu.memory_space<vmem>>) attributes {dimension_semantics = [#tpu.dimension_semantics<arbitrary>], iteration_bounds = array<i64: 5>, scalar_prefetch = 0 : i64, scratch_operands = 0 : i64, tpu.core_type = #tpu.core_type<tc>, window_params = [{transform_indices = @transform_0, window_bounds = array<i64: 2, 2048, 128>}, {transform_indices = @transform_1, window_bounds = array<i64: 2048, 128>}, {transform_indices = @transform_2, window_bounds = array<i64: 2048, 1>}, {pipeline_mode = #tpu.pipeline_mode<synchronous>, transform_indices = @transform_3, window_bounds = array<i64: 1, 128>}, {pipeline_mode = #tpu.pipeline_mode<synchronous>, transform_indices = @transform_4, window_bounds = array<i64: 128, 128>}, {transform_indices = @transform_5, window_bounds = array<i64: 2048, 128>}]} {
    %get3A = arith.constant 0 : index
    %get3A_0 = arith.constant 0 : index
    %get3A_1 = vector.load %arg3[%get3A, %get3A_0] : memref<2048x1xf32, #tpu.memory_space<vmem>>, vector<2048x1xf32>
    %get3A_2 = arith.constant 0 : index
    %get3A_3 = arith.constant 0 : index
    %get3A_4 = arith.constant 0 : index
    %get3A_5 = vector.load %arg1[%get3A_2, %get3A_3, %get3A_4] : memref<2x2048x128xf32, #tpu.memory_space<vmem>>, vector<1x2048x128xf32>
    %get3A_6 = vector.shape_cast %get3A_5 : vector<1x2048x128xf32> to vector<2048x128xf32>
    %get3A_7 = arith.constant 1 : index
    %get3A_8 = arith.constant 0 : index
    %get3A_9 = arith.constant 0 : index
    %get3A_10 = vector.load %arg1[%get3A_7, %get3A_8, %get3A_9] : memref<2x2048x128xf32, #tpu.memory_space<vmem>>, vector<1x2048x128xf32>
    %get3A_11 = vector.shape_cast %get3A_10 : vector<1x2048x128xf32> to vector<2048x128xf32>
    %add3A = arith.addf %get3A_6, %get3A_11 : vector<2048x128xf32>
    %get3A_12 = arith.constant 0 : index
    %get3A_13 = arith.constant 0 : index
    %get3A_14 = vector.load %arg2[%get3A_12, %get3A_13] : memref<2048x128xf32, #tpu.memory_space<vmem>>, vector<2048x128xf32>
    %add3A_15 = arith.addf %add3A, %get3A_14 : vector<2048x128xf32>
    %mul3A = vector.broadcast %get3A_1 : vector<2048x1xf32> to vector<2048x128xf32>
    %mul3A_16 = arith.mulf %mul3A, %add3A_15 : vector<2048x128xf32>
    %get3A_17 = arith.constant 0 : index
    %get3A_18 = arith.constant 0 : index
    %get3A_19 = vector.load %arg4[%get3A_17, %get3A_18] : memref<1x128xf32, #tpu.memory_space<vmem>>, vector<1x128xf32>
    %add3A_20 = vector.broadcast %get3A_19 : vector<1x128xf32> to vector<2048x128xf32>
    %add3A_21 = arith.addf %mul3A_16, %add3A_20 : vector<2048x128xf32>
    %max3A = arith.constant 0.000000e+00 : f32
    %max3A_22 = vector.broadcast %max3A : f32 to vector<2048x128xf32>
    %max3A_23 = arith.maximumf %add3A_21, %max3A_22 : vector<2048x128xf32>
    %get3A_24 = arith.constant 0 : index
    %get3A_25 = arith.constant 0 : index
    %get3A_26 = vector.load %arg5[%get3A_24, %get3A_25] : memref<128x128xf32, #tpu.memory_space<vmem>>, vector<128x128xf32>
    %dot_general3A = arith.constant dense<0.000000e+00> : vector<2048x128xf32>
    %dot_general3A_27 = tpu.matmul %max3A_23, %get3A_26, %dot_general3A {dimension_numbers = #tpu.dot_dimension_numbers<[1], [0], [0], [1], [0, 0, 1, 1], [], []>, precision = #tpu.contract_precision<fp32>, transpose_lhs_hint = false} : vector<2048x128xf32>, vector<128x128xf32>, vector<2048x128xf32> -> vector<2048x128xf32>
    %mul3A_28 = vector.broadcast %get3A_1 : vector<2048x1xf32> to vector<2048x128xf32>
    %mul3A_29 = arith.mulf %mul3A_28, %dot_general3A_27 : vector<2048x128xf32>
    %swap3A = arith.constant 0 : index
    %swap3A_30 = arith.constant 0 : index
    %swap3A_31 = vector.load %arg6[%swap3A, %swap3A_30] : memref<2048x128xf32, #tpu.memory_space<vmem>>, vector<2048x128xf32>
    tpu.vector_store %arg6[%swap3A, %swap3A_30], %mul3A_29 {strides = array<i32>} : memref<2048x128xf32, #tpu.memory_space<vmem>>, vector<2048x128xf32>,
    return
  }
  func.func @transform_0(%arg0: i32) -> (i32, i32, i32) {
    %c0_i32 = arith.constant 0 : i32
    %c0_i32_0 = arith.constant 0 : i32
    %c0_i32_1 = arith.constant 0 : i32
    return %c0_i32, %arg0, %c0_i32_0 : i32, i32, i32
  }
  func.func @transform_1(%arg0: i32) -> (i32, i32) {
    %c0_i32 = arith.constant 0 : i32
    %c0_i32_0 = arith.constant 0 : i32
    return %arg0, %c0_i32 : i32, i32
  }
  func.func @transform_2(%arg0: i32) -> (i32, i32) {
    %c0_i32 = arith.constant 0 : i32
    %c0_i32_0 = arith.constant 0 : i32
    return %arg0, %c0_i32 : i32, i32
  }
  func.func @transform_3(%arg0: i32) -> (i32, i32) {
    %c0_i32 = arith.constant 0 : i32
    %c0_i32_0 = arith.constant 0 : i32
    %c0_i32_1 = arith.constant 0 : i32
    return %c0_i32, %c0_i32_0 : i32, i32
  }
  func.func @transform_4(%arg0: i32) -> (i32, i32) {
    %c0_i32 = arith.constant 0 : i32
    %c0_i32_0 = arith.constant 0 : i32
    %c0_i32_1 = arith.constant 0 : i32
    return %c0_i32, %c0_i32_0 : i32, i32
  }
  func.func @transform_5(%arg0: i32) -> (i32, i32) {
    %c0_i32 = arith.constant 0 : i32
    %c0_i32_0 = arith.constant 0 : i32
    return %arg0, %c0_i32 : i32, i32
  }
}

module attributes {stable_mosaic.version = 14 : i64} {
  func.func @_tcC_body(%arg0: i32, %arg1: memref<2x2048x128xf32, #tpu.memory_space<vmem>>, %arg2: memref<2048x128xf32, #tpu.memory_space<vmem>>, %arg3: memref<2048x1xf32, #tpu.memory_space<vmem>>, %arg4: memref<1x128xf32, #tpu.memory_space<vmem>>, %arg5: memref<2048x128xf32, #tpu.memory_space<vmem>>) attributes {dimension_semantics = [#tpu.dimension_semantics<arbitrary>], iteration_bounds = array<i64: 5>, scalar_prefetch = 0 : i64, scratch_operands = 0 : i64, tpu.core_type = #tpu.core_type<tc>, window_params = [{transform_indices = @transform_0, window_bounds = array<i64: 2, 2048, 128>}, {transform_indices = @transform_1, window_bounds = array<i64: 2048, 128>}, {transform_indices = @transform_2, window_bounds = array<i64: 2048, 1>}, {pipeline_mode = #tpu.pipeline_mode<synchronous>, transform_indices = @transform_3, window_bounds = array<i64: 1, 128>}, {transform_indices = @transform_4, window_bounds = array<i64: 2048, 128>}]} {
    %get3A = arith.constant 0 : index
    %get3A_0 = arith.constant 0 : index
    %get3A_1 = vector.load %arg3[%get3A, %get3A_0] : memref<2048x1xf32, #tpu.memory_space<vmem>>, vector<2048x1xf32>
    %get3A_2 = arith.constant 0 : index
    %get3A_3 = arith.constant 0 : index
    %get3A_4 = arith.constant 0 : index
    %get3A_5 = vector.load %arg1[%get3A_2, %get3A_3, %get3A_4] : memref<2x2048x128xf32, #tpu.memory_space<vmem>>, vector<1x2048x128xf32>
    %get3A_6 = vector.shape_cast %get3A_5 : vector<1x2048x128xf32> to vector<2048x128xf32>
    %get3A_7 = arith.constant 1 : index
    %get3A_8 = arith.constant 0 : index
    %get3A_9 = arith.constant 0 : index
    %get3A_10 = vector.load %arg1[%get3A_7, %get3A_8, %get3A_9] : memref<2x2048x128xf32, #tpu.memory_space<vmem>>, vector<1x2048x128xf32>
    %get3A_11 = vector.shape_cast %get3A_10 : vector<1x2048x128xf32> to vector<2048x128xf32>
    %add3A = arith.addf %get3A_6, %get3A_11 : vector<2048x128xf32>
    %get3A_12 = arith.constant 0 : index
    %get3A_13 = arith.constant 0 : index
    %get3A_14 = vector.load %arg2[%get3A_12, %get3A_13] : memref<2048x128xf32, #tpu.memory_space<vmem>>, vector<2048x128xf32>
    %add3A_15 = arith.addf %add3A, %get3A_14 : vector<2048x128xf32>
    %mul3A = vector.broadcast %get3A_1 : vector<2048x1xf32> to vector<2048x128xf32>
    %mul3A_16 = arith.mulf %mul3A, %add3A_15 : vector<2048x128xf32>
    %get3A_17 = arith.constant 0 : index
    %get3A_18 = arith.constant 0 : index
    %get3A_19 = vector.load %arg4[%get3A_17, %get3A_18] : memref<1x128xf32, #tpu.memory_space<vmem>>, vector<1x128xf32>
    %add3A_20 = vector.broadcast %get3A_19 : vector<1x128xf32> to vector<2048x128xf32>
    %add3A_21 = arith.addf %mul3A_16, %add3A_20 : vector<2048x128xf32>
    %max3A = arith.constant 0.000000e+00 : f32
    %max3A_22 = vector.broadcast %max3A : f32 to vector<2048x128xf32>
    %max3A_23 = arith.maximumf %add3A_21, %max3A_22 : vector<2048x128xf32>
    %mul3A_24 = vector.broadcast %get3A_1 : vector<2048x1xf32> to vector<2048x128xf32>
    %mul3A_25 = arith.mulf %mul3A_24, %max3A_23 : vector<2048x128xf32>
    %swap3A = arith.constant 0 : index
    %swap3A_26 = arith.constant 0 : index
    %swap3A_27 = vector.load %arg5[%swap3A, %swap3A_26] : memref<2048x128xf32, #tpu.memory_space<vmem>>, vector<2048x128xf32>
    tpu.vector_store %arg5[%swap3A, %swap3A_26], %mul3A_25 {strides = array<i32>} : memref<2048x128xf32, #tpu.memory_space<vmem>>, vector<2048x128xf32>,
    return
  }
  func.func @transform_0(%arg0: i32) -> (i32, i32, i32) {
    %c0_i32 = arith.constant 0 : i32
    %c0_i32_0 = arith.constant 0 : i32
    %c0_i32_1 = arith.constant 0 : i32
    return %c0_i32, %arg0, %c0_i32_0 : i32, i32, i32
  }
  func.func @transform_1(%arg0: i32) -> (i32, i32) {
    %c0_i32 = arith.constant 0 : i32
    %c0_i32_0 = arith.constant 0 : i32
    return %arg0, %c0_i32 : i32, i32
  }
  func.func @transform_2(%arg0: i32) -> (i32, i32) {
    %c0_i32 = arith.constant 0 : i32
    %c0_i32_0 = arith.constant 0 : i32
    return %arg0, %c0_i32 : i32, i32
  }
  func.func @transform_3(%arg0: i32) -> (i32, i32) {
    %c0_i32 = arith.constant 0 : i32
    %c0_i32_0 = arith.constant 0 : i32
    %c0_i32_1 = arith.constant 0 : i32
    return %c0_i32, %c0_i32_0 : i32, i32
  }
  func.func @transform_4(%arg0: i32) -> (i32, i32) {
    %c0_i32 = arith.constant 0 : i32
    %c0_i32_0 = arith.constant 0 : i32
    return %arg0, %c0_i32 : i32, i32
  }
}

module attributes {stable_mosaic.version = 14 : i64} {
  func.func @_tcD_body(%arg0: memref<2x10240x128xf32, #tpu.memory_space<vmem>>, %arg1: memref<10240x128xf32, #tpu.memory_space<vmem>>, %arg2: memref<10240x1xf32, #tpu.memory_space<vmem>>, %arg3: memref<128x16xf32, #tpu.memory_space<vmem>>, %arg4: memref<1x16xf32, #tpu.memory_space<vmem>>, %arg5: memref<1x10240xi32, #tpu.memory_space<vmem>>, %arg6: memref<64x10xf32, #tpu.memory_space<vmem>>) attributes {dimension_semantics = [], scalar_prefetch = 0 : i64, scratch_operands = 0 : i64, tpu.core_type = #tpu.core_type<tc>} {
    %get3A = arith.constant 0 : index
    %get3A_0 = arith.constant 0 : index
    %get3A_1 = arith.constant 0 : index
    %get3A_2 = vector.load %arg0[%get3A, %get3A_0, %get3A_1] : memref<2x10240x128xf32, #tpu.memory_space<vmem>>, vector<1x10240x128xf32>
    %get3A_3 = vector.shape_cast %get3A_2 : vector<1x10240x128xf32> to vector<10240x128xf32>
    %get3A_4 = arith.constant 1 : index
    %get3A_5 = arith.constant 0 : index
    %get3A_6 = arith.constant 0 : index
    %get3A_7 = vector.load %arg0[%get3A_4, %get3A_5, %get3A_6] : memref<2x10240x128xf32, #tpu.memory_space<vmem>>, vector<1x10240x128xf32>
    %get3A_8 = vector.shape_cast %get3A_7 : vector<1x10240x128xf32> to vector<10240x128xf32>
    %add3A = arith.addf %get3A_3, %get3A_8 : vector<10240x128xf32>
    %get3A_9 = arith.constant 0 : index
    %get3A_10 = arith.constant 0 : index
    %get3A_11 = vector.load %arg1[%get3A_9, %get3A_10] : memref<10240x128xf32, #tpu.memory_space<vmem>>, vector<10240x128xf32>
    %add3A_12 = arith.addf %add3A, %get3A_11 : vector<10240x128xf32>
    %get3A_13 = arith.constant 0 : index
    %get3A_14 = arith.constant 0 : index
    %get3A_15 = vector.load %arg2[%get3A_13, %get3A_14] : memref<10240x1xf32, #tpu.memory_space<vmem>>, vector<10240x1xf32>
    %get3A_16 = arith.constant 0 : index
    %get3A_17 = arith.constant 0 : index
    %get3A_18 = vector.load %arg3[%get3A_16, %get3A_17] : memref<128x16xf32, #tpu.memory_space<vmem>>, vector<128x16xf32>
    %dot_general3A = arith.constant dense<0.000000e+00> : vector<10240x16xf32>
    %dot_general3A_19 = tpu.matmul %add3A_12, %get3A_18, %dot_general3A {dimension_numbers = #tpu.dot_dimension_numbers<[1], [0], [0], [1], [0, 0, 1, 1], [], []>, precision = #tpu.contract_precision<fp32>, transpose_lhs_hint = false} : vector<10240x128xf32>, vector<128x16xf32>, vector<10240x16xf32> -> vector<10240x16xf32>
    %mul3A = vector.broadcast %get3A_15 : vector<10240x1xf32> to vector<10240x16xf32>
    %mul3A_20 = arith.mulf %mul3A, %dot_general3A_19 : vector<10240x16xf32>
    %get3A_21 = arith.constant 0 : index
    %get3A_22 = arith.constant 0 : index
    %get3A_23 = vector.load %arg4[%get3A_21, %get3A_22] : memref<1x16xf32, #tpu.memory_space<vmem>>, vector<1x16xf32>
    %add3A_24 = vector.broadcast %get3A_23 : vector<1x16xf32> to vector<10240x16xf32>
    %add3A_25 = arith.addf %mul3A_20, %add3A_24 : vector<10240x16xf32>
    %iota3A = tpu.iota {dimensions = array<i32: 0>} : vector<64x10240xi32>
    %get3A_26 = arith.constant 0 : index
    %get3A_27 = arith.constant 0 : index
    %get3A_28 = vector.load %arg5[%get3A_26, %get3A_27] : memref<1x10240xi32, #tpu.memory_space<vmem>>, vector<1x10240xi32>
    %eq3A = vector.broadcast %get3A_28 : vector<1x10240xi32> to vector<64x10240xi32>
    %eq3A_29 = arith.cmpi eq, %iota3A, %eq3A : vector<64x10240xi32>
    %convert_element_type3A = arith.extui %eq3A_29 : vector<64x10240xi1> to vector<64x10240xi32>
    %convert_element_type3A_30 = arith.sitofp %convert_element_type3A : vector<64x10240xi32> to vector<64x10240xf32>
    %dot_general3A_31 = arith.constant dense<0.000000e+00> : vector<64x16xf32>
    %dot_general3A_32 = tpu.matmul %convert_element_type3A_30, %add3A_25, %dot_general3A_31 {dimension_numbers = #tpu.dot_dimension_numbers<[1], [0], [0], [1], [0, 0, 1, 1], [], []>, precision = #tpu.contract_precision<fp32>, transpose_lhs_hint = false} : vector<64x10240xf32>, vector<10240x16xf32>, vector<64x16xf32> -> vector<64x16xf32>
    %reduce_sum3A = arith.constant dense<0.000000e+00> : vector<64xf32>
    %reduce_sum3A_33 = vector.multi_reduction <add>, %convert_element_type3A_30, %reduce_sum3A [1] : vector<64x10240xf32> to vector<64xf32>
    %broadcast_in_dim3A = vector.shape_cast %reduce_sum3A_33 : vector<64xf32> to vector<64x1xf32>
    %max3A = arith.constant 1.000000e+00 : f32
    %max3A_34 = vector.broadcast %max3A : f32 to vector<64x1xf32>
    %max3A_35 = arith.maximumf %broadcast_in_dim3A, %max3A_34 : vector<64x1xf32>
    %div3A = vector.broadcast %max3A_35 : vector<64x1xf32> to vector<64x16xf32>
    %div3A_36 = arith.divf %dot_general3A_32, %div3A : vector<64x16xf32>
    %slice3A = vector.extract_strided_slice %div3A_36 {offsets = [0, 0], sizes = [64, 10], strides = [1, 1]} : vector<64x16xf32> to vector<64x10xf32>
    %reduce_max3A = arith.constant dense<0xFF800000> : vector<64xf32>
    %reduce_max3A_37 = vector.multi_reduction <maximumf>, %slice3A, %reduce_max3A [1] : vector<64x10xf32> to vector<64xf32>
    %broadcast_in_dim3A_38 = vector.shape_cast %reduce_max3A_37 : vector<64xf32> to vector<64x1xf32>
    %sub3A = vector.broadcast %broadcast_in_dim3A_38 : vector<64x1xf32> to vector<64x10xf32>
    %sub3A_39 = arith.subf %slice3A, %sub3A : vector<64x10xf32>
    %exp3A = math.exp %sub3A_39 : vector<64x10xf32>
    %reduce_sum3A_40 = arith.constant dense<0.000000e+00> : vector<64xf32>
    %reduce_sum3A_41 = vector.multi_reduction <add>, %exp3A, %reduce_sum3A_40 [1] : vector<64x10xf32> to vector<64xf32>
    %broadcast_in_dim3A_42 = vector.shape_cast %reduce_sum3A_41 : vector<64xf32> to vector<64x1xf32>
    %log3A = math.log %broadcast_in_dim3A_42 : vector<64x1xf32>
    %sub3A_43 = vector.broadcast %log3A : vector<64x1xf32> to vector<64x10xf32>
    %sub3A_44 = arith.subf %sub3A_39, %sub3A_43 : vector<64x10xf32>
    %swap3A = arith.constant 0 : index
    %swap3A_45 = arith.constant 0 : index
    %swap3A_46 = vector.load %arg6[%swap3A, %swap3A_45] : memref<64x10xf32, #tpu.memory_space<vmem>>, vector<64x10xf32>
    tpu.vector_store %arg6[%swap3A, %swap3A_45], %sub3A_44 {strides = array<i32>} : memref<64x10xf32, #tpu.memory_space<vmem>>, vector<64x10xf32>,
    return
  }
}

</mosaic_0001>

<sc_bundles>
// kernel: kernel.10.cloned.1.call-start
scs
__scs_entry_jumppad:
0x0: {  	(pc) =	sbr.rel $0x88, $3  }
0x1: {  	(tag) =	ssettag $0x0;
	lr =	simm.s32 $0x1  }
0x2: {  	[smem:$0x3F98] =	sst lr;
	_ =	strace $0xD0000000  }
0x3: {  	_ = 	snop  }
0x4: {  	_ = 	snop  }
0x5: {  	_ = 	snop  }
0x6: {  	_ = 	snop  }
0x7: {  	_ = 	snop  }
__scs_overlays_trampoline_lowered:
0x8: {  	[smem:$0x3FA7] =	sst s0  }
0x9: {  	[smem:$0x3FA8] =	sst s1  }
0xa: {  	[smem:$0x3FA9] =	sst s2  }
0xb: {  	[smem:$0x3FAA] =	sst s3  }
0xc: {  	[smem:$0x3FAB] =	sst s4  }
0xd: {  	[smem:$0x3FAC] =	sst s5  }
0xe: {  	[smem:$0x3FAD] =	sst s6  }
0xf: {  	[smem:$0x3FAE] =	sst s7  }
0x10: {  	[smem:$0x3FAF] =	sst s8  }
0x11: {  	[smem:$0x3FB0] =	sst s9;
	s0 =	simm.s32 @!p0 $0x0  }
0x12: {  	s1 =	sld [smem:$0x3F96];
	s0 =	simm.s32 @p0 $0x1  }
0x13: {  	[smem:$0x3FB1] =	sst s0;
	s0 =	simm.s32 @!p1 $0x0  }
0x14: {  	s2 =	sld [smem:$0x3F95];
	s0 =	simm.s32 @p1 $0x1  }
0x15: {  	[smem:$0x3FB2] =	sst s0;
	s0 =	simm.s32 @!p2 $0x0  }
0x16: {  	s3 =	sld [smem:$0x3FDB];
	s0 =	simm.s32 @p2 $0x1  }
0x17: {  	s4 =	simm.s32 $0x1BF5;
	[smem:$0x3FB4] =	sst s0  }
0x18: {  	s0 =	sld [smem:$0x3F97];
	_ =	swait.ge [sflag:s4], $0x0  }
0x19: {  	s7 =	sld [smem:$0x3F98]  }
0x1a: {  	s8 =	sadd.s32 $0xFFFFE003, lr  }
0x1b: {  	s9 =	sadd.s32 $0xFFFFFEF7, lr;
	s5 =	simm.s32 $0xFFFFFFFF;
	p2 =	slt.u32 s8, $0xFFFFF086  }
0x1c: {  	p1 =	slt.u32 s9, $0xF7A;
	s5 =	simm.s32 @!p2 $0x0  }
0x1d: {  	s5 =	simm.s32 @p1 $0x1;
	p0 =	seq.s32 s7, s2  }
0x1e: {  	s7 =	smul.u32 @!p0 $0xF7A, s2;
	p2 =	seq.s32 @!p0 s5, $0x0  }
0x1f: {  	s9 =	smul.u32 $0xF7A, s1;
	s8 =	simm.s32 @!p0 $0x1BF5;
	p2 =	por !p2, p0  }
0x20: {  	[sflag:s8] =	ssyncset.s32 @!p0 $0xFFFFF086;
	s6 =	sadd.s32 @!p0 s3, s7;
	s7 =	simm.s32 @!p0 $0x108  }
0x21: {  	s3 =	sadd.s32 s3, s9;
	s6 =	sadd.s32 @!p0 $0x88, s6;
	s7 =	simm.s32 @p2 $0x1082  }
0x22: {  	[simem:s7], [sflag:s8] =	dma.local @!p0 [hbm:s6], $0xF7A  }
0x23: {  	s9 =	sor.u32 $0xD0000000, s2;
	s6 =	simm.s32 $0x108;
	_ =	swait.ge @!p0 [sflag:s8], $0x0  }
0x24: {  	s3 =	sadd.s32 $0x88, s3;
	s6 =	simm.s32 @!p1 $0x1082;
	[sflag:s4] =	ssyncset.s32 $0xFFFFF086  }
0x25: {  	[simem:s6], [sflag:s4] =	dma.local [hbm:s3], $0xF7A  }
0x26: {  	[smem:$0x3F98] =	sst s1;
	(tag) =	ssettag s2;
	_ =	strace s9  }
0x27: {  	s1 =	sld [smem:$0x3FA8]  }
0x28: {  	s2 =	sld [smem:$0x3FA9]  }
0x29: {  	s4 =	sld [smem:$0x3FAB]  }
0x2a: {  	p0 =	seq.s32 s5, $0x0;
	s5 =	sld [smem:$0x3FAC]  }
0x2b: {  	s6 =	sld [smem:$0x3FAD]  }
0x2c: {  	s7 =	sld [smem:$0x3FAE]  }
0x2d: {  	s3 =	simm.s32 $0x108;
	s8 =	sld [smem:$0x3FAF]  }
0x2e: {  	s3 =	simm.s32 @!p0 $0x1082;
	s9 =	sld [smem:$0x3FB0]  }
0x2f: {  	lr =	sadd.s32 s0, s3;
	s0 =	sld [smem:$0x3FA7]  }
0x30: {  	s3 =	sld [smem:$0x3FAA]  }
0x31: {  	[smem:$0x3FB3] =	sst s10  }
0x32: {  	s10 =	sld [smem:$0x3FB1];
	_ =	sdelay $0x3  }
0x33: {  	p0 =	seq.s32 s10, $0x1;
	s10 =	sld [smem:$0x3FB3];
	_ =	sdelay $0x3  }
0x34: {  	[smem:$0x3FB3] =	sst s10  }
0x35: {  	s10 =	sld [smem:$0x3FB2];
	_ =	sdelay $0x3  }
0x36: {  	p1 =	seq.s32 s10, $0x1;
	s10 =	sld [smem:$0x3FB3];
	_ =	sdelay $0x3  }
0x37: {  	[smem:$0x3FB3] =	sst s10  }
0x38: {  	s10 =	sld [smem:$0x3FB4]  }
0x39: {  	_ = 	snop;
	(pc) =	sbr.ind lr, $3  }
0x3a: {  	_ = 	snop  }
0x3b: {  	_ = 	snop  }
0x3c: {  	p2 =	seq.s32 s10, $0x1;
	s10 =	sld [smem:$0x3FB3]  }
0x3d: {  	_ =	shalt  }
0x3e: {  	_ =	shalt  }
0x3f: {  	_ =	shalt  }
0x40: {  	_ =	shalt  }
0x41: {  	_ =	shalt  }
0x42: {  	_ =	shalt  }
0x43: {  	_ =	shalt  }
0x44: {  	_ =	shalt  }
0x45: {  	_ =	shalt  }
0x46: {  	_ =	shalt  }
0x47: {  	_ =	shalt  }
0x48: {  	_ =	shalt  }
0x49: {  	_ =	shalt  }
0x4a: {  	_ =	shalt  }
0x4b: {  	_ =	shalt  }
0x4c: {  	_ =	shalt  }
0x4d: {  	_ =	shalt  }
0x4e: {  	_ =	shalt  }
0x4f: {  	_ =	shalt  }
0x50: {  	_ =	shalt  }
0x51: {  	_ =	shalt  }
0x52: {  	_ =	shalt  }
0x53: {  	_ =	shalt  }
0x54: {  	_ =	shalt  }
0x55: {  	_ =	shalt  }
0x56: {  	_ =	shalt  }
0x57: {  	_ =	shalt  }
0x58: {  	_ =	shalt  }
0x59: {  	_ =	shalt  }
0x5a: {  	_ =	shalt  }
0x5b: {  	_ =	shalt  }
0x5c: {  	_ =	shalt  }
0x5d: {  	_ =	shalt  }
0x5e: {  	_ =	shalt  }
0x5f: {  	_ =	shalt  }
0x60: {  	_ =	shalt  }
0x61: {  	_ =	shalt  }
0x62: {  	_ =	shalt  }
0x63: {  	_ =	shalt  }
0x64: {  	_ =	shalt  }
0x65: {  	_ =	shalt  }
0x66: {  	_ =	shalt  }
0x67: {  	_ =	shalt  }
0x68: {  	_ =	shalt  }
0x69: {  	_ =	shalt  }
0x6a: {  	_ =	shalt  }
0x6b: {  	_ =	shalt  }
0x6c: {  	_ =	shalt  }
0x6d: {  	_ =	shalt  }
0x6e: {  	_ =	shalt  }
0x6f: {  	_ =	shalt  }
0x70: {  	_ =	shalt  }
0x71: {  	_ =	shalt  }
0x72: {  	_ =	shalt  }
0x73: {  	_ =	shalt  }
0x74: {  	_ =	shalt  }
0x75: {  	_ =	shalt  }
0x76: {  	_ =	shalt  }
0x77: {  	_ =	shalt  }
0x78: {  	_ =	shalt  }
0x79: {  	_ =	shalt  }
0x7a: {  	_ =	shalt  }
0x7b: {  	_ =	shalt  }
0x7c: {  	_ =	shalt  }
0x7d: {  	_ =	shalt  }
0x7e: {  	_ =	shalt  }
0x7f: {  	_ =	shalt  }
0x80: {  	_ =	shalt  }
0x81: {  	_ =	shalt  }
0x82: {  	_ =	shalt  }
0x83: {  	_ =	shalt  }
0x84: {  	_ =	shalt  }
0x85: {  	_ =	shalt  }
0x86: {  	_ =	shalt  }
0x87: {  	_ =	shalt  }
.Lfunc_end0:
.L_simem_size_0:
called_computation_lowered:
.L_overlay_start_0:
0x88: {  	s2 =	sld [smem:$0x3FD9]  }
0x89: {  	s3 =	sld [smem:$0x3FFE];
	_ =	sdelay $0x1  }
0x8a: {  	s1 =	srdreg.scid  }
0x8b: {  	s0 =	sand.u32 $0x1, s1  }
0x8c: {  	s16 =	sshll.u32 s0, $0xA;
	s2 =	sadd.s32 s3, s2  }
0x8d: {  	s2 =	sadd.s32 s2, s16  }
0x8e: {  	[smem:$0x3FBF] =	sst s2  }
0x8f: {  	_ = 	snop  }
0x90: {  	(tm) =	ssettm $0x1  }
0x91: {  	s17 =	sld [smem:$0x3FFB];
	_ =	sdelay $0x3  }
0x92: {  	_ =	strace s17  }
0x93: {  	s2 =	sld [smem:$0x3FFC];
	_ =	sdelay $0x3  }
0x94: {  	_ =	strace s2  }
0x95: {  	s2 =	sld [smem:$0x3FFD];
	_ =	sdelay $0x3  }
0x96: {  	_ =	strace s2  }
0x97: {  	_ =	strace $0x8FFFFFFF  }
0x98: {  	s18 =	sld [smem:$0x3FDB];
	_ =	sdelay $0x1  }
0x99: {  	s19 =	simm.s32 $_scs_section_size  }
0x9a: {  	s4 =	simm.s32 $_size__tile_overlayer_lowered;
	s5 =	simm.s32 $_tile_overlayer_lowered  }
0x9b: {  	s22 =	simm.s32 $0x1BFF;
	s21 =	sshll.u32 s5, $0x1;
	s2 =	sadd.s32 s19, s18  }
0x9c: {  	s6 =	simm.s32 $0x0;
	s20 =	sshll.u32 s4, $0x1;
	s4 =	sadd.s32 s21, s2  }
0x9d: {  	[timem:s6], [sflag:s22] =	dma.local [hbm:s4], s20  }
0x9e: {  	_ =	swait.ge [sflag:s22], s20  }
0x9f: {  	s3 =	ssub.s32 $0x0, s20;
	[sflag:s22] =	ssyncset.done $0x0  }
0xa0: {  	[sflag:s22] =	ssyncadd.s32 s3;
	_ =	sdelay $0x1  }
0xa1: {  	s23 =	simm.s32 $0x1B8B  }
0xa2: {  	_ =	swait.ge [sflag:s23], $0x1  }
0xa3: {  	[sflag:s23] =	ssyncset.done $0x0  }
0xa4: {  	s25 =	simm.s32 $0x1B8E;
	s24 =	sld [smem:$0x3FFE];
	[sflag:s23] =	ssyncadd.s32 $0xFFFFFFFF  }
0xa5: {  	s26 =	simm.s32 $execute0_lowered;
	[smem:$0x3FD2] =	sst s25  }
0xa6: {  	s4 =	sshll.u32 s26, $0x1;
	_ =	strace $0x80000046;
	[dreg:$0x1] =	wrdreg $0xFFFFFFFF  }
0xa7: {  	s28 =	simm.s32 $_size_execute0_lowered;
	s2 =	sadd.s32 s2, s4;
	[dreg:$0x0] =	wrdreg $0x0  }
0xa8: {  	s4 =	sshll.u32 s28, $0x1;
	[dreg:$0x2] =	wrdreg s2  }
0xa9: {  	[dreg:$0x3] =	wrdreg s4  }
0xaa: {  	[dreg:$0x4] =	wrdreg $0xC0  }
0xab: {  	_ =	task [dreg:s6], $0x5FFFF  }
0xac: {  	[dreg:$0x1] =	wrdreg $0xFFFFFFFF  }
0xad: {  	[dreg:$0x0] =	wrdreg $0x60  }
0xae: {  	[dreg:$0x2] =	wrdreg s24  }
0xaf: {  	[dreg:$0x3] =	wrdreg $0x9  }
0xb0: {  	_ =	task.clear_ibuf [dreg:s6], $0x4FFFF;
	_ =	strace $0x90000046  }
0xb1: {  	s29 =	simm.s32 $0x9;
	_ =	strace $0x80000048  }
0xb2: {  	_ =	swait.ge [sflag:s29], $0x1  }
0xb3: {  	[sflag:s29] =	ssyncadd.s32 $0xFFFFFFFF  }
0xb4: {  	_ =	strace $0x90000048  }
0xb5: {  	_ =	sfence  }
0xb6: {  	s30 =	sld [smem:$0x0];
	_ =	sdelay $0x2  }
0xb7: {  	s31 =	sshll.u32 s1, $0xD;
	s1 =	sshrl.u32 s1, $0x2  }
0xb8: {  	s3 =	sand.u32 $0x4000, s31;
	s1 =	sadd.s32 s1, s30  }
0xb9: {  	s0 =	sor.u32 s3, s0;
	s1 =	sshll.u32 s1, $0x11  }
0xba: {  	s0 =	sor.u32 s1, s0  }
0xbb: {  	s0 =	sadd.s32 $0x8F2B, s0  }
0xbc: {  	[sflag:s0] =	ssyncadd.remote.s32 $0x1  }
0xbd: {  	_ =	sfence.sel $0xFFFF  }
0xbe: {  	[dreg:$0x0] =	wrdreg $0xFFFFFFFF;
	(pc) =	sbr.abs _section_cstart, $3  }
0xbf: {  	[dreg:$0x1] =	wrdreg $0xFFFFFFFF  }
0xc0: {  	_ =	task.clear_ibuf [dreg:s6], $0x2FFFF;
	_ =	strace $0x9FFFFFFF  }
0xc1: {  	(tm) =	ssettm $0x7FFFFFFF  }
tec
execute0_lowered:
.L_overlay_start_1:
0x0: {  	(tag) =	ssettag $0x1  }
0x1: {  	s0 =	srdreg.scid  }
0x2: {  	s4 =	rddreg [dreg:$0x0];
	s2 =	simm.s32 $0x0;
	s3 =	sand.u32 $0x1, s0  }
0x3: {  	s8 =	simm.s32 $0x1;
	s0 =	stileid.u32;
	s1 =	sshll.u32 s3, $0x4  }
0x4: {  	s9 =	simm.s32 $0x80;
	s10 =	simm.s32 $0x400;
	s5 =	sor.u32 s0, s1  }
0x5: {  	s11 =	simm.s32 $0x0;
	[smem:$0x7FF] =	sst s2;
	s6 =	sshrl.u32 s5, $0x3  }
0x6: {  	s7 =	sshll.u32 s0, $0x7;
	s30 =	ssub.s32 $0x2, s3;
	s6 =	smul.u32 $0x14000, s6  }
0x7: {  	s3 =	sadd.s32 $0x16C00, s4;
	s7 =	sand.u32 $0x380, s7;
	s5 =	smul.u32 $0x4E2, s5  }
0x8: {  	s1 =	rddreg [dreg:$0x1];
	_ =	strace $0x80000047;
	s6 =	sor.u32 s7, s6  }
0x9: {  	s31 =	sshrl.u32 s30, $0x1;
	s5 =	sadd.s32 s5, s4;
	s6 =	sshrl.u32 s6, $0x3  }
0xa: {  	s7 =	ssub.s32 s30, s31;
	s6 =	sadd.s32 s6, s4;
	s4 =	sadd.s32 $0xCE00, s5  }
0xb: {  	v0 =	vimm.f32 $1.000000000e+00;
	s5 =	sadd.s32 $0x17200, s6;
	s6 =	smax.u32 s7, $0x1;
	s7 =	simm.s32 $0x2780  }
.LBB2_1:
0xc: {  	[tilespmem:s7], [sflag:$0x1] =	stream.linear.gather [hbm4b:s3+s2], $0x2800, $0x38;
	[tilespmem:$0x4F80] =	vst v63  }
0xd: {  	_ =	swait.ge [sflag:s8], $0x2800  }
0xe: {  	[sflag:s8] =	ssyncset.done $0x0  }
0xf: {  	[sflag:s8] =	ssyncadd.s32 $0xFFFFD800  }
0x10: {  	[tilespmem:s2], [sflag:$0x1] =	stream.linear.gather [hbm4b:s4+s2], $0x2710, $0x38;
	[tilespmem:$0x4F80] =	vst v63  }
0x11: {  	_ =	swait.ge [sflag:s8], $0x2710  }
0x12: {  	[sflag:s8] =	ssyncset.done $0x0  }
0x13: {  	s13 =	simm.s32 $0x0;
	s12 =	simm.s32 $0x40;
	[sflag:s8] =	ssyncadd.s32 $0xFFFFD8F0  }
.LBB2_2:
0x14: {  	p0 =	sne.s32 s12, $0x9C00;
	v1 =	vld [tilespmem:s13+$0x0];
	_ =	sdelay $0x3  }
.Ltmp0:
0x15: {  	(pc) =	sbr.rel @p0 .LBB2_2-.Ltmp0, $2  }
0x16: {  	_ =	sdelay $0x2  }
0x17: {  	s13 =	sshra.s32 s12, $0x2;
	s12 =	sadd.s32 $0x40, s12;
	[tilespmem:v1+s7+$0x0] =	vst.idx.add.f32.msk $0xffff, v0  }
0x18: {  	v1 =	vld [tilespmem:s13+$0x0];
	_ =	sdelay $0x5  }
0x19: {  	s11 =	sadd.s32 $0x1, s11  }
0x1a: {  	p0 =	sne.s32 s11, s6  }
.Ltmp1:
0x1b: {  	[tilespmem:v1+s7+$0x0] =	vst.idx.add.f32.msk $0xffff, v0;
	(pc) =	sbr.rel @p0 .LBB2_1-.Ltmp1, $4  }
0x1c: {  	[hbm4b:s5+s9] =	stream.strided.scatter [tilespmem:s7], [sflag:$0x1], $0x2800, s10, s9, $0x38;
	[tilespmem:$0x4F80] =	vst v63  }
0x1d: {  	_ =	swait.ge [sflag:s8], $0x2800  }
0x1e: {  	[sflag:s8] =	ssyncset.done $0x0  }
0x1f: {  	[sflag:s8] =	ssyncadd.s32 $0xFFFFD800  }
0x20: {  	_ =	sfence.sel $0x180000  }
0x21: {  	[bflag:$0x0] =	sbarrier.arrive $0xFFFF  }
0x22: {  	p0 =	sne.s32 s0, $0x0;
	_ =	strace $0x90000047  }
0x23: {  	s0 =	sadd.s32 @!p0 $0x100000, s1;
	[bflag:$0x2] =	sbarrier.arrive $0xFFFF  }
0x24: {  	[sflag:s0] =	ssyncadd.tile.s32 @!p0 $0x1;
	_ =	shalt  }
.Lfunc_end2:
_tile_overlayer_lowered:
.L_overlay_start_2:
0x25: {  	(tag) =	ssettag $0x2  }
0x26: {  	s0 =	rddreg [dreg:$0x0];
	s2 =	stileid.u32  }
0x27: {  	s1 =	rddreg [dreg:$0x1];
	p0 =	sne.s32 s2, $0x0  }
0x28: {  	s3 =	rddreg [dreg:$0x2];
	[bflag:$0x3] =	sbarrier.arrive $0xFFFF;
	s2 =	simm.s32 @!p0 $0x1C01  }
0x29: {  	[timem:s3], [sflag:s2] =	dma.local @!p0 [hbm:s0], s1  }
0x2a: {  	s0 =	simm.s32 @!p0 $0x1  }
0x2b: {  	_ =	swait.ge @!p0 [sflag:s0], s1  }
0x2c: {  	s1 =	ssub.s32 @!p0 $0x0, s1;
	[sflag:s0] =	ssyncset.done @!p0 $0x0  }
0x2d: {  	[sflag:s0] =	ssyncadd.s32 @!p0 s1  }
0x2e: {  	[bflag:$0x3] =	sbarrier.arrive $0xFFFF  }
0x2f: {  	_ =	shalt  }

// kernel: kernel.13.cloned.1.call-start
scs
__scs_entry_jumppad:
0x0: {  	(pc) =	sbr.rel $0x88, $3  }
0x1: {  	(tag) =	ssettag $0x0;
	lr =	simm.s32 $0x1  }
0x2: {  	[smem:$0x3F98] =	sst lr;
	_ =	strace $0xD0000000  }
0x3: {  	_ = 	snop  }
0x4: {  	_ = 	snop  }
0x5: {  	_ = 	snop  }
0x6: {  	_ = 	snop  }
0x7: {  	_ = 	snop  }
__scs_overlays_trampoline_lowered:
0x8: {  	[smem:$0x3FA7] =	sst s0  }
0x9: {  	[smem:$0x3FA8] =	sst s1  }
0xa: {  	[smem:$0x3FA9] =	sst s2  }
0xb: {  	[smem:$0x3FAA] =	sst s3  }
0xc: {  	[smem:$0x3FAB] =	sst s4  }
0xd: {  	[smem:$0x3FAC] =	sst s5  }
0xe: {  	[smem:$0x3FAD] =	sst s6  }
0xf: {  	[smem:$0x3FAE] =	sst s7  }
0x10: {  	[smem:$0x3FAF] =	sst s8  }
0x11: {  	[smem:$0x3FB0] =	sst s9;
	s0 =	simm.s32 @!p0 $0x0  }
0x12: {  	s1 =	sld [smem:$0x3F96];
	s0 =	simm.s32 @p0 $0x1  }
0x13: {  	[smem:$0x3FB1] =	sst s0;
	s0 =	simm.s32 @!p1 $0x0  }
0x14: {  	s2 =	sld [smem:$0x3F95];
	s0 =	simm.s32 @p1 $0x1  }
0x15: {  	[smem:$0x3FB2] =	sst s0;
	s0 =	simm.s32 @!p2 $0x0  }
0x16: {  	s3 =	sld [smem:$0x3FDB];
	s0 =	simm.s32 @p2 $0x1  }
0x17: {  	s4 =	simm.s32 $0x1BF5;
	[smem:$0x3FB4] =	sst s0  }
0x18: {  	s0 =	sld [smem:$0x3F97];
	_ =	swait.ge [sflag:s4], $0x0  }
0x19: {  	s7 =	sld [smem:$0x3F98]  }
0x1a: {  	s8 =	sadd.s32 $0xFFFFE003, lr  }
0x1b: {  	s9 =	sadd.s32 $0xFFFFFEF7, lr;
	s5 =	simm.s32 $0xFFFFFFFF;
	p2 =	slt.u32 s8, $0xFFFFF086  }
0x1c: {  	p1 =	slt.u32 s9, $0xF7A;
	s5 =	simm.s32 @!p2 $0x0  }
0x1d: {  	s5 =	simm.s32 @p1 $0x1;
	p0 =	seq.s32 s7, s2  }
0x1e: {  	s7 =	smul.u32 @!p0 $0xF7A, s2;
	p2 =	seq.s32 @!p0 s5, $0x0  }
0x1f: {  	s9 =	smul.u32 $0xF7A, s1;
	s8 =	simm.s32 @!p0 $0x1BF5;
	p2 =	por !p2, p0  }
0x20: {  	[sflag:s8] =	ssyncset.s32 @!p0 $0xFFFFF086;
	s6 =	sadd.s32 @!p0 s3, s7;
	s7 =	simm.s32 @!p0 $0x108  }
0x21: {  	s3 =	sadd.s32 s3, s9;
	s6 =	sadd.s32 @!p0 $0x88, s6;
	s7 =	simm.s32 @p2 $0x1082  }
0x22: {  	[simem:s7], [sflag:s8] =	dma.local @!p0 [hbm:s6], $0xF7A  }
0x23: {  	s9 =	sor.u32 $0xD0000000, s2;
	s6 =	simm.s32 $0x108;
	_ =	swait.ge @!p0 [sflag:s8], $0x0  }
0x24: {  	s3 =	sadd.s32 $0x88, s3;
	s6 =	simm.s32 @!p1 $0x1082;
	[sflag:s4] =	ssyncset.s32 $0xFFFFF086  }
0x25: {  	[simem:s6], [sflag:s4] =	dma.local [hbm:s3], $0xF7A  }
0x26: {  	[smem:$0x3F98] =	sst s1;
	(tag) =	ssettag s2;
	_ =	strace s9  }
0x27: {  	s1 =	sld [smem:$0x3FA8]  }
0x28: {  	s2 =	sld [smem:$0x3FA9]  }
0x29: {  	s4 =	sld [smem:$0x3FAB]  }
0x2a: {  	p0 =	seq.s32 s5, $0x0;
	s5 =	sld [smem:$0x3FAC]  }
0x2b: {  	s6 =	sld [smem:$0x3FAD]  }
0x2c: {  	s7 =	sld [smem:$0x3FAE]  }
0x2d: {  	s3 =	simm.s32 $0x108;
	s8 =	sld [smem:$0x3FAF]  }
0x2e: {  	s3 =	simm.s32 @!p0 $0x1082;
	s9 =	sld [smem:$0x3FB0]  }
0x2f: {  	lr =	sadd.s32 s0, s3;
	s0 =	sld [smem:$0x3FA7]  }
0x30: {  	s3 =	sld [smem:$0x3FAA]  }
0x31: {  	[smem:$0x3FB3] =	sst s10  }
0x32: {  	s10 =	sld [smem:$0x3FB1];
	_ =	sdelay $0x3  }
0x33: {  	p0 =	seq.s32 s10, $0x1;
	s10 =	sld [smem:$0x3FB3];
	_ =	sdelay $0x3  }
0x34: {  	[smem:$0x3FB3] =	sst s10  }
0x35: {  	s10 =	sld [smem:$0x3FB2];
	_ =	sdelay $0x3  }
0x36: {  	p1 =	seq.s32 s10, $0x1;
	s10 =	sld [smem:$0x3FB3];
	_ =	sdelay $0x3  }
0x37: {  	[smem:$0x3FB3] =	sst s10  }
0x38: {  	s10 =	sld [smem:$0x3FB4]  }
0x39: {  	_ = 	snop;
	(pc) =	sbr.ind lr, $3  }
0x3a: {  	_ = 	snop  }
0x3b: {  	_ = 	snop  }
0x3c: {  	p2 =	seq.s32 s10, $0x1;
	s10 =	sld [smem:$0x3FB3]  }
0x3d: {  	_ =	shalt  }
0x3e: {  	_ =	shalt  }
0x3f: {  	_ =	shalt  }
0x40: {  	_ =	shalt  }
0x41: {  	_ =	shalt  }
0x42: {  	_ =	shalt  }
0x43: {  	_ =	shalt  }
0x44: {  	_ =	shalt  }
0x45: {  	_ =	shalt  }
0x46: {  	_ =	shalt  }
0x47: {  	_ =	shalt  }
0x48: {  	_ =	shalt  }
0x49: {  	_ =	shalt  }
0x4a: {  	_ =	shalt  }
0x4b: {  	_ =	shalt  }
0x4c: {  	_ =	shalt  }
0x4d: {  	_ =	shalt  }
0x4e: {  	_ =	shalt  }
0x4f: {  	_ =	shalt  }
0x50: {  	_ =	shalt  }
0x51: {  	_ =	shalt  }
0x52: {  	_ =	shalt  }
0x53: {  	_ =	shalt  }
0x54: {  	_ =	shalt  }
0x55: {  	_ =	shalt  }
0x56: {  	_ =	shalt  }
0x57: {  	_ =	shalt  }
0x58: {  	_ =	shalt  }
0x59: {  	_ =	shalt  }
0x5a: {  	_ =	shalt  }
0x5b: {  	_ =	shalt  }
0x5c: {  	_ =	shalt  }
0x5d: {  	_ =	shalt  }
0x5e: {  	_ =	shalt  }
0x5f: {  	_ =	shalt  }
0x60: {  	_ =	shalt  }
0x61: {  	_ =	shalt  }
0x62: {  	_ =	shalt  }
0x63: {  	_ =	shalt  }
0x64: {  	_ =	shalt  }
0x65: {  	_ =	shalt  }
0x66: {  	_ =	shalt  }
0x67: {  	_ =	shalt  }
0x68: {  	_ =	shalt  }
0x69: {  	_ =	shalt  }
0x6a: {  	_ =	shalt  }
0x6b: {  	_ =	shalt  }
0x6c: {  	_ =	shalt  }
0x6d: {  	_ =	shalt  }
0x6e: {  	_ =	shalt  }
0x6f: {  	_ =	shalt  }
0x70: {  	_ =	shalt  }
0x71: {  	_ =	shalt  }
0x72: {  	_ =	shalt  }
0x73: {  	_ =	shalt  }
0x74: {  	_ =	shalt  }
0x75: {  	_ =	shalt  }
0x76: {  	_ =	shalt  }
0x77: {  	_ =	shalt  }
0x78: {  	_ =	shalt  }
0x79: {  	_ =	shalt  }
0x7a: {  	_ =	shalt  }
0x7b: {  	_ =	shalt  }
0x7c: {  	_ =	shalt  }
0x7d: {  	_ =	shalt  }
0x7e: {  	_ =	shalt  }
0x7f: {  	_ =	shalt  }
0x80: {  	_ =	shalt  }
0x81: {  	_ =	shalt  }
0x82: {  	_ =	shalt  }
0x83: {  	_ =	shalt  }
0x84: {  	_ =	shalt  }
0x85: {  	_ =	shalt  }
0x86: {  	_ =	shalt  }
0x87: {  	_ =	shalt  }
.Lfunc_end0:
.L_simem_size_0:
called_computation.1_lowered:
.L_overlay_start_0:
0x88: {  	s2 =	sld [smem:$0x3FD9]  }
0x89: {  	s3 =	sld [smem:$0x3FFE];
	_ =	sdelay $0x1  }
0x8a: {  	s1 =	srdreg.scid  }
0x8b: {  	s0 =	sand.u32 $0x1, s1  }
0x8c: {  	s16 =	sshll.u32 s0, $0xA;
	s2 =	sadd.s32 s3, s2  }
0x8d: {  	s2 =	sadd.s32 s2, s16  }
0x8e: {  	[smem:$0x3FBF] =	sst s2  }
0x8f: {  	_ = 	snop  }
0x90: {  	(tm) =	ssettm $0x1  }
0x91: {  	s17 =	sld [smem:$0x3FFB];
	_ =	sdelay $0x3  }
0x92: {  	_ =	strace s17  }
0x93: {  	s2 =	sld [smem:$0x3FFC];
	_ =	sdelay $0x3  }
0x94: {  	_ =	strace s2  }
0x95: {  	s2 =	sld [smem:$0x3FFD];
	_ =	sdelay $0x3  }
0x96: {  	_ =	strace s2  }
0x97: {  	_ =	strace $0x8FFFFFFF  }
0x98: {  	s18 =	sld [smem:$0x3FDB];
	_ =	sdelay $0x1  }
0x99: {  	s19 =	simm.s32 $_scs_section_size  }
0x9a: {  	s4 =	simm.s32 $_size__tile_overlayer_lowered;
	s5 =	simm.s32 $_tile_overlayer_lowered  }
0x9b: {  	s22 =	simm.s32 $0x1BFF;
	s21 =	sshll.u32 s5, $0x1;
	s2 =	sadd.s32 s19, s18  }
0x9c: {  	s6 =	simm.s32 $0x0;
	s20 =	sshll.u32 s4, $0x1;
	s4 =	sadd.s32 s21, s2  }
0x9d: {  	[timem:s6], [sflag:s22] =	dma.local [hbm:s4], s20  }
0x9e: {  	_ =	swait.ge [sflag:s22], s20  }
0x9f: {  	s3 =	ssub.s32 $0x0, s20;
	[sflag:s22] =	ssyncset.done $0x0  }
0xa0: {  	[sflag:s22] =	ssyncadd.s32 s3;
	_ =	sdelay $0x1  }
0xa1: {  	s23 =	simm.s32 $0x1B8B  }
0xa2: {  	_ =	swait.ge [sflag:s23], $0x1  }
0xa3: {  	[sflag:s23] =	ssyncset.done $0x0  }
0xa4: {  	s25 =	simm.s32 $0x1B8E;
	s24 =	sld [smem:$0x3FFE];
	[sflag:s23] =	ssyncadd.s32 $0xFFFFFFFF  }
0xa5: {  	s26 =	simm.s32 $execute0_lowered;
	[smem:$0x3FD2] =	sst s25  }
0xa6: {  	s4 =	sshll.u32 s26, $0x1;
	_ =	strace $0x80000049;
	[dreg:$0x1] =	wrdreg $0xFFFFFFFF  }
0xa7: {  	s28 =	simm.s32 $_size_execute0_lowered;
	s2 =	sadd.s32 s2, s4;
	[dreg:$0x0] =	wrdreg $0x0  }
0xa8: {  	s4 =	sshll.u32 s28, $0x1;
	[dreg:$0x2] =	wrdreg s2  }
0xa9: {  	[dreg:$0x3] =	wrdreg s4  }
0xaa: {  	[dreg:$0x4] =	wrdreg $0xC0  }
0xab: {  	_ =	task [dreg:s6], $0x5FFFF  }
0xac: {  	[dreg:$0x1] =	wrdreg $0xFFFFFFFF  }
0xad: {  	[dreg:$0x0] =	wrdreg $0x60  }
0xae: {  	[dreg:$0x2] =	wrdreg s24  }
0xaf: {  	[dreg:$0x3] =	wrdreg $0xC7000  }
0xb0: {  	[dreg:$0x4] =	wrdreg $0x9  }
0xb1: {  	_ =	task.clear_ibuf [dreg:s6], $0x5FFFF;
	_ =	strace $0x90000049  }
0xb2: {  	s29 =	simm.s32 $0x9;
	_ =	strace $0x8000004B  }
0xb3: {  	_ =	swait.ge [sflag:s29], $0x1  }
0xb4: {  	[sflag:s29] =	ssyncadd.s32 $0xFFFFFFFF  }
0xb5: {  	_ =	strace $0x9000004B  }
0xb6: {  	_ =	sfence  }
0xb7: {  	s30 =	sld [smem:$0x0];
	_ =	sdelay $0x2  }
0xb8: {  	s31 =	sshll.u32 s1, $0xD;
	s1 =	sshrl.u32 s1, $0x2  }
0xb9: {  	s3 =	sand.u32 $0x4000, s31;
	s1 =	sadd.s32 s1, s30  }
0xba: {  	s0 =	sor.u32 s3, s0;
	s1 =	sshll.u32 s1, $0x11  }
0xbb: {  	s0 =	sor.u32 s1, s0  }
0xbc: {  	s0 =	sadd.s32 $0x8F2B, s0  }
0xbd: {  	[sflag:s0] =	ssyncadd.remote.s32 $0x1  }
0xbe: {  	_ =	sfence.sel $0xFFFF  }
0xbf: {  	[dreg:$0x0] =	wrdreg $0xFFFFFFFF;
	(pc) =	sbr.abs _section_cstart, $3  }
0xc0: {  	[dreg:$0x1] =	wrdreg $0xFFFFFFFF  }
0xc1: {  	_ =	task.clear_ibuf [dreg:s6], $0x2FFFF;
	_ =	strace $0x9FFFFFFF  }
0xc2: {  	(tm) =	ssettm $0x7FFFFFFF  }
0xc3: {  	_ =	shalt  }
tec
execute0_lowered:
.L_overlay_start_1:
0x0: {  	(tag) =	ssettag $0x1  }
0x1: {  	s8 =	rddreg [dreg:$0x0]  }
0x2: {  	s0 =	srdreg.scid;
	s2 =	rddreg [dreg:$0x1]  }
0x3: {  	s1 =	stileid.u32;
	s3 =	simm.s32 $0x0;
	s16 =	simm.s32 $0x4  }
0x4: {  	s19 =	simm.s32 $0x50;
	s20 =	simm.s32 $0x4F00;
	s21 =	simm.s32 $0x7700  }
0x5: {  	s22 =	simm.s32 $0x1;
	s23 =	simm.s32 $0x9F00;
	s28 =	simm.s32 $0x3  }
0x6: {  	s29 =	simm.s32 $0x4DF0;
	s30 =	simm.s32 $0x4E40;
	s6 =	smul.u32 $0x4E000, s1  }
0x7: {  	s31 =	simm.s32 $0x0;
	s0 =	sand.u32 $0x1, s0;
	s11 =	smul.u32 $0x2700, s1  }
0x8: {  	[smem:$0x7FF] =	sst s3;
	s12 =	sadd.s32 $0x65E00, s8;
	s26 =	smul.u32 $0x14000, s1  }
0x9: {  	s25 =	sshll.u32 s1, $0x6;
	s17 =	sadd.s32 $0x138000, s2;
	s13 =	smul.u32 $0x50000, s1  }
0xa: {  	s24 =	sadd.s32 $0x12C000, s2;
	p0 =	sne.s32 s1, $0xF;
	p1 =	seq.s32 s1, $0xF  }
0xb: {  	s4 =	sshll.u32 s0, $0x4;
	_ =	strace $0x8000004A;
	s7 =	ssub.s32 $0x2, s0  }
0xc: {  	s0 =	smul.u32 $0x140000, s0;
	s17 =	sshrl.u32 @!p0 s17, $0x3;
	s24 =	sshrl.u32 @p1 s24, $0x3  }
0xd: {  	s4 =	sor.u32 s1, s4;
	s9 =	sshrl.u32 s7, $0x1;
	s6 =	sshrl.u32 s6, $0x2  }
0xe: {  	s13 =	sshrl.u32 s13, $0x2;
	s5 =	smul.u32 $0x4E2, s4;
	s4 =	sadd.s32 $0x16C00, s8  }
0xf: {  	s14 =	ssub.s32 s7, s9;
	s15 =	sadd.s32 s6, s2;
	s7 =	sor.u32 $0x1C04, s25  }
0x10: {  	s25 =	sadd.s32 s13, s2;
	s14 =	smax.u32 s14, $0x1;
	s15 =	sshrl.u32 s15, $0x3  }
0x11: {  	s25 =	sshrl.u32 @!p1 s25, $0x3;
	s10 =	sadd.s32 s5, s8;
	s5 =	sadd.s32 $0x3EC00, s8  }
0x12: {  	s8 =	sadd.s32 $0x65C00, s8;
	s6 =	sadd.s32 s5, s11;
	s9 =	sadd.s32 $0x3000, s10  }
0x13: {  	s10 =	sadd.s32 $0xCE00, s10;
	s11 =	sadd.s32 s26, s0;
	s0 =	sshrl.u32 s0, $0x3  }
0x14: {  	s26 =	simm.s32 $0x2;
	s11 =	sshrl.u32 s11, $0x3;
	s0 =	sadd.s32 s12, s0  }
0x15: {  	s11 =	sadd.s32 s12, s11;
	s12 =	sadd.s32 $0x25800, s0;
	s13 =	sadd.s32 $0x27100, s0  }
.LBB2_1:
0x16: {  	[spmem:s15], [sflag:s7] =	dma.local [hbm:s6], $0x2700  }
0x17: {  	_ =	swait.ge [sflag:s16], $0x2700  }
0x18: {  	[sflag:s16] =	ssyncset.done $0x0  }
0x19: {  	s0 =	simm.s32 @!p0 $0x4;
	[sflag:s16] =	ssyncadd.s32 $0xFFFFD900  }
0x1a: {  	[spmem:s17], [sflag:s7] =	dma.local @!p0 [hbm:s8], $0x100  }
0x1b: {  	_ =	swait.ge @!p0 [sflag:s0], $0x100  }
0x1c: {  	[sflag:s0] =	ssyncset.done @!p0 $0x0  }
0x1d: {  	[sflag:s0] =	ssyncadd.s32 @!p0 $0xFFFFFF00  }
0x1e: {  	[tilespmem:s3], [sflag:$0x4] =	stream.linear.gather [hbm4b:s9+s3], $0x2710, $0x38;
	[tilespmem:$0x1FF80] =	vst v63  }
0x1f: {  	_ =	swait.ge [sflag:s16], $0x2710  }
0x20: {  	[sflag:s16] =	ssyncset.done $0x0  }
0x21: {  	s18 =	simm.s32 $0x2780;
	[sflag:s16] =	ssyncadd.s32 $0xFFFFD8F0  }
0x22: {  	[tilespmem:s18], [sflag:$0x4] =	stream.linear.gather [hbm4b:s10+s3], $0x2710, $0x38;
	[tilespmem:$0x1FF80] =	vst v63  }
0x23: {  	_ =	swait.ge [sflag:s16], $0x2710  }
0x24: {  	[sflag:s16] =	ssyncset.done $0x0  }
0x25: {  	[sflag:s16] =	ssyncadd.s32 $0xFFFFD8F0  }
0x26: {  	[bflag:$0x0] =	sbarrier.arrive $0xFFFF  }
0x27: {  	[tilespmem:s20], [sflag:$0x1] =	stream.indirect.gather [hbm4b:s4+s19], $0x80, s3, s19, $0xb8;
	[tilespmem:$0x1FF80] =	vst v63  }
0x28: {  	_ = 	snop  }
0x29: {  	[tilespmem:s21], [sflag:$0x2] =	stream.indirect.gather [hbm4b:s4+s19], $0x80, s19, s19, $0xb8;
	[tilespmem:$0x1FF80] =	vst v63  }
0x2a: {  	_ =	swait.ge [sflag:s22], $0x2800  }
0x2b: {  	[sflag:s22] =	ssyncset.done $0x0  }
0x2c: {  	s1 =	simm.s32 $0xA0;
	[sflag:s22] =	ssyncadd.s32 $0xFFFFD800  }
0x2d: {  	[tilespmem:s23], [sflag:$0x3] =	stream.indirect.gather [hbm4b:s4+s19], $0x80, s1, s19, $0xb8;
	[tilespmem:$0x1FF80] =	vst v63  }
0x2e: {  	s18 =	simm.s32 $0x2780  }
0x2f: {  	[spmem:s2] =	stream.indirect.scatter.add.f32 [tilespmem:s20], [sflag:$0x4], $0x80, s18, s19, $0xb8;
	[tilespmem:$0x1FF80] =	vst v63  }
0x30: {  	_ =	swait.ge [sflag:s16], $0x2800  }
0x31: {  	[sflag:s16] =	ssyncset.done $0x0  }
0x32: {  	[sflag:s16] =	ssyncadd.s32 $0xFFFFD800  }
0x33: {  	_ =	swait.ge [sflag:s26], $0x2800  }
0x34: {  	[sflag:s26] =	ssyncset.done $0x0  }
0x35: {  	s1 =	simm.s32 $0xF0;
	[sflag:s26] =	ssyncadd.s32 $0xFFFFD800  }
0x36: {  	[tilespmem:s20], [sflag:$0x1] =	stream.indirect.gather [hbm4b:s4+s19], $0x80, s1, s19, $0xb8;
	[tilespmem:$0x1FF80] =	vst v63  }
0x37: {  	s18 =	simm.s32 $0x27D0  }
0x38: {  	[spmem:s2] =	stream.indirect.scatter.add.f32 [tilespmem:s21], [sflag:$0x4], $0x80, s18, s19, $0xb8;
	[tilespmem:$0x1FF80] =	vst v63  }
0x39: {  	_ =	swait.ge [sflag:s16], $0x2800  }
0x3a: {  	[sflag:s16] =	ssyncset.done $0x0  }
0x3b: {  	[sflag:s16] =	ssyncadd.s32 $0xFFFFD800  }
0x3c: {  	_ =	swait.ge [sflag:s28], $0x2800  }
0x3d: {  	[sflag:s28] =	ssyncset.done $0x0  }
0x3e: {  	s1 =	simm.s32 $0x140;
	[sflag:s28] =	ssyncadd.s32 $0xFFFFD800  }
0x3f: {  	[tilespmem:s21], [sflag:$0x2] =	stream.indirect.gather [hbm4b:s4+s19], $0x80, s1, s19, $0xb8;
	[tilespmem:$0x1FF80] =	vst v63  }
0x40: {  	s18 =	simm.s32 $0x2820  }
0x41: {  	[spmem:s2] =	stream.indirect.scatter.add.f32 [tilespmem:s23], [sflag:$0x4], $0x80, s18, s19, $0xb8;
	[tilespmem:$0x1FF80] =	vst v63  }
0x42: {  	_ =	swait.ge [sflag:s16], $0x2800  }
0x43: {  	s0 =	simm.s32 $0x3C0;
	[sflag:s16] =	ssyncset.done $0x0  }
.LBB2_2:
0x44: {  	p2 =	sne.s32 s0, $0x9600  }
0x45: {  	[sflag:s16] =	ssyncadd.s32 $0xFFFFD800;
	s1 =	smov.u32 s0;
	s0 =	sadd.s32 $0x3C0, s0  }
0x46: {  	_ = 	snop  }
0x47: {  	_ =	swait.ge [sflag:s22], $0x2800  }
0x48: {  	s1 =	sshra.s32 s1, $0x2;
	[sflag:s22] =	ssyncset.done $0x0  }
0x49: {  	s18 =	sadd.s32 $0xA0, s1;
	[sflag:s22] =	ssyncadd.s32 $0xFFFFD800  }
0x4a: {  	[tilespmem:s23], [sflag:$0x3] =	stream.indirect.gather [hbm4b:s4+s19], $0x80, s18, s19, $0xb8;
	[tilespmem:$0x1FF80] =	vst v63  }
0x4b: {  	s18 =	sadd.s32 $0x2780, s1  }
0x4c: {  	[spmem:s2] =	stream.indirect.scatter.add.f32 [tilespmem:s20], [sflag:$0x4], $0x80, s18, s19, $0xb8;
	[tilespmem:$0x1FF80] =	vst v63  }
0x4d: {  	_ =	swait.ge [sflag:s16], $0x2800  }
0x4e: {  	[sflag:s16] =	ssyncset.done $0x0  }
0x4f: {  	[sflag:s16] =	ssyncadd.s32 $0xFFFFD800  }
0x50: {  	_ =	swait.ge [sflag:s26], $0x2800  }
0x51: {  	[sflag:s26] =	ssyncset.done $0x0  }
0x52: {  	s18 =	sadd.s32 $0xF0, s1;
	[sflag:s26] =	ssyncadd.s32 $0xFFFFD800  }
0x53: {  	[tilespmem:s20], [sflag:$0x1] =	stream.indirect.gather [hbm4b:s4+s19], $0x80, s18, s19, $0xb8;
	[tilespmem:$0x1FF80] =	vst v63  }
0x54: {  	s18 =	sadd.s32 $0x27D0, s1  }
0x55: {  	[spmem:s2] =	stream.indirect.scatter.add.f32 [tilespmem:s21], [sflag:$0x4], $0x80, s18, s19, $0xb8;
	[tilespmem:$0x1FF80] =	vst v63  }
0x56: {  	_ =	swait.ge [sflag:s16], $0x2800  }
0x57: {  	[sflag:s16] =	ssyncset.done $0x0  }
0x58: {  	[sflag:s16] =	ssyncadd.s32 $0xFFFFD800  }
0x59: {  	_ =	swait.ge [sflag:s28], $0x2800  }
0x5a: {  	[sflag:s28] =	ssyncset.done $0x0  }
0x5b: {  	s18 =	sadd.s32 $0x140, s1;
	[sflag:s28] =	ssyncadd.s32 $0xFFFFD800  }
0x5c: {  	[tilespmem:s21], [sflag:$0x2] =	stream.indirect.gather [hbm4b:s4+s19], $0x80, s18, s19, $0xb8;
	[tilespmem:$0x1FF80] =	vst v63  }
.Ltmp0:
0x5d: {  	_ = 	snop;
	(pc) =	sbr.rel @p2 .LBB2_2-.Ltmp0, $4  }
0x5e: {  	s1 =	sadd.s32 $0x2820, s1  }
0x5f: {  	[spmem:s2] =	stream.indirect.scatter.add.f32 [tilespmem:s23], [sflag:$0x4], $0x80, s1, s19, $0xb8;
	[tilespmem:$0x1FF80] =	vst v63  }
0x60: {  	_ =	swait.ge [sflag:s16], $0x2800  }
0x61: {  	[sflag:s16] =	ssyncset.done $0x0  }
0x62: {  	[sflag:s16] =	ssyncadd.s32 $0xFFFFD800  }
0x63: {  	_ =	swait.ge [sflag:s22], $0x2800  }
0x64: {  	[sflag:s22] =	ssyncset.done $0x0  }
0x65: {  	[sflag:s22] =	ssyncadd.s32 $0xFFFFD800  }
0x66: {  	[spmem:s2] =	stream.indirect.scatter.add.f32 [tilespmem:s20], [sflag:$0x4], $0x80, s29, s19, $0xb8;
	[tilespmem:$0x1FF80] =	vst v63  }
0x67: {  	_ =	swait.ge [sflag:s16], $0x2800  }
0x68: {  	[sflag:s16] =	ssyncset.done $0x0  }
0x69: {  	[sflag:s16] =	ssyncadd.s32 $0xFFFFD800  }
0x6a: {  	_ =	swait.ge [sflag:s26], $0x2800  }
0x6b: {  	[sflag:s26] =	ssyncset.done $0x0  }
0x6c: {  	[sflag:s26] =	ssyncadd.s32 $0xFFFFD800  }
0x6d: {  	[spmem:s2] =	stream.indirect.scatter.add.f32 [tilespmem:s21], [sflag:$0x4], $0x80, s30, s19, $0xb8;
	[tilespmem:$0x1FF80] =	vst v63  }
0x6e: {  	_ =	swait.ge [sflag:s16], $0x2800  }
0x6f: {  	[sflag:s16] =	ssyncset.done $0x0  }
0x70: {  	[sflag:s16] =	ssyncadd.s32 $0xFFFFD800  }
0x71: {  	s0 =	simm.s32 @p1 $0x4;
	[bflag:$0x0] =	sbarrier.arrive $0xFFFF  }
0x72: {  	[hbm:s12], [sflag:s7] =	dma.local @p1 [spmem:s24], $0x1900  }
0x73: {  	_ =	swait.ge @p1 [sflag:s0], $0x1900  }
0x74: {  	[sflag:s0] =	ssyncset.done @p1 $0x0  }
0x75: {  	[sflag:s0] =	ssyncadd.s32 @p1 $0xFFFFE700  }
0x76: {  	[hbm:s13], [sflag:s7] =	dma.local @p1 [hbm:s5], $0xF00  }
0x77: {  	s31 =	sadd.s32 $0x1, s31;
	_ =	swait.ge @p1 [sflag:s0], $0xF00  }
0x78: {  	p2 =	sne.s32 s31, s14;
	[sflag:s0] =	ssyncset.done @p1 $0x0  }
.Ltmp1:
0x79: {  	[sflag:s0] =	ssyncadd.s32 @p1 $0xFFFFF100;
	s0 =	simm.s32 @!p1 $0x4;
	(pc) =	sbr.rel @p2 .LBB2_1-.Ltmp1, $4  }
0x7a: {  	[hbm:s11], [sflag:s7] =	dma.local @!p1 [spmem:s25], $0x2800  }
0x7b: {  	_ =	swait.ge @!p1 [sflag:s0], $0x2800  }
0x7c: {  	[sflag:s0] =	ssyncset.done @!p1 $0x0  }
0x7d: {  	[sflag:s0] =	ssyncadd.s32 @!p1 $0xFFFFD800  }
0x7e: {  	_ =	sfence.sel $0x180000  }
0x7f: {  	[bflag:$0x0] =	sbarrier.arrive $0xFFFF  }
0x80: {  	_ =	strace $0x9000004A  }
0x81: {  	s0 =	stileid.u32;
	[bflag:$0x2] =	sbarrier.arrive $0xFFFF  }
0x82: {  	p0 =	sne.s32 s0, $0x0;
	s0 =	rddreg [dreg:$0x2]  }
0x83: {  	s0 =	sadd.s32 @!p0 $0x100000, s0  }
0x84: {  	[sflag:s0] =	ssyncadd.tile.s32 @!p0 $0x1;
	_ =	shalt  }
.Lfunc_end2:
_tile_overlayer_lowered:
.L_overlay_start_2:
0x85: {  	(tag) =	ssettag $0x2  }
0x86: {  	s0 =	rddreg [dreg:$0x0];
	s2 =	stileid.u32  }
0x87: {  	s1 =	rddreg [dreg:$0x1];
	p0 =	sne.s32 s2, $0x0  }
0x88: {  	s3 =	rddreg [dreg:$0x2];
	[bflag:$0x3] =	sbarrier.arrive $0xFFFF;
	s2 =	simm.s32 @!p0 $0x1C04  }
0x89: {  	[timem:s3], [sflag:s2] =	dma.local @!p0 [hbm:s0], s1  }
0x8a: {  	s0 =	simm.s32 @!p0 $0x4  }
0x8b: {  	_ =	swait.ge @!p0 [sflag:s0], s1  }
0x8c: {  	s1 =	ssub.s32 @!p0 $0x0, s1;
	[sflag:s0] =	ssyncset.done @!p0 $0x0  }
0x8d: {  	[sflag:s0] =	ssyncadd.s32 @!p0 s1  }
0x8e: {  	[bflag:$0x3] =	sbarrier.arrive $0xFFFF  }
0x8f: {  	_ =	shalt  }

// kernel: kernel.16.cloned.1.call-start
scs
__scs_entry_jumppad:
0x0: {  	(pc) =	sbr.rel $0x88, $3  }
0x1: {  	(tag) =	ssettag $0x0;
	lr =	simm.s32 $0x1  }
0x2: {  	[smem:$0x3F98] =	sst lr;
	_ =	strace $0xD0000000  }
0x3: {  	_ = 	snop  }
0x4: {  	_ = 	snop  }
0x5: {  	_ = 	snop  }
0x6: {  	_ = 	snop  }
0x7: {  	_ = 	snop  }
__scs_overlays_trampoline_lowered:
0x8: {  	[smem:$0x3FA7] =	sst s0  }
0x9: {  	[smem:$0x3FA8] =	sst s1  }
0xa: {  	[smem:$0x3FA9] =	sst s2  }
0xb: {  	[smem:$0x3FAA] =	sst s3  }
0xc: {  	[smem:$0x3FAB] =	sst s4  }
0xd: {  	[smem:$0x3FAC] =	sst s5  }
0xe: {  	[smem:$0x3FAD] =	sst s6  }
0xf: {  	[smem:$0x3FAE] =	sst s7  }
0x10: {  	[smem:$0x3FAF] =	sst s8  }
0x11: {  	[smem:$0x3FB0] =	sst s9;
	s0 =	simm.s32 @!p0 $0x0  }
0x12: {  	s1 =	sld [smem:$0x3F96];
	s0 =	simm.s32 @p0 $0x1  }
0x13: {  	[smem:$0x3FB1] =	sst s0;
	s0 =	simm.s32 @!p1 $0x0  }
0x14: {  	s2 =	sld [smem:$0x3F95];
	s0 =	simm.s32 @p1 $0x1  }
0x15: {  	[smem:$0x3FB2] =	sst s0;
	s0 =	simm.s32 @!p2 $0x0  }
0x16: {  	s3 =	sld [smem:$0x3FDB];
	s0 =	simm.s32 @p2 $0x1  }
0x17: {  	s4 =	simm.s32 $0x1BF5;
	[smem:$0x3FB4] =	sst s0  }
0x18: {  	s0 =	sld [smem:$0x3F97];
	_ =	swait.ge [sflag:s4], $0x0  }
0x19: {  	s7 =	sld [smem:$0x3F98]  }
0x1a: {  	s8 =	sadd.s32 $0xFFFFE003, lr  }
0x1b: {  	s9 =	sadd.s32 $0xFFFFFEF7, lr;
	s5 =	simm.s32 $0xFFFFFFFF;
	p2 =	slt.u32 s8, $0xFFFFF086  }
0x1c: {  	p1 =	slt.u32 s9, $0xF7A;
	s5 =	simm.s32 @!p2 $0x0  }
0x1d: {  	s5 =	simm.s32 @p1 $0x1;
	p0 =	seq.s32 s7, s2  }
0x1e: {  	s7 =	smul.u32 @!p0 $0xF7A, s2;
	p2 =	seq.s32 @!p0 s5, $0x0  }
0x1f: {  	s9 =	smul.u32 $0xF7A, s1;
	s8 =	simm.s32 @!p0 $0x1BF5;
	p2 =	por !p2, p0  }
0x20: {  	[sflag:s8] =	ssyncset.s32 @!p0 $0xFFFFF086;
	s6 =	sadd.s32 @!p0 s3, s7;
	s7 =	simm.s32 @!p0 $0x108  }
0x21: {  	s3 =	sadd.s32 s3, s9;
	s6 =	sadd.s32 @!p0 $0x88, s6;
	s7 =	simm.s32 @p2 $0x1082  }
0x22: {  	[simem:s7], [sflag:s8] =	dma.local @!p0 [hbm:s6], $0xF7A  }
0x23: {  	s9 =	sor.u32 $0xD0000000, s2;
	s6 =	simm.s32 $0x108;
	_ =	swait.ge @!p0 [sflag:s8], $0x0  }
0x24: {  	s3 =	sadd.s32 $0x88, s3;
	s6 =	simm.s32 @!p1 $0x1082;
	[sflag:s4] =	ssyncset.s32 $0xFFFFF086  }
0x25: {  	[simem:s6], [sflag:s4] =	dma.local [hbm:s3], $0xF7A  }
0x26: {  	[smem:$0x3F98] =	sst s1;
	(tag) =	ssettag s2;
	_ =	strace s9  }
0x27: {  	s1 =	sld [smem:$0x3FA8]  }
0x28: {  	s2 =	sld [smem:$0x3FA9]  }
0x29: {  	s4 =	sld [smem:$0x3FAB]  }
0x2a: {  	p0 =	seq.s32 s5, $0x0;
	s5 =	sld [smem:$0x3FAC]  }
0x2b: {  	s6 =	sld [smem:$0x3FAD]  }
0x2c: {  	s7 =	sld [smem:$0x3FAE]  }
0x2d: {  	s3 =	simm.s32 $0x108;
	s8 =	sld [smem:$0x3FAF]  }
0x2e: {  	s3 =	simm.s32 @!p0 $0x1082;
	s9 =	sld [smem:$0x3FB0]  }
0x2f: {  	lr =	sadd.s32 s0, s3;
	s0 =	sld [smem:$0x3FA7]  }
0x30: {  	s3 =	sld [smem:$0x3FAA]  }
0x31: {  	[smem:$0x3FB3] =	sst s10  }
0x32: {  	s10 =	sld [smem:$0x3FB1];
	_ =	sdelay $0x3  }
0x33: {  	p0 =	seq.s32 s10, $0x1;
	s10 =	sld [smem:$0x3FB3];
	_ =	sdelay $0x3  }
0x34: {  	[smem:$0x3FB3] =	sst s10  }
0x35: {  	s10 =	sld [smem:$0x3FB2];
	_ =	sdelay $0x3  }
0x36: {  	p1 =	seq.s32 s10, $0x1;
	s10 =	sld [smem:$0x3FB3];
	_ =	sdelay $0x3  }
0x37: {  	[smem:$0x3FB3] =	sst s10  }
0x38: {  	s10 =	sld [smem:$0x3FB4]  }
0x39: {  	_ = 	snop;
	(pc) =	sbr.ind lr, $3  }
0x3a: {  	_ = 	snop  }
0x3b: {  	_ = 	snop  }
0x3c: {  	p2 =	seq.s32 s10, $0x1;
	s10 =	sld [smem:$0x3FB3]  }
0x3d: {  	_ =	shalt  }
0x3e: {  	_ =	shalt  }
0x3f: {  	_ =	shalt  }
0x40: {  	_ =	shalt  }
0x41: {  	_ =	shalt  }
0x42: {  	_ =	shalt  }
0x43: {  	_ =	shalt  }
0x44: {  	_ =	shalt  }
0x45: {  	_ =	shalt  }
0x46: {  	_ =	shalt  }
0x47: {  	_ =	shalt  }
0x48: {  	_ =	shalt  }
0x49: {  	_ =	shalt  }
0x4a: {  	_ =	shalt  }
0x4b: {  	_ =	shalt  }
0x4c: {  	_ =	shalt  }
0x4d: {  	_ =	shalt  }
0x4e: {  	_ =	shalt  }
0x4f: {  	_ =	shalt  }
0x50: {  	_ =	shalt  }
0x51: {  	_ =	shalt  }
0x52: {  	_ =	shalt  }
0x53: {  	_ =	shalt  }
0x54: {  	_ =	shalt  }
0x55: {  	_ =	shalt  }
0x56: {  	_ =	shalt  }
0x57: {  	_ =	shalt  }
0x58: {  	_ =	shalt  }
0x59: {  	_ =	shalt  }
0x5a: {  	_ =	shalt  }
0x5b: {  	_ =	shalt  }
0x5c: {  	_ =	shalt  }
0x5d: {  	_ =	shalt  }
0x5e: {  	_ =	shalt  }
0x5f: {  	_ =	shalt  }
0x60: {  	_ =	shalt  }
0x61: {  	_ =	shalt  }
0x62: {  	_ =	shalt  }
0x63: {  	_ =	shalt  }
0x64: {  	_ =	shalt  }
0x65: {  	_ =	shalt  }
0x66: {  	_ =	shalt  }
0x67: {  	_ =	shalt  }
0x68: {  	_ =	shalt  }
0x69: {  	_ =	shalt  }
0x6a: {  	_ =	shalt  }
0x6b: {  	_ =	shalt  }
0x6c: {  	_ =	shalt  }
0x6d: {  	_ =	shalt  }
0x6e: {  	_ =	shalt  }
0x6f: {  	_ =	shalt  }
0x70: {  	_ =	shalt  }
0x71: {  	_ =	shalt  }
0x72: {  	_ =	shalt  }
0x73: {  	_ =	shalt  }
0x74: {  	_ =	shalt  }
0x75: {  	_ =	shalt  }
0x76: {  	_ =	shalt  }
0x77: {  	_ =	shalt  }
0x78: {  	_ =	shalt  }
0x79: {  	_ =	shalt  }
0x7a: {  	_ =	shalt  }
0x7b: {  	_ =	shalt  }
0x7c: {  	_ =	shalt  }
0x7d: {  	_ =	shalt  }
0x7e: {  	_ =	shalt  }
0x7f: {  	_ =	shalt  }
0x80: {  	_ =	shalt  }
0x81: {  	_ =	shalt  }
0x82: {  	_ =	shalt  }
0x83: {  	_ =	shalt  }
0x84: {  	_ =	shalt  }
0x85: {  	_ =	shalt  }
0x86: {  	_ =	shalt  }
0x87: {  	_ =	shalt  }
.Lfunc_end0:
.L_simem_size_0:
called_computation.2_lowered:
.L_overlay_start_0:
0x88: {  	s2 =	sld [smem:$0x3FD9]  }
0x89: {  	s3 =	sld [smem:$0x3FFE];
	_ =	sdelay $0x1  }
0x8a: {  	s1 =	srdreg.scid  }
0x8b: {  	s0 =	sand.u32 $0x1, s1  }
0x8c: {  	s16 =	sshll.u32 s0, $0xA;
	s2 =	sadd.s32 s3, s2  }
0x8d: {  	s2 =	sadd.s32 s2, s16  }
0x8e: {  	[smem:$0x3FBF] =	sst s2  }
0x8f: {  	_ = 	snop  }
0x90: {  	(tm) =	ssettm $0x1  }
0x91: {  	s17 =	sld [smem:$0x3FFB];
	_ =	sdelay $0x3  }
0x92: {  	_ =	strace s17  }
0x93: {  	s2 =	sld [smem:$0x3FFC];
	_ =	sdelay $0x3  }
0x94: {  	_ =	strace s2  }
0x95: {  	s2 =	sld [smem:$0x3FFD];
	_ =	sdelay $0x3  }
0x96: {  	_ =	strace s2  }
0x97: {  	_ =	strace $0x8FFFFFFF  }
0x98: {  	s18 =	sld [smem:$0x3FDB];
	_ =	sdelay $0x1  }
0x99: {  	s19 =	simm.s32 $_scs_section_size  }
0x9a: {  	s4 =	simm.s32 $_size__tile_overlayer_lowered;
	s5 =	simm.s32 $_tile_overlayer_lowered  }
0x9b: {  	s22 =	simm.s32 $0x1BFF;
	s21 =	sshll.u32 s5, $0x1;
	s2 =	sadd.s32 s19, s18  }
0x9c: {  	s6 =	simm.s32 $0x0;
	s20 =	sshll.u32 s4, $0x1;
	s4 =	sadd.s32 s21, s2  }
0x9d: {  	[timem:s6], [sflag:s22] =	dma.local [hbm:s4], s20  }
0x9e: {  	_ =	swait.ge [sflag:s22], s20  }
0x9f: {  	s3 =	ssub.s32 $0x0, s20;
	[sflag:s22] =	ssyncset.done $0x0  }
0xa0: {  	[sflag:s22] =	ssyncadd.s32 s3;
	_ =	sdelay $0x1  }
0xa1: {  	s23 =	simm.s32 $0x1B8B  }
0xa2: {  	_ =	swait.ge [sflag:s23], $0x1  }
0xa3: {  	[sflag:s23] =	ssyncset.done $0x0  }
0xa4: {  	s25 =	simm.s32 $0x1B8E;
	s24 =	sld [smem:$0x3FFE];
	[sflag:s23] =	ssyncadd.s32 $0xFFFFFFFF  }
0xa5: {  	s26 =	simm.s32 $execute0_lowered;
	[smem:$0x3FD2] =	sst s25  }
0xa6: {  	s4 =	sshll.u32 s26, $0x1;
	_ =	strace $0x8000004C;
	[dreg:$0x1] =	wrdreg $0xFFFFFFFF  }
0xa7: {  	s28 =	simm.s32 $_size_execute0_lowered;
	s2 =	sadd.s32 s2, s4;
	[dreg:$0x0] =	wrdreg $0x0  }
0xa8: {  	s4 =	sshll.u32 s28, $0x1;
	[dreg:$0x2] =	wrdreg s2  }
0xa9: {  	[dreg:$0x3] =	wrdreg s4  }
0xaa: {  	[dreg:$0x4] =	wrdreg $0xC0  }
0xab: {  	_ =	task [dreg:s6], $0x5FFFF  }
0xac: {  	[dreg:$0x1] =	wrdreg $0xFFFFFFFF  }
0xad: {  	[dreg:$0x0] =	wrdreg $0x60  }
0xae: {  	[dreg:$0x2] =	wrdreg s24  }
0xaf: {  	[dreg:$0x3] =	wrdreg $0xC7000  }
0xb0: {  	[dreg:$0x4] =	wrdreg $0x9  }
0xb1: {  	_ =	task.clear_ibuf [dreg:s6], $0x5FFFF;
	_ =	strace $0x9000004C  }
0xb2: {  	s29 =	simm.s32 $0x9;
	_ =	strace $0x8000004E  }
0xb3: {  	_ =	swait.ge [sflag:s29], $0x1  }
0xb4: {  	[sflag:s29] =	ssyncadd.s32 $0xFFFFFFFF  }
0xb5: {  	_ =	strace $0x9000004E  }
0xb6: {  	_ =	sfence  }
0xb7: {  	s30 =	sld [smem:$0x0];
	_ =	sdelay $0x2  }
0xb8: {  	s31 =	sshll.u32 s1, $0xD;
	s1 =	sshrl.u32 s1, $0x2  }
0xb9: {  	s3 =	sand.u32 $0x4000, s31;
	s1 =	sadd.s32 s1, s30  }
0xba: {  	s0 =	sor.u32 s3, s0;
	s1 =	sshll.u32 s1, $0x11  }
0xbb: {  	s0 =	sor.u32 s1, s0  }
0xbc: {  	s0 =	sadd.s32 $0x8F2B, s0  }
0xbd: {  	[sflag:s0] =	ssyncadd.remote.s32 $0x1  }
0xbe: {  	_ =	sfence.sel $0xFFFF  }
0xbf: {  	[dreg:$0x0] =	wrdreg $0xFFFFFFFF;
	(pc) =	sbr.abs _section_cstart, $3  }
0xc0: {  	[dreg:$0x1] =	wrdreg $0xFFFFFFFF  }
0xc1: {  	_ =	task.clear_ibuf [dreg:s6], $0x2FFFF;
	_ =	strace $0x9FFFFFFF  }
0xc2: {  	(tm) =	ssettm $0x7FFFFFFF  }
0xc3: {  	_ =	shalt  }
tec
execute0_lowered:
.L_overlay_start_1:
0x0: {  	(tag) =	ssettag $0x1  }
0x1: {  	s8 =	rddreg [dreg:$0x0]  }
0x2: {  	s0 =	srdreg.scid;
	s2 =	rddreg [dreg:$0x1]  }
0x3: {  	s1 =	stileid.u32;
	s3 =	simm.s32 $0x0;
	s16 =	simm.s32 $0x4  }
0x4: {  	s19 =	simm.s32 $0x50;
	s20 =	simm.s32 $0x4F00;
	s21 =	simm.s32 $0x7700  }
0x5: {  	s22 =	simm.s32 $0x1;
	s23 =	simm.s32 $0x9F00;
	s28 =	simm.s32 $0x3  }
0x6: {  	s29 =	simm.s32 $0x4DF0;
	s30 =	simm.s32 $0x4E40;
	s6 =	smul.u32 $0x4E000, s1  }
0x7: {  	s31 =	simm.s32 $0x0;
	s0 =	sand.u32 $0x1, s0;
	s11 =	smul.u32 $0x2700, s1  }
0x8: {  	[smem:$0x7FF] =	sst s3;
	s12 =	sadd.s32 $0x65E00, s8;
	s26 =	smul.u32 $0x14000, s1  }
0x9: {  	s25 =	sshll.u32 s1, $0x6;
	s17 =	sadd.s32 $0x138000, s2;
	s13 =	smul.u32 $0x50000, s1  }
0xa: {  	s24 =	sadd.s32 $0x12C000, s2;
	p0 =	sne.s32 s1, $0xF;
	p1 =	seq.s32 s1, $0xF  }
0xb: {  	s4 =	sshll.u32 s0, $0x4;
	_ =	strace $0x8000004D;
	s7 =	ssub.s32 $0x2, s0  }
0xc: {  	s0 =	smul.u32 $0x140000, s0;
	s17 =	sshrl.u32 @!p0 s17, $0x3;
	s24 =	sshrl.u32 @p1 s24, $0x3  }
0xd: {  	s4 =	sor.u32 s1, s4;
	s9 =	sshrl.u32 s7, $0x1;
	s6 =	sshrl.u32 s6, $0x2  }
0xe: {  	s13 =	sshrl.u32 s13, $0x2;
	s5 =	smul.u32 $0x4E2, s4;
	s4 =	sadd.s32 $0x16C00, s8  }
0xf: {  	s14 =	ssub.s32 s7, s9;
	s15 =	sadd.s32 s6, s2;
	s7 =	sor.u32 $0x1C04, s25  }
0x10: {  	s25 =	sadd.s32 s13, s2;
	s14 =	smax.u32 s14, $0x1;
	s15 =	sshrl.u32 s15, $0x3  }
0x11: {  	s25 =	sshrl.u32 @!p1 s25, $0x3;
	s10 =	sadd.s32 s5, s8;
	s5 =	sadd.s32 $0x3EC00, s8  }
0x12: {  	s8 =	sadd.s32 $0x65C00, s8;
	s6 =	sadd.s32 s5, s11;
	s9 =	sadd.s32 $0x3000, s10  }
0x13: {  	s10 =	sadd.s32 $0xCE00, s10;
	s11 =	sadd.s32 s26, s0;
	s0 =	sshrl.u32 s0, $0x3  }
0x14: {  	s26 =	simm.s32 $0x2;
	s11 =	sshrl.u32 s11, $0x3;
	s0 =	sadd.s32 s12, s0  }
0x15: {  	s11 =	sadd.s32 s12, s11;
	s12 =	sadd.s32 $0x25800, s0;
	s13 =	sadd.s32 $0x27100, s0  }
.LBB2_1:
0x16: {  	[spmem:s15], [sflag:s7] =	dma.local [hbm:s6], $0x2700  }
0x17: {  	_ =	swait.ge [sflag:s16], $0x2700  }
0x18: {  	[sflag:s16] =	ssyncset.done $0x0  }
0x19: {  	s0 =	simm.s32 @!p0 $0x4;
	[sflag:s16] =	ssyncadd.s32 $0xFFFFD900  }
0x1a: {  	[spmem:s17], [sflag:s7] =	dma.local @!p0 [hbm:s8], $0x100  }
0x1b: {  	_ =	swait.ge @!p0 [sflag:s0], $0x100  }
0x1c: {  	[sflag:s0] =	ssyncset.done @!p0 $0x0  }
0x1d: {  	[sflag:s0] =	ssyncadd.s32 @!p0 $0xFFFFFF00  }
0x1e: {  	[tilespmem:s3], [sflag:$0x4] =	stream.linear.gather [hbm4b:s9+s3], $0x2710, $0x38;
	[tilespmem:$0x1FF80] =	vst v63  }
0x1f: {  	_ =	swait.ge [sflag:s16], $0x2710  }
0x20: {  	[sflag:s16] =	ssyncset.done $0x0  }
0x21: {  	s18 =	simm.s32 $0x2780;
	[sflag:s16] =	ssyncadd.s32 $0xFFFFD8F0  }
0x22: {  	[tilespmem:s18], [sflag:$0x4] =	stream.linear.gather [hbm4b:s10+s3], $0x2710, $0x38;
	[tilespmem:$0x1FF80] =	vst v63  }
0x23: {  	_ =	swait.ge [sflag:s16], $0x2710  }
0x24: {  	[sflag:s16] =	ssyncset.done $0x0  }
0x25: {  	[sflag:s16] =	ssyncadd.s32 $0xFFFFD8F0  }
0x26: {  	[bflag:$0x0] =	sbarrier.arrive $0xFFFF  }
0x27: {  	[tilespmem:s20], [sflag:$0x1] =	stream.indirect.gather [hbm4b:s4+s19], $0x80, s3, s19, $0xb8;
	[tilespmem:$0x1FF80] =	vst v63  }
0x28: {  	_ = 	snop  }
0x29: {  	[tilespmem:s21], [sflag:$0x2] =	stream.indirect.gather [hbm4b:s4+s19], $0x80, s19, s19, $0xb8;
	[tilespmem:$0x1FF80] =	vst v63  }
0x2a: {  	_ =	swait.ge [sflag:s22], $0x2800  }
0x2b: {  	[sflag:s22] =	ssyncset.done $0x0  }
0x2c: {  	s1 =	simm.s32 $0xA0;
	[sflag:s22] =	ssyncadd.s32 $0xFFFFD800  }
0x2d: {  	[tilespmem:s23], [sflag:$0x3] =	stream.indirect.gather [hbm4b:s4+s19], $0x80, s1, s19, $0xb8;
	[tilespmem:$0x1FF80] =	vst v63  }
0x2e: {  	s18 =	simm.s32 $0x2780  }
0x2f: {  	[spmem:s2] =	stream.indirect.scatter.add.f32 [tilespmem:s20], [sflag:$0x4], $0x80, s18, s19, $0xb8;
	[tilespmem:$0x1FF80] =	vst v63  }
0x30: {  	_ =	swait.ge [sflag:s16], $0x2800  }
0x31: {  	[sflag:s16] =	ssyncset.done $0x0  }
0x32: {  	[sflag:s16] =	ssyncadd.s32 $0xFFFFD800  }
0x33: {  	_ =	swait.ge [sflag:s26], $0x2800  }
0x34: {  	[sflag:s26] =	ssyncset.done $0x0  }
0x35: {  	s1 =	simm.s32 $0xF0;
	[sflag:s26] =	ssyncadd.s32 $0xFFFFD800  }
0x36: {  	[tilespmem:s20], [sflag:$0x1] =	stream.indirect.gather [hbm4b:s4+s19], $0x80, s1, s19, $0xb8;
	[tilespmem:$0x1FF80] =	vst v63  }
0x37: {  	s18 =	simm.s32 $0x27D0  }
0x38: {  	[spmem:s2] =	stream.indirect.scatter.add.f32 [tilespmem:s21], [sflag:$0x4], $0x80, s18, s19, $0xb8;
	[tilespmem:$0x1FF80] =	vst v63  }
0x39: {  	_ =	swait.ge [sflag:s16], $0x2800  }
0x3a: {  	[sflag:s16] =	ssyncset.done $0x0  }
0x3b: {  	[sflag:s16] =	ssyncadd.s32 $0xFFFFD800  }
0x3c: {  	_ =	swait.ge [sflag:s28], $0x2800  }
0x3d: {  	[sflag:s28] =	ssyncset.done $0x0  }
0x3e: {  	s1 =	simm.s32 $0x140;
	[sflag:s28] =	ssyncadd.s32 $0xFFFFD800  }
0x3f: {  	[tilespmem:s21], [sflag:$0x2] =	stream.indirect.gather [hbm4b:s4+s19], $0x80, s1, s19, $0xb8;
	[tilespmem:$0x1FF80] =	vst v63  }
0x40: {  	s18 =	simm.s32 $0x2820  }
0x41: {  	[spmem:s2] =	stream.indirect.scatter.add.f32 [tilespmem:s23], [sflag:$0x4], $0x80, s18, s19, $0xb8;
	[tilespmem:$0x1FF80] =	vst v63  }
0x42: {  	_ =	swait.ge [sflag:s16], $0x2800  }
0x43: {  	s0 =	simm.s32 $0x3C0;
	[sflag:s16] =	ssyncset.done $0x0  }
.LBB2_2:
0x44: {  	p2 =	sne.s32 s0, $0x9600  }
0x45: {  	[sflag:s16] =	ssyncadd.s32 $0xFFFFD800;
	s1 =	smov.u32 s0;
	s0 =	sadd.s32 $0x3C0, s0  }
0x46: {  	_ = 	snop  }
0x47: {  	_ =	swait.ge [sflag:s22], $0x2800  }
0x48: {  	s1 =	sshra.s32 s1, $0x2;
	[sflag:s22] =	ssyncset.done $0x0  }
0x49: {  	s18 =	sadd.s32 $0xA0, s1;
	[sflag:s22] =	ssyncadd.s32 $0xFFFFD800  }
0x4a: {  	[tilespmem:s23], [sflag:$0x3] =	stream.indirect.gather [hbm4b:s4+s19], $0x80, s18, s19, $0xb8;
	[tilespmem:$0x1FF80] =	vst v63  }
0x4b: {  	s18 =	sadd.s32 $0x2780, s1  }
0x4c: {  	[spmem:s2] =	stream.indirect.scatter.add.f32 [tilespmem:s20], [sflag:$0x4], $0x80, s18, s19, $0xb8;
	[tilespmem:$0x1FF80] =	vst v63  }
0x4d: {  	_ =	swait.ge [sflag:s16], $0x2800  }
0x4e: {  	[sflag:s16] =	ssyncset.done $0x0  }
0x4f: {  	[sflag:s16] =	ssyncadd.s32 $0xFFFFD800  }
0x50: {  	_ =	swait.ge [sflag:s26], $0x2800  }
0x51: {  	[sflag:s26] =	ssyncset.done $0x0  }
0x52: {  	s18 =	sadd.s32 $0xF0, s1;
	[sflag:s26] =	ssyncadd.s32 $0xFFFFD800  }
0x53: {  	[tilespmem:s20], [sflag:$0x1] =	stream.indirect.gather [hbm4b:s4+s19], $0x80, s18, s19, $0xb8;
	[tilespmem:$0x1FF80] =	vst v63  }
0x54: {  	s18 =	sadd.s32 $0x27D0, s1  }
0x55: {  	[spmem:s2] =	stream.indirect.scatter.add.f32 [tilespmem:s21], [sflag:$0x4], $0x80, s18, s19, $0xb8;
	[tilespmem:$0x1FF80] =	vst v63  }
0x56: {  	_ =	swait.ge [sflag:s16], $0x2800  }
0x57: {  	[sflag:s16] =	ssyncset.done $0x0  }
0x58: {  	[sflag:s16] =	ssyncadd.s32 $0xFFFFD800  }
0x59: {  	_ =	swait.ge [sflag:s28], $0x2800  }
0x5a: {  	[sflag:s28] =	ssyncset.done $0x0  }
0x5b: {  	s18 =	sadd.s32 $0x140, s1;
	[sflag:s28] =	ssyncadd.s32 $0xFFFFD800  }
0x5c: {  	[tilespmem:s21], [sflag:$0x2] =	stream.indirect.gather [hbm4b:s4+s19], $0x80, s18, s19, $0xb8;
	[tilespmem:$0x1FF80] =	vst v63  }
.Ltmp0:
0x5d: {  	_ = 	snop;
	(pc) =	sbr.rel @p2 .LBB2_2-.Ltmp0, $4  }
0x5e: {  	s1 =	sadd.s32 $0x2820, s1  }
0x5f: {  	[spmem:s2] =	stream.indirect.scatter.add.f32 [tilespmem:s23], [sflag:$0x4], $0x80, s1, s19, $0xb8;
	[tilespmem:$0x1FF80] =	vst v63  }
0x60: {  	_ =	swait.ge [sflag:s16], $0x2800  }
0x61: {  	[sflag:s16] =	ssyncset.done $0x0  }
0x62: {  	[sflag:s16] =	ssyncadd.s32 $0xFFFFD800  }
0x63: {  	_ =	swait.ge [sflag:s22], $0x2800  }
0x64: {  	[sflag:s22] =	ssyncset.done $0x0  }
0x65: {  	[sflag:s22] =	ssyncadd.s32 $0xFFFFD800  }
0x66: {  	[spmem:s2] =	stream.indirect.scatter.add.f32 [tilespmem:s20], [sflag:$0x4], $0x80, s29, s19, $0xb8;
	[tilespmem:$0x1FF80] =	vst v63  }
0x67: {  	_ =	swait.ge [sflag:s16], $0x2800  }
0x68: {  	[sflag:s16] =	ssyncset.done $0x0  }
0x69: {  	[sflag:s16] =	ssyncadd.s32 $0xFFFFD800  }
0x6a: {  	_ =	swait.ge [sflag:s26], $0x2800  }
0x6b: {  	[sflag:s26] =	ssyncset.done $0x0  }
0x6c: {  	[sflag:s26] =	ssyncadd.s32 $0xFFFFD800  }
0x6d: {  	[spmem:s2] =	stream.indirect.scatter.add.f32 [tilespmem:s21], [sflag:$0x4], $0x80, s30, s19, $0xb8;
	[tilespmem:$0x1FF80] =	vst v63  }
0x6e: {  	_ =	swait.ge [sflag:s16], $0x2800  }
0x6f: {  	[sflag:s16] =	ssyncset.done $0x0  }
0x70: {  	[sflag:s16] =	ssyncadd.s32 $0xFFFFD800  }
0x71: {  	s0 =	simm.s32 @p1 $0x4;
	[bflag:$0x0] =	sbarrier.arrive $0xFFFF  }
0x72: {  	[hbm:s12], [sflag:s7] =	dma.local @p1 [spmem:s24], $0x1900  }
0x73: {  	_ =	swait.ge @p1 [sflag:s0], $0x1900  }
0x74: {  	[sflag:s0] =	ssyncset.done @p1 $0x0  }
0x75: {  	[sflag:s0] =	ssyncadd.s32 @p1 $0xFFFFE700  }
0x76: {  	[hbm:s13], [sflag:s7] =	dma.local @p1 [hbm:s5], $0xF00  }
0x77: {  	s31 =	sadd.s32 $0x1, s31;
	_ =	swait.ge @p1 [sflag:s0], $0xF00  }
0x78: {  	p2 =	sne.s32 s31, s14;
	[sflag:s0] =	ssyncset.done @p1 $0x0  }
.Ltmp1:
0x79: {  	[sflag:s0] =	ssyncadd.s32 @p1 $0xFFFFF100;
	s0 =	simm.s32 @!p1 $0x4;
	(pc) =	sbr.rel @p2 .LBB2_1-.Ltmp1, $4  }
0x7a: {  	[hbm:s11], [sflag:s7] =	dma.local @!p1 [spmem:s25], $0x2800  }
0x7b: {  	_ =	swait.ge @!p1 [sflag:s0], $0x2800  }
0x7c: {  	[sflag:s0] =	ssyncset.done @!p1 $0x0  }
0x7d: {  	[sflag:s0] =	ssyncadd.s32 @!p1 $0xFFFFD800  }
0x7e: {  	_ =	sfence.sel $0x180000  }
0x7f: {  	[bflag:$0x0] =	sbarrier.arrive $0xFFFF  }
0x80: {  	_ =	strace $0x9000004D  }
0x81: {  	s0 =	stileid.u32;
	[bflag:$0x2] =	sbarrier.arrive $0xFFFF  }
0x82: {  	p0 =	sne.s32 s0, $0x0;
	s0 =	rddreg [dreg:$0x2]  }
0x83: {  	s0 =	sadd.s32 @!p0 $0x100000, s0  }
0x84: {  	[sflag:s0] =	ssyncadd.tile.s32 @!p0 $0x1;
	_ =	shalt  }
.Lfunc_end2:
_tile_overlayer_lowered:
.L_overlay_start_2:
0x85: {  	(tag) =	ssettag $0x2  }
0x86: {  	s0 =	rddreg [dreg:$0x0];
	s2 =	stileid.u32  }
0x87: {  	s1 =	rddreg [dreg:$0x1];
	p0 =	sne.s32 s2, $0x0  }
0x88: {  	s3 =	rddreg [dreg:$0x2];
	[bflag:$0x3] =	sbarrier.arrive $0xFFFF;
	s2 =	simm.s32 @!p0 $0x1C04  }
0x89: {  	[timem:s3], [sflag:s2] =	dma.local @!p0 [hbm:s0], s1  }
0x8a: {  	s0 =	simm.s32 @!p0 $0x4  }
0x8b: {  	_ =	swait.ge @!p0 [sflag:s0], s1  }
0x8c: {  	s1 =	ssub.s32 @!p0 $0x0, s1;
	[sflag:s0] =	ssyncset.done @!p0 $0x0  }
0x8d: {  	[sflag:s0] =	ssyncadd.s32 @!p0 s1  }
0x8e: {  	[bflag:$0x3] =	sbarrier.arrive $0xFFFF  }
0x8f: {  	_ =	shalt  }

// kernel: kernel.19.cloned.1.call-start
scs
__scs_entry_jumppad:
0x0: {  	(pc) =	sbr.rel $0x88, $3  }
0x1: {  	(tag) =	ssettag $0x0;
	lr =	simm.s32 $0x1  }
0x2: {  	[smem:$0x3F98] =	sst lr;
	_ =	strace $0xD0000000  }
0x3: {  	_ = 	snop  }
0x4: {  	_ = 	snop  }
0x5: {  	_ = 	snop  }
0x6: {  	_ = 	snop  }
0x7: {  	_ = 	snop  }
__scs_overlays_trampoline_lowered:
0x8: {  	[smem:$0x3FA7] =	sst s0  }
0x9: {  	[smem:$0x3FA8] =	sst s1  }
0xa: {  	[smem:$0x3FA9] =	sst s2  }
0xb: {  	[smem:$0x3FAA] =	sst s3  }
0xc: {  	[smem:$0x3FAB] =	sst s4  }
0xd: {  	[smem:$0x3FAC] =	sst s5  }
0xe: {  	[smem:$0x3FAD] =	sst s6  }
0xf: {  	[smem:$0x3FAE] =	sst s7  }
0x10: {  	[smem:$0x3FAF] =	sst s8  }
0x11: {  	[smem:$0x3FB0] =	sst s9;
	s0 =	simm.s32 @!p0 $0x0  }
0x12: {  	s1 =	sld [smem:$0x3F96];
	s0 =	simm.s32 @p0 $0x1  }
0x13: {  	[smem:$0x3FB1] =	sst s0;
	s0 =	simm.s32 @!p1 $0x0  }
0x14: {  	s2 =	sld [smem:$0x3F95];
	s0 =	simm.s32 @p1 $0x1  }
0x15: {  	[smem:$0x3FB2] =	sst s0;
	s0 =	simm.s32 @!p2 $0x0  }
0x16: {  	s3 =	sld [smem:$0x3FDB];
	s0 =	simm.s32 @p2 $0x1  }
0x17: {  	s4 =	simm.s32 $0x1BF5;
	[smem:$0x3FB4] =	sst s0  }
0x18: {  	s0 =	sld [smem:$0x3F97];
	_ =	swait.ge [sflag:s4], $0x0  }
0x19: {  	s7 =	sld [smem:$0x3F98]  }
0x1a: {  	s8 =	sadd.s32 $0xFFFFE003, lr  }
0x1b: {  	s9 =	sadd.s32 $0xFFFFFEF7, lr;
	s5 =	simm.s32 $0xFFFFFFFF;
	p2 =	slt.u32 s8, $0xFFFFF086  }
0x1c: {  	p1 =	slt.u32 s9, $0xF7A;
	s5 =	simm.s32 @!p2 $0x0  }
0x1d: {  	s5 =	simm.s32 @p1 $0x1;
	p0 =	seq.s32 s7, s2  }
0x1e: {  	s7 =	smul.u32 @!p0 $0xF7A, s2;
	p2 =	seq.s32 @!p0 s5, $0x0  }
0x1f: {  	s9 =	smul.u32 $0xF7A, s1;
	s8 =	simm.s32 @!p0 $0x1BF5;
	p2 =	por !p2, p0  }
0x20: {  	[sflag:s8] =	ssyncset.s32 @!p0 $0xFFFFF086;
	s6 =	sadd.s32 @!p0 s3, s7;
	s7 =	simm.s32 @!p0 $0x108  }
0x21: {  	s3 =	sadd.s32 s3, s9;
	s6 =	sadd.s32 @!p0 $0x88, s6;
	s7 =	simm.s32 @p2 $0x1082  }
0x22: {  	[simem:s7], [sflag:s8] =	dma.local @!p0 [hbm:s6], $0xF7A  }
0x23: {  	s9 =	sor.u32 $0xD0000000, s2;
	s6 =	simm.s32 $0x108;
	_ =	swait.ge @!p0 [sflag:s8], $0x0  }
0x24: {  	s3 =	sadd.s32 $0x88, s3;
	s6 =	simm.s32 @!p1 $0x1082;
	[sflag:s4] =	ssyncset.s32 $0xFFFFF086  }
0x25: {  	[simem:s6], [sflag:s4] =	dma.local [hbm:s3], $0xF7A  }
0x26: {  	[smem:$0x3F98] =	sst s1;
	(tag) =	ssettag s2;
	_ =	strace s9  }
0x27: {  	s1 =	sld [smem:$0x3FA8]  }
0x28: {  	s2 =	sld [smem:$0x3FA9]  }
0x29: {  	s4 =	sld [smem:$0x3FAB]  }
0x2a: {  	p0 =	seq.s32 s5, $0x0;
	s5 =	sld [smem:$0x3FAC]  }
0x2b: {  	s6 =	sld [smem:$0x3FAD]  }
0x2c: {  	s7 =	sld [smem:$0x3FAE]  }
0x2d: {  	s3 =	simm.s32 $0x108;
	s8 =	sld [smem:$0x3FAF]  }
0x2e: {  	s3 =	simm.s32 @!p0 $0x1082;
	s9 =	sld [smem:$0x3FB0]  }
0x2f: {  	lr =	sadd.s32 s0, s3;
	s0 =	sld [smem:$0x3FA7]  }
0x30: {  	s3 =	sld [smem:$0x3FAA]  }
0x31: {  	[smem:$0x3FB3] =	sst s10  }
0x32: {  	s10 =	sld [smem:$0x3FB1];
	_ =	sdelay $0x3  }
0x33: {  	p0 =	seq.s32 s10, $0x1;
	s10 =	sld [smem:$0x3FB3];
	_ =	sdelay $0x3  }
0x34: {  	[smem:$0x3FB3] =	sst s10  }
0x35: {  	s10 =	sld [smem:$0x3FB2];
	_ =	sdelay $0x3  }
0x36: {  	p1 =	seq.s32 s10, $0x1;
	s10 =	sld [smem:$0x3FB3];
	_ =	sdelay $0x3  }
0x37: {  	[smem:$0x3FB3] =	sst s10  }
0x38: {  	s10 =	sld [smem:$0x3FB4]  }
0x39: {  	_ = 	snop;
	(pc) =	sbr.ind lr, $3  }
0x3a: {  	_ = 	snop  }
0x3b: {  	_ = 	snop  }
0x3c: {  	p2 =	seq.s32 s10, $0x1;
	s10 =	sld [smem:$0x3FB3]  }
0x3d: {  	_ =	shalt  }
0x3e: {  	_ =	shalt  }
0x3f: {  	_ =	shalt  }
0x40: {  	_ =	shalt  }
0x41: {  	_ =	shalt  }
0x42: {  	_ =	shalt  }
0x43: {  	_ =	shalt  }
0x44: {  	_ =	shalt  }
0x45: {  	_ =	shalt  }
0x46: {  	_ =	shalt  }
0x47: {  	_ =	shalt  }
0x48: {  	_ =	shalt  }
0x49: {  	_ =	shalt  }
0x4a: {  	_ =	shalt  }
0x4b: {  	_ =	shalt  }
0x4c: {  	_ =	shalt  }
0x4d: {  	_ =	shalt  }
0x4e: {  	_ =	shalt  }
0x4f: {  	_ =	shalt  }
0x50: {  	_ =	shalt  }
0x51: {  	_ =	shalt  }
0x52: {  	_ =	shalt  }
0x53: {  	_ =	shalt  }
0x54: {  	_ =	shalt  }
0x55: {  	_ =	shalt  }
0x56: {  	_ =	shalt  }
0x57: {  	_ =	shalt  }
0x58: {  	_ =	shalt  }
0x59: {  	_ =	shalt  }
0x5a: {  	_ =	shalt  }
0x5b: {  	_ =	shalt  }
0x5c: {  	_ =	shalt  }
0x5d: {  	_ =	shalt  }
0x5e: {  	_ =	shalt  }
0x5f: {  	_ =	shalt  }
0x60: {  	_ =	shalt  }
0x61: {  	_ =	shalt  }
0x62: {  	_ =	shalt  }
0x63: {  	_ =	shalt  }
0x64: {  	_ =	shalt  }
0x65: {  	_ =	shalt  }
0x66: {  	_ =	shalt  }
0x67: {  	_ =	shalt  }
0x68: {  	_ =	shalt  }
0x69: {  	_ =	shalt  }
0x6a: {  	_ =	shalt  }
0x6b: {  	_ =	shalt  }
0x6c: {  	_ =	shalt  }
0x6d: {  	_ =	shalt  }
0x6e: {  	_ =	shalt  }
0x6f: {  	_ =	shalt  }
0x70: {  	_ =	shalt  }
0x71: {  	_ =	shalt  }
0x72: {  	_ =	shalt  }
0x73: {  	_ =	shalt  }
0x74: {  	_ =	shalt  }
0x75: {  	_ =	shalt  }
0x76: {  	_ =	shalt  }
0x77: {  	_ =	shalt  }
0x78: {  	_ =	shalt  }
0x79: {  	_ =	shalt  }
0x7a: {  	_ =	shalt  }
0x7b: {  	_ =	shalt  }
0x7c: {  	_ =	shalt  }
0x7d: {  	_ =	shalt  }
0x7e: {  	_ =	shalt  }
0x7f: {  	_ =	shalt  }
0x80: {  	_ =	shalt  }
0x81: {  	_ =	shalt  }
0x82: {  	_ =	shalt  }
0x83: {  	_ =	shalt  }
0x84: {  	_ =	shalt  }
0x85: {  	_ =	shalt  }
0x86: {  	_ =	shalt  }
0x87: {  	_ =	shalt  }
.Lfunc_end0:
.L_simem_size_0:
called_computation.3_lowered:
.L_overlay_start_0:
0x88: {  	s2 =	sld [smem:$0x3FD9]  }
0x89: {  	s3 =	sld [smem:$0x3FFE];
	_ =	sdelay $0x1  }
0x8a: {  	s1 =	srdreg.scid  }
0x8b: {  	s0 =	sand.u32 $0x1, s1  }
0x8c: {  	s16 =	sshll.u32 s0, $0xA;
	s2 =	sadd.s32 s3, s2  }
0x8d: {  	s2 =	sadd.s32 s2, s16  }
0x8e: {  	[smem:$0x3FBF] =	sst s2  }
0x8f: {  	_ = 	snop  }
0x90: {  	(tm) =	ssettm $0x1  }
0x91: {  	s17 =	sld [smem:$0x3FFB];
	_ =	sdelay $0x3  }
0x92: {  	_ =	strace s17  }
0x93: {  	s2 =	sld [smem:$0x3FFC];
	_ =	sdelay $0x3  }
0x94: {  	_ =	strace s2  }
0x95: {  	s2 =	sld [smem:$0x3FFD];
	_ =	sdelay $0x3  }
0x96: {  	_ =	strace s2  }
0x97: {  	_ =	strace $0x8FFFFFFF  }
0x98: {  	s18 =	sld [smem:$0x3FDB];
	_ =	sdelay $0x1  }
0x99: {  	s19 =	simm.s32 $_scs_section_size  }
0x9a: {  	s4 =	simm.s32 $_size__tile_overlayer_lowered;
	s5 =	simm.s32 $_tile_overlayer_lowered  }
0x9b: {  	s22 =	simm.s32 $0x1BFF;
	s21 =	sshll.u32 s5, $0x1;
	s2 =	sadd.s32 s19, s18  }
0x9c: {  	s6 =	simm.s32 $0x0;
	s20 =	sshll.u32 s4, $0x1;
	s4 =	sadd.s32 s21, s2  }
0x9d: {  	[timem:s6], [sflag:s22] =	dma.local [hbm:s4], s20  }
0x9e: {  	_ =	swait.ge [sflag:s22], s20  }
0x9f: {  	s3 =	ssub.s32 $0x0, s20;
	[sflag:s22] =	ssyncset.done $0x0  }
0xa0: {  	[sflag:s22] =	ssyncadd.s32 s3;
	_ =	sdelay $0x1  }
0xa1: {  	s23 =	simm.s32 $0x1B8B  }
0xa2: {  	_ =	swait.ge [sflag:s23], $0x1  }
0xa3: {  	[sflag:s23] =	ssyncset.done $0x0  }
0xa4: {  	s25 =	simm.s32 $0x1B8E;
	s24 =	sld [smem:$0x3FFE];
	[sflag:s23] =	ssyncadd.s32 $0xFFFFFFFF  }
0xa5: {  	s26 =	simm.s32 $execute0_lowered;
	[smem:$0x3FD2] =	sst s25  }
0xa6: {  	s4 =	sshll.u32 s26, $0x1;
	_ =	strace $0x8000004F;
	[dreg:$0x1] =	wrdreg $0xFFFFFFFF  }
0xa7: {  	s28 =	simm.s32 $_size_execute0_lowered;
	s2 =	sadd.s32 s2, s4;
	[dreg:$0x0] =	wrdreg $0x0  }
0xa8: {  	s4 =	sshll.u32 s28, $0x1;
	[dreg:$0x2] =	wrdreg s2  }
0xa9: {  	[dreg:$0x3] =	wrdreg s4  }
0xaa: {  	[dreg:$0x4] =	wrdreg $0xC0  }
0xab: {  	_ =	task [dreg:s6], $0x5FFFF  }
0xac: {  	[dreg:$0x1] =	wrdreg $0xFFFFFFFF  }
0xad: {  	[dreg:$0x0] =	wrdreg $0x60  }
0xae: {  	[dreg:$0x2] =	wrdreg s24  }
0xaf: {  	[dreg:$0x3] =	wrdreg $0xC7000  }
0xb0: {  	[dreg:$0x4] =	wrdreg $0x9  }
0xb1: {  	_ =	task.clear_ibuf [dreg:s6], $0x5FFFF;
	_ =	strace $0x9000004F  }
0xb2: {  	s29 =	simm.s32 $0x9;
	_ =	strace $0x80000051  }
0xb3: {  	_ =	swait.ge [sflag:s29], $0x1  }
0xb4: {  	[sflag:s29] =	ssyncadd.s32 $0xFFFFFFFF  }
0xb5: {  	_ =	strace $0x90000051  }
0xb6: {  	_ =	sfence  }
0xb7: {  	s30 =	sld [smem:$0x0];
	_ =	sdelay $0x2  }
0xb8: {  	s31 =	sshll.u32 s1, $0xD;
	s1 =	sshrl.u32 s1, $0x2  }
0xb9: {  	s3 =	sand.u32 $0x4000, s31;
	s1 =	sadd.s32 s1, s30  }
0xba: {  	s0 =	sor.u32 s3, s0;
	s1 =	sshll.u32 s1, $0x11  }
0xbb: {  	s0 =	sor.u32 s1, s0  }
0xbc: {  	s0 =	sadd.s32 $0x8F2B, s0  }
0xbd: {  	[sflag:s0] =	ssyncadd.remote.s32 $0x1  }
0xbe: {  	_ =	sfence.sel $0xFFFF  }
0xbf: {  	[dreg:$0x0] =	wrdreg $0xFFFFFFFF;
	(pc) =	sbr.abs _section_cstart, $3  }
0xc0: {  	[dreg:$0x1] =	wrdreg $0xFFFFFFFF  }
0xc1: {  	_ =	task.clear_ibuf [dreg:s6], $0x2FFFF;
	_ =	strace $0x9FFFFFFF  }
0xc2: {  	(tm) =	ssettm $0x7FFFFFFF  }
0xc3: {  	_ =	shalt  }
tec
execute0_lowered:
.L_overlay_start_1:
0x0: {  	(tag) =	ssettag $0x1  }
0x1: {  	s8 =	rddreg [dreg:$0x0]  }
0x2: {  	s0 =	srdreg.scid;
	s2 =	rddreg [dreg:$0x1]  }
0x3: {  	s1 =	stileid.u32;
	s3 =	simm.s32 $0x0;
	s16 =	simm.s32 $0x4  }
0x4: {  	s19 =	simm.s32 $0x50;
	s20 =	simm.s32 $0x4F00;
	s21 =	simm.s32 $0x7700  }
0x5: {  	s22 =	simm.s32 $0x1;
	s23 =	simm.s32 $0x9F00;
	s28 =	simm.s32 $0x3  }
0x6: {  	s29 =	simm.s32 $0x4DF0;
	s30 =	simm.s32 $0x4E40;
	s6 =	smul.u32 $0x4E000, s1  }
0x7: {  	s31 =	simm.s32 $0x0;
	s0 =	sand.u32 $0x1, s0;
	s11 =	smul.u32 $0x2700, s1  }
0x8: {  	[smem:$0x7FF] =	sst s3;
	s12 =	sadd.s32 $0x65E00, s8;
	s26 =	smul.u32 $0x14000, s1  }
0x9: {  	s25 =	sshll.u32 s1, $0x6;
	s17 =	sadd.s32 $0x138000, s2;
	s13 =	smul.u32 $0x50000, s1  }
0xa: {  	s24 =	sadd.s32 $0x12C000, s2;
	p0 =	sne.s32 s1, $0xF;
	p1 =	seq.s32 s1, $0xF  }
0xb: {  	s4 =	sshll.u32 s0, $0x4;
	_ =	strace $0x80000050;
	s7 =	ssub.s32 $0x2, s0  }
0xc: {  	s0 =	smul.u32 $0x140000, s0;
	s17 =	sshrl.u32 @!p0 s17, $0x3;
	s24 =	sshrl.u32 @p1 s24, $0x3  }
0xd: {  	s4 =	sor.u32 s1, s4;
	s9 =	sshrl.u32 s7, $0x1;
	s6 =	sshrl.u32 s6, $0x2  }
0xe: {  	s13 =	sshrl.u32 s13, $0x2;
	s5 =	smul.u32 $0x4E2, s4;
	s4 =	sadd.s32 $0x16C00, s8  }
0xf: {  	s14 =	ssub.s32 s7, s9;
	s15 =	sadd.s32 s6, s2;
	s7 =	sor.u32 $0x1C04, s25  }
0x10: {  	s25 =	sadd.s32 s13, s2;
	s14 =	smax.u32 s14, $0x1;
	s15 =	sshrl.u32 s15, $0x3  }
0x11: {  	s25 =	sshrl.u32 @!p1 s25, $0x3;
	s10 =	sadd.s32 s5, s8;
	s5 =	sadd.s32 $0x3EC00, s8  }
0x12: {  	s8 =	sadd.s32 $0x65C00, s8;
	s6 =	sadd.s32 s5, s11;
	s9 =	sadd.s32 $0x3000, s10  }
0x13: {  	s10 =	sadd.s32 $0xCE00, s10;
	s11 =	sadd.s32 s26, s0;
	s0 =	sshrl.u32 s0, $0x3  }
0x14: {  	s26 =	simm.s32 $0x2;
	s11 =	sshrl.u32 s11, $0x3;
	s0 =	sadd.s32 s12, s0  }
0x15: {  	s11 =	sadd.s32 s12, s11;
	s12 =	sadd.s32 $0x25800, s0;
	s13 =	sadd.s32 $0x27100, s0  }
.LBB2_1:
0x16: {  	[spmem:s15], [sflag:s7] =	dma.local [hbm:s6], $0x2700  }
0x17: {  	_ =	swait.ge [sflag:s16], $0x2700  }
0x18: {  	[sflag:s16] =	ssyncset.done $0x0  }
0x19: {  	s0 =	simm.s32 @!p0 $0x4;
	[sflag:s16] =	ssyncadd.s32 $0xFFFFD900  }
0x1a: {  	[spmem:s17], [sflag:s7] =	dma.local @!p0 [hbm:s8], $0x100  }
0x1b: {  	_ =	swait.ge @!p0 [sflag:s0], $0x100  }
0x1c: {  	[sflag:s0] =	ssyncset.done @!p0 $0x0  }
0x1d: {  	[sflag:s0] =	ssyncadd.s32 @!p0 $0xFFFFFF00  }
0x1e: {  	[tilespmem:s3], [sflag:$0x4] =	stream.linear.gather [hbm4b:s9+s3], $0x2710, $0x38;
	[tilespmem:$0x1FF80] =	vst v63  }
0x1f: {  	_ =	swait.ge [sflag:s16], $0x2710  }
0x20: {  	[sflag:s16] =	ssyncset.done $0x0  }
0x21: {  	s18 =	simm.s32 $0x2780;
	[sflag:s16] =	ssyncadd.s32 $0xFFFFD8F0  }
0x22: {  	[tilespmem:s18], [sflag:$0x4] =	stream.linear.gather [hbm4b:s10+s3], $0x2710, $0x38;
	[tilespmem:$0x1FF80] =	vst v63  }
0x23: {  	_ =	swait.ge [sflag:s16], $0x2710  }
0x24: {  	[sflag:s16] =	ssyncset.done $0x0  }
0x25: {  	[sflag:s16] =	ssyncadd.s32 $0xFFFFD8F0  }
0x26: {  	[bflag:$0x0] =	sbarrier.arrive $0xFFFF  }
0x27: {  	[tilespmem:s20], [sflag:$0x1] =	stream.indirect.gather [hbm4b:s4+s19], $0x80, s3, s19, $0xb8;
	[tilespmem:$0x1FF80] =	vst v63  }
0x28: {  	_ = 	snop  }
0x29: {  	[tilespmem:s21], [sflag:$0x2] =	stream.indirect.gather [hbm4b:s4+s19], $0x80, s19, s19, $0xb8;
	[tilespmem:$0x1FF80] =	vst v63  }
0x2a: {  	_ =	swait.ge [sflag:s22], $0x2800  }
0x2b: {  	[sflag:s22] =	ssyncset.done $0x0  }
0x2c: {  	s1 =	simm.s32 $0xA0;
	[sflag:s22] =	ssyncadd.s32 $0xFFFFD800  }
0x2d: {  	[tilespmem:s23], [sflag:$0x3] =	stream.indirect.gather [hbm4b:s4+s19], $0x80, s1, s19, $0xb8;
	[tilespmem:$0x1FF80] =	vst v63  }
0x2e: {  	s18 =	simm.s32 $0x2780  }
0x2f: {  	[spmem:s2] =	stream.indirect.scatter.add.f32 [tilespmem:s20], [sflag:$0x4], $0x80, s18, s19, $0xb8;
	[tilespmem:$0x1FF80] =	vst v63  }
0x30: {  	_ =	swait.ge [sflag:s16], $0x2800  }
0x31: {  	[sflag:s16] =	ssyncset.done $0x0  }
0x32: {  	[sflag:s16] =	ssyncadd.s32 $0xFFFFD800  }
0x33: {  	_ =	swait.ge [sflag:s26], $0x2800  }
0x34: {  	[sflag:s26] =	ssyncset.done $0x0  }
0x35: {  	s1 =	simm.s32 $0xF0;
	[sflag:s26] =	ssyncadd.s32 $0xFFFFD800  }
0x36: {  	[tilespmem:s20], [sflag:$0x1] =	stream.indirect.gather [hbm4b:s4+s19], $0x80, s1, s19, $0xb8;
	[tilespmem:$0x1FF80] =	vst v63  }
0x37: {  	s18 =	simm.s32 $0x27D0  }
0x38: {  	[spmem:s2] =	stream.indirect.scatter.add.f32 [tilespmem:s21], [sflag:$0x4], $0x80, s18, s19, $0xb8;
	[tilespmem:$0x1FF80] =	vst v63  }
0x39: {  	_ =	swait.ge [sflag:s16], $0x2800  }
0x3a: {  	[sflag:s16] =	ssyncset.done $0x0  }
0x3b: {  	[sflag:s16] =	ssyncadd.s32 $0xFFFFD800  }
0x3c: {  	_ =	swait.ge [sflag:s28], $0x2800  }
0x3d: {  	[sflag:s28] =	ssyncset.done $0x0  }
0x3e: {  	s1 =	simm.s32 $0x140;
	[sflag:s28] =	ssyncadd.s32 $0xFFFFD800  }
0x3f: {  	[tilespmem:s21], [sflag:$0x2] =	stream.indirect.gather [hbm4b:s4+s19], $0x80, s1, s19, $0xb8;
	[tilespmem:$0x1FF80] =	vst v63  }
0x40: {  	s18 =	simm.s32 $0x2820  }
0x41: {  	[spmem:s2] =	stream.indirect.scatter.add.f32 [tilespmem:s23], [sflag:$0x4], $0x80, s18, s19, $0xb8;
	[tilespmem:$0x1FF80] =	vst v63  }
0x42: {  	_ =	swait.ge [sflag:s16], $0x2800  }
0x43: {  	s0 =	simm.s32 $0x3C0;
	[sflag:s16] =	ssyncset.done $0x0  }
.LBB2_2:
0x44: {  	p2 =	sne.s32 s0, $0x9600  }
0x45: {  	[sflag:s16] =	ssyncadd.s32 $0xFFFFD800;
	s1 =	smov.u32 s0;
	s0 =	sadd.s32 $0x3C0, s0  }
0x46: {  	_ = 	snop  }
0x47: {  	_ =	swait.ge [sflag:s22], $0x2800  }
0x48: {  	s1 =	sshra.s32 s1, $0x2;
	[sflag:s22] =	ssyncset.done $0x0  }
0x49: {  	s18 =	sadd.s32 $0xA0, s1;
	[sflag:s22] =	ssyncadd.s32 $0xFFFFD800  }
0x4a: {  	[tilespmem:s23], [sflag:$0x3] =	stream.indirect.gather [hbm4b:s4+s19], $0x80, s18, s19, $0xb8;
	[tilespmem:$0x1FF80] =	vst v63  }
0x4b: {  	s18 =	sadd.s32 $0x2780, s1  }
0x4c: {  	[spmem:s2] =	stream.indirect.scatter.add.f32 [tilespmem:s20], [sflag:$0x4], $0x80, s18, s19, $0xb8;
	[tilespmem:$0x1FF80] =	vst v63  }
0x4d: {  	_ =	swait.ge [sflag:s16], $0x2800  }
0x4e: {  	[sflag:s16] =	ssyncset.done $0x0  }
0x4f: {  	[sflag:s16] =	ssyncadd.s32 $0xFFFFD800  }
0x50: {  	_ =	swait.ge [sflag:s26], $0x2800  }
0x51: {  	[sflag:s26] =	ssyncset.done $0x0  }
0x52: {  	s18 =	sadd.s32 $0xF0, s1;
	[sflag:s26] =	ssyncadd.s32 $0xFFFFD800  }
0x53: {  	[tilespmem:s20], [sflag:$0x1] =	stream.indirect.gather [hbm4b:s4+s19], $0x80, s18, s19, $0xb8;
	[tilespmem:$0x1FF80] =	vst v63  }
0x54: {  	s18 =	sadd.s32 $0x27D0, s1  }
0x55: {  	[spmem:s2] =	stream.indirect.scatter.add.f32 [tilespmem:s21], [sflag:$0x4], $0x80, s18, s19, $0xb8;
	[tilespmem:$0x1FF80] =	vst v63  }
0x56: {  	_ =	swait.ge [sflag:s16], $0x2800  }
0x57: {  	[sflag:s16] =	ssyncset.done $0x0  }
0x58: {  	[sflag:s16] =	ssyncadd.s32 $0xFFFFD800  }
0x59: {  	_ =	swait.ge [sflag:s28], $0x2800  }
0x5a: {  	[sflag:s28] =	ssyncset.done $0x0  }
0x5b: {  	s18 =	sadd.s32 $0x140, s1;
	[sflag:s28] =	ssyncadd.s32 $0xFFFFD800  }
0x5c: {  	[tilespmem:s21], [sflag:$0x2] =	stream.indirect.gather [hbm4b:s4+s19], $0x80, s18, s19, $0xb8;
	[tilespmem:$0x1FF80] =	vst v63  }
.Ltmp0:
0x5d: {  	_ = 	snop;
	(pc) =	sbr.rel @p2 .LBB2_2-.Ltmp0, $4  }
0x5e: {  	s1 =	sadd.s32 $0x2820, s1  }
0x5f: {  	[spmem:s2] =	stream.indirect.scatter.add.f32 [tilespmem:s23], [sflag:$0x4], $0x80, s1, s19, $0xb8;
	[tilespmem:$0x1FF80] =	vst v63  }
0x60: {  	_ =	swait.ge [sflag:s16], $0x2800  }
0x61: {  	[sflag:s16] =	ssyncset.done $0x0  }
0x62: {  	[sflag:s16] =	ssyncadd.s32 $0xFFFFD800  }
0x63: {  	_ =	swait.ge [sflag:s22], $0x2800  }
0x64: {  	[sflag:s22] =	ssyncset.done $0x0  }
0x65: {  	[sflag:s22] =	ssyncadd.s32 $0xFFFFD800  }
0x66: {  	[spmem:s2] =	stream.indirect.scatter.add.f32 [tilespmem:s20], [sflag:$0x4], $0x80, s29, s19, $0xb8;
	[tilespmem:$0x1FF80] =	vst v63  }
0x67: {  	_ =	swait.ge [sflag:s16], $0x2800  }
0x68: {  	[sflag:s16] =	ssyncset.done $0x0  }
0x69: {  	[sflag:s16] =	ssyncadd.s32 $0xFFFFD800  }
0x6a: {  	_ =	swait.ge [sflag:s26], $0x2800  }
0x6b: {  	[sflag:s26] =	ssyncset.done $0x0  }
0x6c: {  	[sflag:s26] =	ssyncadd.s32 $0xFFFFD800  }
0x6d: {  	[spmem:s2] =	stream.indirect.scatter.add.f32 [tilespmem:s21], [sflag:$0x4], $0x80, s30, s19, $0xb8;
	[tilespmem:$0x1FF80] =	vst v63  }
0x6e: {  	_ =	swait.ge [sflag:s16], $0x2800  }
0x6f: {  	[sflag:s16] =	ssyncset.done $0x0  }
0x70: {  	[sflag:s16] =	ssyncadd.s32 $0xFFFFD800  }
0x71: {  	s0 =	simm.s32 @p1 $0x4;
	[bflag:$0x0] =	sbarrier.arrive $0xFFFF  }
0x72: {  	[hbm:s12], [sflag:s7] =	dma.local @p1 [spmem:s24], $0x1900  }
0x73: {  	_ =	swait.ge @p1 [sflag:s0], $0x1900  }
0x74: {  	[sflag:s0] =	ssyncset.done @p1 $0x0  }
0x75: {  	[sflag:s0] =	ssyncadd.s32 @p1 $0xFFFFE700  }
0x76: {  	[hbm:s13], [sflag:s7] =	dma.local @p1 [hbm:s5], $0xF00  }
0x77: {  	s31 =	sadd.s32 $0x1, s31;
	_ =	swait.ge @p1 [sflag:s0], $0xF00  }
0x78: {  	p2 =	sne.s32 s31, s14;
	[sflag:s0] =	ssyncset.done @p1 $0x0  }
.Ltmp1:
0x79: {  	[sflag:s0] =	ssyncadd.s32 @p1 $0xFFFFF100;
	s0 =	simm.s32 @!p1 $0x4;
	(pc) =	sbr.rel @p2 .LBB2_1-.Ltmp1, $4  }
0x7a: {  	[hbm:s11], [sflag:s7] =	dma.local @!p1 [spmem:s25], $0x2800  }
0x7b: {  	_ =	swait.ge @!p1 [sflag:s0], $0x2800  }
0x7c: {  	[sflag:s0] =	ssyncset.done @!p1 $0x0  }
0x7d: {  	[sflag:s0] =	ssyncadd.s32 @!p1 $0xFFFFD800  }
0x7e: {  	_ =	sfence.sel $0x180000  }
0x7f: {  	[bflag:$0x0] =	sbarrier.arrive $0xFFFF  }
0x80: {  	_ =	strace $0x90000050  }
0x81: {  	s0 =	stileid.u32;
	[bflag:$0x2] =	sbarrier.arrive $0xFFFF  }
0x82: {  	p0 =	sne.s32 s0, $0x0;
	s0 =	rddreg [dreg:$0x2]  }
0x83: {  	s0 =	sadd.s32 @!p0 $0x100000, s0  }
0x84: {  	[sflag:s0] =	ssyncadd.tile.s32 @!p0 $0x1;
	_ =	shalt  }
.Lfunc_end2:
_tile_overlayer_lowered:
.L_overlay_start_2:
0x85: {  	(tag) =	ssettag $0x2  }
0x86: {  	s0 =	rddreg [dreg:$0x0];
	s2 =	stileid.u32  }
0x87: {  	s1 =	rddreg [dreg:$0x1];
	p0 =	sne.s32 s2, $0x0  }
0x88: {  	s3 =	rddreg [dreg:$0x2];
	[bflag:$0x3] =	sbarrier.arrive $0xFFFF;
	s2 =	simm.s32 @!p0 $0x1C04  }
0x89: {  	[timem:s3], [sflag:s2] =	dma.local @!p0 [hbm:s0], s1  }
0x8a: {  	s0 =	simm.s32 @!p0 $0x4  }
0x8b: {  	_ =	swait.ge @!p0 [sflag:s0], s1  }
0x8c: {  	s1 =	ssub.s32 @!p0 $0x0, s1;
	[sflag:s0] =	ssyncset.done @!p0 $0x0  }
0x8d: {  	[sflag:s0] =	ssyncadd.s32 @!p0 s1  }
0x8e: {  	[bflag:$0x3] =	sbarrier.arrive $0xFFFF  }
0x8f: {  	_ =	shalt  }

</sc_bundles>
